<compile_context>
chip_gen: v7x
topology: tpu7x:2x2x1
jax: 0.10.2.dev20260603
libtpu: 0.0.44.dev20260713+nightly
codegen_flags: <defaults>
</compile_context>

<pallas_src>
import functools

import jax
import jax.numpy as jnp
from jax import lax
from jax.experimental import pallas as pl
from jax.experimental.pallas import tpu as pltpu
from jax.experimental.pallas import tpu_sc as plsc

B, L = 4096, 200
V, FEA, K = 1000000, 64, 128
H = 1 << 19

NC, NS = 2, 16
NW = NC * NS
BPW = B // NW
BPC = B // NC
TRASH = 2 * BPC
NCH = 13
COLS = tuple(min(16 * j, L - 16) for j in range(NCH))


def _sc_pool(log, mask, emb_pairs):
    mesh = plsc.VectorSubcoreMesh(core_axis_name="c", subcore_axis_name="s")

    @functools.partial(
        pl.kernel,
        out_type=jax.ShapeDtypeStruct((2 * B, 2 * FEA), jnp.float32),
        mesh=mesh,
        scratch_types=[
            pltpu.VMEM((BPW, L), jnp.int32),
            pltpu.VMEM((BPW,), jnp.int32),
            pltpu.VMEM_SHARED((2 * BPC + NS, 2 * FEA), jnp.float32),
        ]
        + [pltpu.VMEM((16, 2 * FEA), jnp.float32) for _ in range(2 * NCH)]
        + [pltpu.SemaphoreType.DMA for _ in range(4)],
    )
    def k(table_h, log_h, mask_h, out_h, log_v, mask_v, acc, *rest):
        bufs = rest[:2 * NCH]
        sem_g = rest[2 * NCH:2 * NCH + 2]
        sem_s = rest[2 * NCH + 2:]
        c = lax.axis_index("c")
        s = lax.axis_index("s")
        gbase = c * BPC + s * BPW
        dbase = 2 * s * BPW

        pltpu.sync_copy(log_h.at[pl.ds(gbase, BPW), :], log_v)
        pltpu.sync_copy(mask_h.at[pl.ds(gbase, BPW)], mask_v)

        def zrow(r, carry):
            for j in range(2 * FEA // 16):
                bufs[0][r, pl.ds(j * 16, 16)] = jnp.zeros((16,), jnp.float32)
            return carry
        lax.fori_loop(0, 16, zrow, 0)

        def zcopy(kk, carry):
            pltpu.sync_copy(bufs[0], acc.at[pl.ds(dbase + 16 * kk, 16), :])
            return carry
        lax.fori_loop(0, 2 * BPW // 16, zcopy, 0)

        iota = lax.iota(jnp.int32, 16)
        trash_vec = jnp.full((16,), TRASH, jnp.int32) + s

        def issue_g(r, ss):
            for j in range(NCH):
                ivec = log_v[r, pl.ds(COLS[j], 16)]
                pltpu.async_copy(table_h.at[ivec & (H - 1)],
                                 bufs[NCH * ss + j], sem_g[ss])

        def drain_g(ss):
            for j in range(NCH):
                pltpu.make_async_copy(table_h.at[iota],
                                      bufs[NCH * ss + j], sem_g[ss]).wait()

        def issue_s(r, ss):
            mvec = mask_v[pl.ds((r >> 4) << 4, 16)]
            lens = mvec.at[jnp.full((16,), r & 15, jnp.int32)].get(
                mode="promise_in_bounds")
            drow = jnp.full((16,), dbase + 2 * r, jnp.int32)
            for j in range(NCH):
                ivec = log_v[r, pl.ds(COLS[j], 16)]
                valid = (iota + COLS[j]) < lens
                if COLS[j] != 16 * j:
                    valid = valid & (iota >= (16 * j - COLS[j]))
                dval = jnp.where(valid, drow + (ivec >> 19), trash_vec)
                pltpu.async_copy(bufs[NCH * ss + j], acc.at[dval],
                                 sem_s[ss], add=True)

        def drain_s(ss):
            for j in range(NCH):
                pltpu.make_async_copy(bufs[NCH * ss + j],
                                      acc.at[iota], sem_s[ss]).wait()

        issue_g(0, 0)

        def blk(rb2, carry):
            rb = rb2 * 2
            for p in (0, 1):
                r = rb + p

                @pl.when(r > 0)
                def _():
                    drain_s(1 - p)

                @pl.when(r + 1 < BPW)
                def _():
                    issue_g(r + 1, 1 - p)

                drain_g(p)
                issue_s(r, p)
            return carry
        lax.fori_loop(0, BPW // 2, blk, 0)
        drain_s((BPW - 1) & 1)

        pltpu.sync_copy(acc.at[pl.ds(dbase, 2 * BPW), :],
                        out_h.at[pl.ds(2 * gbase, 2 * BPW), :])

    return k(emb_pairs, log, mask)


def _tc_pairs(tt):
    CB = 4096
    G = H // CB

    def body(lo_ref, hi_ref, o_ref):
        ylo = jnp.transpose(lo_ref[...])
        yhi = jnp.transpose(hi_ref[...])
        o_ref[...] = jnp.concatenate([ylo, yhi], axis=1)

    return pl.pallas_call(
        body,
        grid=(G,),
        in_specs=[
            pl.BlockSpec((FEA, CB), lambda j: (0, j)),
            pl.BlockSpec((FEA, CB), lambda j: (0, jnp.minimum(j + G, V // CB))),
        ],
        out_specs=pl.BlockSpec((CB, 2 * FEA), lambda j: (j, 0)),
        out_shape=jax.ShapeDtypeStruct((H, 2 * FEA), jnp.float32),
    )(tt, tt)


def _tc_project(pooled2, mask, W, b):
    BLK = 256

    def body(p_ref, m_ref, w_ref, b_ref, o_ref):
        even = p_ref[:, 0, :FEA]
        odd = p_ref[:, 1, FEA:]
        x = even + odd
        lens = m_ref[...].astype(jnp.float32)
        x = x / lens
        o_ref[...] = (
            jnp.dot(x, w_ref[...], preferred_element_type=jnp.float32) + b_ref[...]
        )

    return pl.pallas_call(
        body,
        grid=(B // BLK,),
        in_specs=[
            pl.BlockSpec((BLK, 2, 2 * FEA), lambda i: (i, 0, 0)),
            pl.BlockSpec((BLK, 1), lambda i: (i, 0)),
            pl.BlockSpec((FEA, K), lambda i: (0, 0)),
            pl.BlockSpec((1, K), lambda i: (0, 0)),
        ],
        out_specs=pl.BlockSpec((BLK, K), lambda i: (i, 0)),
        out_shape=jax.ShapeDtypeStruct((B, K), jnp.float32),
    )(pooled2, mask.reshape(B, 1), W, b.reshape(1, K))


def kernel(log, mask, emb_table, W, b):
    log = log.astype(jnp.int32)
    mask = mask.astype(jnp.int32)
    emb_pairs = _tc_pairs(jnp.transpose(emb_table))
    pooled = _sc_pool(log, mask, emb_pairs)
    pooled2 = pooled.reshape(B, 2, 2 * FEA)
    return _tc_project(pooled2, mask, W, b)

# --- scband reference (transcript-rebuilt; emitter-appended) ---
"""Pipeline reference for scband-dtn-9242769622070 (READ-ONLY COPY).

The authoritative reference and input builder live on the scoring server;
editing this copy changes nothing except your own understanding.
"""

import jax, jax.numpy as jnp
import numpy as np

B, L = 4096, 200
V, FEA, K = 1000000, 64, 128


def setup_inputs(seed: int = 0) -> dict:
    key = jax.random.key(seed)
    k1, k2, k3, k4 = jax.random.split(key, 4)
    log = jax.random.randint(k1, (B, L), 0, V)
    # sequence lengths in [1, L] to avoid divide-by-zero (module divides by length)
    mask = jax.random.randint(k2, (B,), 1, L + 1).astype(jnp.int32)
    emb_table = jax.random.normal(k3, (V, FEA), dtype=jnp.float32)
    W = jax.random.normal(k4, (FEA, K), dtype=jnp.float32) * 0.05
    b = jnp.zeros((K,), dtype=jnp.float32)
    return {"log": log, "mask": mask, "emb_table": emb_table, "W": W, "b": b}


def reference(log, mask, emb_table, W, b):
    # emb = self.emb(log): embedding gather
    emb = jnp.take(emb_table, log, axis=0)              # [B, L, FEA]
    # fea = self.feature_net(emb): Linear(FEA -> K)
    fea = emb @ W + b                                    # [B, L, K]
    # mask_sequence: zero out positions >= length
    seq_mask = (jnp.arange(L)[None, :] < mask[:, None]).astype(fea.dtype)  # [B, L]
    mask_data = fea * seq_mask[:, :, None]               # [B, L, K]
    # torch.sum(mask_data.permute(0, 2, 1), dim=-1) == sum over seq dim
    rs = jnp.sum(mask_data, axis=1)                      # [B, K]
    # divide by sequence length (broadcast [B, 1] -> [B, K])
    lens = mask.astype(fea.dtype)[:, None]
    trait = rs / lens
    return trait

if __name__ == "__main__":
    import jax
    _d = setup_inputs()
    print(jax.jit(kernel)(*tuple(_d.values())))

</pallas_src>

<mosaic_0001>
#map = affine_map<(d0, d1) -> (0, 0)>
#map1 = affine_map<(d0, d1) -> (0)>
module attributes {stable_mosaic.version = 14 : i64} {
  func.func @k(%arg0: i32, %arg1: i32, %arg2: memref<524288x128xf32, #tpu.memory_space<hbm>>, %arg3: memref<4096x200xi32, #tpu.memory_space<hbm>>, %arg4: memref<4096xi32, #tpu.memory_space<hbm>>, %arg5: memref<8192x128xf32, #tpu.memory_space<hbm>>, %arg6: memref<128x200xi32, #tpu.memory_space<vmem>>, %arg7: memref<128xi32, #tpu.memory_space<vmem>>, %arg8: memref<4112x128xf32, #tpu.memory_space<vmem_shared>>, %arg9: memref<16x128xf32, #tpu.memory_space<vmem>>, %arg10: memref<16x128xf32, #tpu.memory_space<vmem>>, %arg11: memref<16x128xf32, #tpu.memory_space<vmem>>, %arg12: memref<16x128xf32, #tpu.memory_space<vmem>>, %arg13: memref<16x128xf32, #tpu.memory_space<vmem>>, %arg14: memref<16x128xf32, #tpu.memory_space<vmem>>, %arg15: memref<16x128xf32, #tpu.memory_space<vmem>>, %arg16: memref<16x128xf32, #tpu.memory_space<vmem>>, %arg17: memref<16x128xf32, #tpu.memory_space<vmem>>, %arg18: memref<16x128xf32, #tpu.memory_space<vmem>>, %arg19: memref<16x128xf32, #tpu.memory_space<vmem>>, %arg20: memref<16x128xf32, #tpu.memory_space<vmem>>, %arg21: memref<16x128xf32, #tpu.memory_space<vmem>>, %arg22: memref<16x128xf32, #tpu.memory_space<vmem>>, %arg23: memref<16x128xf32, #tpu.memory_space<vmem>>, %arg24: memref<16x128xf32, #tpu.memory_space<vmem>>, %arg25: memref<16x128xf32, #tpu.memory_space<vmem>>, %arg26: memref<16x128xf32, #tpu.memory_space<vmem>>, %arg27: memref<16x128xf32, #tpu.memory_space<vmem>>, %arg28: memref<16x128xf32, #tpu.memory_space<vmem>>, %arg29: memref<16x128xf32, #tpu.memory_space<vmem>>, %arg30: memref<16x128xf32, #tpu.memory_space<vmem>>, %arg31: memref<16x128xf32, #tpu.memory_space<vmem>>, %arg32: memref<16x128xf32, #tpu.memory_space<vmem>>, %arg33: memref<16x128xf32, #tpu.memory_space<vmem>>, %arg34: memref<16x128xf32, #tpu.memory_space<vmem>>, %arg35: memref<!tpu.dma_semaphore, #tpu.memory_space<semaphore_mem>>, %arg36: memref<!tpu.dma_semaphore, #tpu.memory_space<semaphore_mem>>, %arg37: memref<!tpu.dma_semaphore, #tpu.memory_space<semaphore_mem>>, %arg38: memref<!tpu.dma_semaphore, #tpu.memory_space<semaphore_mem>>) attributes {dimension_semantics = [#tpu.dimension_semantics<core_parallel>, #tpu.dimension_semantics<subcore_parallel>], iteration_bounds = array<i64: 2, 16>, scalar_prefetch = 0 : i64, scratch_operands = 33 : i64, tpu.core_type = #tpu.core_type<sc_vector_subcore>, window_params = [{transform_indices = #map}, {transform_indices = #map}, {transform_indices = #map1}, {transform_indices = #map}]} {
    %mul3A = arith.constant 2048 : i32
    %mul3A_0 = arith.muli %arg0, %mul3A : i32
    %mul3A_1 = arith.constant 128 : i32
    %mul3A_2 = arith.muli %arg1, %mul3A_1 : i32
    %add3A = arith.addi %mul3A_0, %mul3A_2 : i32
    %mul3A_3 = arith.constant 2 : i32
    %mul3A_4 = arith.muli %mul3A_3, %arg1 : i32
    %mul3A_5 = arith.constant 128 : i32
    %mul3A_6 = arith.muli %mul3A_4, %mul3A_5 : i32
    "tpu.region"() ({
      %run_scoped3A = tpu.sem_alloc : memref<!tpu.dma_semaphore, #tpu.memory_space<semaphore_mem>>
      %dma_start3A_207 = arith.constant 0 : i32
      %dma_start3A_208 = tpu.memref_slice %arg3[%add3A, %dma_start3A_207] : memref<4096x200xi32, #tpu.memory_space<hbm>> -> memref<128x200xi32, #tpu.memory_space<hbm>>
      %dma_start3A_209 = arith.constant 0 : i32
      %dma_start3A_210 = tpu.memref_slice %arg3[%add3A, %dma_start3A_209] : memref<4096x200xi32, #tpu.memory_space<hbm>> -> memref<128x200xi32, #tpu.memory_space<hbm>>
      tpu.enqueue_dma source(%dma_start3A_210 : memref<128x200xi32, #tpu.memory_space<hbm>>) target(%arg6 : memref<128x200xi32, #tpu.memory_space<vmem>>) target_semaphore(%run_scoped3A : memref<!tpu.dma_semaphore, #tpu.memory_space<semaphore_mem>>)
      %dma_wait3A_211 = arith.constant 0 : i32
      %dma_wait3A_212 = tpu.memref_slice %arg3[%add3A, %dma_wait3A_211] : memref<4096x200xi32, #tpu.memory_space<hbm>> -> memref<128x200xi32, #tpu.memory_space<hbm>>
      %dma_wait3A_213 = arith.constant 0 : i32
      %dma_wait3A_214 = tpu.memref_slice %arg3[%add3A, %dma_wait3A_213] : memref<4096x200xi32, #tpu.memory_space<hbm>> -> memref<128x200xi32, #tpu.memory_space<hbm>>
      tpu.wait_dma2 semaphore(%run_scoped3A : memref<!tpu.dma_semaphore, #tpu.memory_space<semaphore_mem>>) src(%dma_wait3A_214 : memref<128x200xi32, #tpu.memory_space<hbm>>) dst(%arg6 : memref<128x200xi32, #tpu.memory_space<vmem>>)
      tpu.yield
    }) : () -> ()
    "tpu.region"() ({
      %run_scoped3A = tpu.sem_alloc : memref<!tpu.dma_semaphore, #tpu.memory_space<semaphore_mem>>
      %dma_start3A_207 = tpu.memref_slice %arg4[%add3A] : memref<4096xi32, #tpu.memory_space<hbm>> -> memref<128xi32, #tpu.memory_space<hbm>>
      %dma_start3A_208 = tpu.memref_slice %arg4[%add3A] : memref<4096xi32, #tpu.memory_space<hbm>> -> memref<128xi32, #tpu.memory_space<hbm>>
      tpu.enqueue_dma source(%dma_start3A_208 : memref<128xi32, #tpu.memory_space<hbm>>) target(%arg7 : memref<128xi32, #tpu.memory_space<vmem>>) target_semaphore(%run_scoped3A : memref<!tpu.dma_semaphore, #tpu.memory_space<semaphore_mem>>)
      %dma_wait3A_209 = tpu.memref_slice %arg4[%add3A] : memref<4096xi32, #tpu.memory_space<hbm>> -> memref<128xi32, #tpu.memory_space<hbm>>
      %dma_wait3A_210 = tpu.memref_slice %arg4[%add3A] : memref<4096xi32, #tpu.memory_space<hbm>> -> memref<128xi32, #tpu.memory_space<hbm>>
      tpu.wait_dma2 semaphore(%run_scoped3A : memref<!tpu.dma_semaphore, #tpu.memory_space<semaphore_mem>>) src(%dma_wait3A_210 : memref<128xi32, #tpu.memory_space<hbm>>) dst(%arg7 : memref<128xi32, #tpu.memory_space<vmem>>)
      tpu.yield
    }) : () -> ()
    %scan3A = arith.constant 0 : i32
    %scan3A_7 = arith.constant 0 : i32
    %scan3A_8 = arith.constant 16 : i32
    %scan3A_9 = arith.addi %scan3A_7, %scan3A_8 : i32
    %scan3A_10 = arith.constant 1 : i32
    scf.for %scan3A_207 = %scan3A_7 to %scan3A_9 step %scan3A_10  : i32 {
      %broadcast_in_dim3A_208 = arith.constant 0.000000e+00 : f32
      %broadcast_in_dim3A_209 = vector.broadcast %broadcast_in_dim3A_208 : f32 to vector<16xf32>
      %swap3A = arith.index_cast %scan3A_207 : i32 to index
      %swap3A_210 = arith.constant 0 : index
      %swap3A_211 = tpu.vector_load %arg9[%swap3A, %swap3A_210] {strides = array<i32>} : memref<16x128xf32, #tpu.memory_space<vmem>>, vector<1x16xf32>,
      %swap3A_212 = vector.shape_cast %swap3A_211 : vector<1x16xf32> to vector<16xf32>
      %swap3A_213 = vector.shape_cast %broadcast_in_dim3A_209 : vector<16xf32> to vector<1x16xf32>
      tpu.vector_store %arg9[%swap3A, %swap3A_210], %swap3A_213 {strides = array<i32>} : memref<16x128xf32, #tpu.memory_space<vmem>>, vector<1x16xf32>,
      %broadcast_in_dim3A_214 = arith.constant 0.000000e+00 : f32
      %broadcast_in_dim3A_215 = vector.broadcast %broadcast_in_dim3A_214 : f32 to vector<16xf32>
      %swap3A_216 = arith.index_cast %scan3A_207 : i32 to index
      %swap3A_217 = arith.constant 16 : index
      %swap3A_218 = tpu.vector_load %arg9[%swap3A_216, %swap3A_217] {strides = array<i32>} : memref<16x128xf32, #tpu.memory_space<vmem>>, vector<1x16xf32>,
      %swap3A_219 = vector.shape_cast %swap3A_218 : vector<1x16xf32> to vector<16xf32>
      %swap3A_220 = vector.shape_cast %broadcast_in_dim3A_215 : vector<16xf32> to vector<1x16xf32>
      tpu.vector_store %arg9[%swap3A_216, %swap3A_217], %swap3A_220 {strides = array<i32>} : memref<16x128xf32, #tpu.memory_space<vmem>>, vector<1x16xf32>,
      %broadcast_in_dim3A_221 = arith.constant 0.000000e+00 : f32
      %broadcast_in_dim3A_222 = vector.broadcast %broadcast_in_dim3A_221 : f32 to vector<16xf32>
      %swap3A_223 = arith.index_cast %scan3A_207 : i32 to index
      %swap3A_224 = arith.constant 32 : index
      %swap3A_225 = tpu.vector_load %arg9[%swap3A_223, %swap3A_224] {strides = array<i32>} : memref<16x128xf32, #tpu.memory_space<vmem>>, vector<1x16xf32>,
      %swap3A_226 = vector.shape_cast %swap3A_225 : vector<1x16xf32> to vector<16xf32>
      %swap3A_227 = vector.shape_cast %broadcast_in_dim3A_222 : vector<16xf32> to vector<1x16xf32>
      tpu.vector_store %arg9[%swap3A_223, %swap3A_224], %swap3A_227 {strides = array<i32>} : memref<16x128xf32, #tpu.memory_space<vmem>>, vector<1x16xf32>,
      %broadcast_in_dim3A_228 = arith.constant 0.000000e+00 : f32
      %broadcast_in_dim3A_229 = vector.broadcast %broadcast_in_dim3A_228 : f32 to vector<16xf32>
      %swap3A_230 = arith.index_cast %scan3A_207 : i32 to index
      %swap3A_231 = arith.constant 48 : index
      %swap3A_232 = tpu.vector_load %arg9[%swap3A_230, %swap3A_231] {strides = array<i32>} : memref<16x128xf32, #tpu.memory_space<vmem>>, vector<1x16xf32>,
      %swap3A_233 = vector.shape_cast %swap3A_232 : vector<1x16xf32> to vector<16xf32>
      %swap3A_234 = vector.shape_cast %broadcast_in_dim3A_229 : vector<16xf32> to vector<1x16xf32>
      tpu.vector_store %arg9[%swap3A_230, %swap3A_231], %swap3A_234 {strides = array<i32>} : memref<16x128xf32, #tpu.memory_space<vmem>>, vector<1x16xf32>,
      %broadcast_in_dim3A_235 = arith.constant 0.000000e+00 : f32
      %broadcast_in_dim3A_236 = vector.broadcast %broadcast_in_dim3A_235 : f32 to vector<16xf32>
      %swap3A_237 = arith.index_cast %scan3A_207 : i32 to index
      %swap3A_238 = arith.constant 64 : index
      %swap3A_239 = tpu.vector_load %arg9[%swap3A_237, %swap3A_238] {strides = array<i32>} : memref<16x128xf32, #tpu.memory_space<vmem>>, vector<1x16xf32>,
      %swap3A_240 = vector.shape_cast %swap3A_239 : vector<1x16xf32> to vector<16xf32>
      %swap3A_241 = vector.shape_cast %broadcast_in_dim3A_236 : vector<16xf32> to vector<1x16xf32>
      tpu.vector_store %arg9[%swap3A_237, %swap3A_238], %swap3A_241 {strides = array<i32>} : memref<16x128xf32, #tpu.memory_space<vmem>>, vector<1x16xf32>,
      %broadcast_in_dim3A_242 = arith.constant 0.000000e+00 : f32
      %broadcast_in_dim3A_243 = vector.broadcast %broadcast_in_dim3A_242 : f32 to vector<16xf32>
      %swap3A_244 = arith.index_cast %scan3A_207 : i32 to index
      %swap3A_245 = arith.constant 80 : index
      %swap3A_246 = tpu.vector_load %arg9[%swap3A_244, %swap3A_245] {strides = array<i32>} : memref<16x128xf32, #tpu.memory_space<vmem>>, vector<1x16xf32>,
      %swap3A_247 = vector.shape_cast %swap3A_246 : vector<1x16xf32> to vector<16xf32>
      %swap3A_248 = vector.shape_cast %broadcast_in_dim3A_243 : vector<16xf32> to vector<1x16xf32>
      tpu.vector_store %arg9[%swap3A_244, %swap3A_245], %swap3A_248 {strides = array<i32>} : memref<16x128xf32, #tpu.memory_space<vmem>>, vector<1x16xf32>,
      %broadcast_in_dim3A_249 = arith.constant 0.000000e+00 : f32
      %broadcast_in_dim3A_250 = vector.broadcast %broadcast_in_dim3A_249 : f32 to vector<16xf32>
      %swap3A_251 = arith.index_cast %scan3A_207 : i32 to index
      %swap3A_252 = arith.constant 96 : index
      %swap3A_253 = tpu.vector_load %arg9[%swap3A_251, %swap3A_252] {strides = array<i32>} : memref<16x128xf32, #tpu.memory_space<vmem>>, vector<1x16xf32>,
      %swap3A_254 = vector.shape_cast %swap3A_253 : vector<1x16xf32> to vector<16xf32>
      %swap3A_255 = vector.shape_cast %broadcast_in_dim3A_250 : vector<16xf32> to vector<1x16xf32>
      tpu.vector_store %arg9[%swap3A_251, %swap3A_252], %swap3A_255 {strides = array<i32>} : memref<16x128xf32, #tpu.memory_space<vmem>>, vector<1x16xf32>,
      %broadcast_in_dim3A_256 = arith.constant 0.000000e+00 : f32
      %broadcast_in_dim3A_257 = vector.broadcast %broadcast_in_dim3A_256 : f32 to vector<16xf32>
      %swap3A_258 = arith.index_cast %scan3A_207 : i32 to index
      %swap3A_259 = arith.constant 112 : index
      %swap3A_260 = tpu.vector_load %arg9[%swap3A_258, %swap3A_259] {strides = array<i32>} : memref<16x128xf32, #tpu.memory_space<vmem>>, vector<1x16xf32>,
      %swap3A_261 = vector.shape_cast %swap3A_260 : vector<1x16xf32> to vector<16xf32>
      %swap3A_262 = vector.shape_cast %broadcast_in_dim3A_257 : vector<16xf32> to vector<1x16xf32>
      tpu.vector_store %arg9[%swap3A_258, %swap3A_259], %swap3A_262 {strides = array<i32>} : memref<16x128xf32, #tpu.memory_space<vmem>>, vector<1x16xf32>,
    }
    %scan3A_11 = arith.constant 16 : i32
    %scan3A_12 = arith.constant 0 : i32
    %scan3A_13 = arith.constant 0 : i32
    %scan3A_14 = arith.constant 16 : i32
    %scan3A_15 = arith.addi %scan3A_13, %scan3A_14 : i32
    %scan3A_16 = arith.constant 1 : i32
    scf.for %scan3A_207 = %scan3A_13 to %scan3A_15 step %scan3A_16  : i32 {
      %mul3A_208 = arith.constant 16 : i32
      %mul3A_209 = arith.muli %mul3A_208, %scan3A_207 : i32
      %add3A_210 = arith.addi %mul3A_6, %mul3A_209 : i32
      "tpu.region"() ({
        %run_scoped3A = tpu.sem_alloc : memref<!tpu.dma_semaphore, #tpu.memory_space<semaphore_mem>>
        %dma_start3A_211 = arith.constant 0 : i32
        %dma_start3A_212 = tpu.memref_slice %arg8[%add3A_210, %dma_start3A_211] : memref<4112x128xf32, #tpu.memory_space<vmem_shared>> -> memref<16x128xf32, #tpu.memory_space<vmem_shared>>
        %dma_start3A_213 = arith.constant 0 : i32
        %dma_start3A_214 = tpu.memref_slice %arg8[%add3A_210, %dma_start3A_213] : memref<4112x128xf32, #tpu.memory_space<vmem_shared>> -> memref<16x128xf32, #tpu.memory_space<vmem_shared>>
        tpu.enqueue_dma source(%arg9 : memref<16x128xf32, #tpu.memory_space<vmem>>) target(%dma_start3A_214 : memref<16x128xf32, #tpu.memory_space<vmem_shared>>) target_semaphore(%run_scoped3A : memref<!tpu.dma_semaphore, #tpu.memory_space<semaphore_mem>>)
        %dma_wait3A_215 = arith.constant 0 : i32
        %dma_wait3A_216 = tpu.memref_slice %arg8[%add3A_210, %dma_wait3A_215] : memref<4112x128xf32, #tpu.memory_space<vmem_shared>> -> memref<16x128xf32, #tpu.memory_space<vmem_shared>>
        %dma_wait3A_217 = arith.constant 0 : i32
        %dma_wait3A_218 = tpu.memref_slice %arg8[%add3A_210, %dma_wait3A_217] : memref<4112x128xf32, #tpu.memory_space<vmem_shared>> -> memref<16x128xf32, #tpu.memory_space<vmem_shared>>
        tpu.wait_dma2 semaphore(%run_scoped3A : memref<!tpu.dma_semaphore, #tpu.memory_space<semaphore_mem>>) src(%arg9 : memref<16x128xf32, #tpu.memory_space<vmem>>) dst(%dma_wait3A_218 : memref<16x128xf32, #tpu.memory_space<vmem_shared>>)
        tpu.yield
      }) : () -> ()
    }
    %scan3A_17 = arith.constant 16 : i32
    %iota3A = tpu.iota {dimensions = array<i32: 0>} : vector<16xi32>
    %broadcast_in_dim3A = arith.constant 4096 : i32
    %broadcast_in_dim3A_18 = vector.broadcast %broadcast_in_dim3A : i32 to vector<16xi32>
    %add3A_19 = vector.broadcast %arg1 : i32 to vector<16xi32>
    %add3A_20 = arith.addi %broadcast_in_dim3A_18, %add3A_19 : vector<16xi32>
    %get3A = arith.constant 0 : i32
    %get3A_21 = arith.index_cast %get3A : i32 to index
    %get3A_22 = arith.constant 0 : index
    %get3A_23 = tpu.vector_load %arg6[%get3A_21, %get3A_22] {strides = array<i32>} : memref<128x200xi32, #tpu.memory_space<vmem>>, vector<1x16xi32>,
    %get3A_24 = vector.shape_cast %get3A_23 : vector<1x16xi32> to vector<16xi32>
    %and3A = arith.constant 524287 : i32
    %and3A_25 = vector.broadcast %and3A : i32 to vector<16xi32>
    %and3A_26 = arith.andi %get3A_24, %and3A_25 : vector<16xi32>
    %dma_start3A = arith.constant 0 : i32
    %dma_start3A_27 = arith.constant 0 : i32
    %dma_start3A_28 = tpu.memref_slice %arg2[%dma_start3A, %dma_start3A_27] : memref<524288x128xf32, #tpu.memory_space<hbm>> -> memref<524288x128xf32, #tpu.memory_space<hbm>>
    tpu.enqueue_indirect_dma source(%dma_start3A_28 : memref<524288x128xf32, #tpu.memory_space<hbm>>) target(%arg9 : memref<16x128xf32, #tpu.memory_space<vmem>>) offsets(%and3A_26 : vector<16xi32>) semaphore(%arg35 : memref<!tpu.dma_semaphore, #tpu.memory_space<semaphore_mem>>)
    %get3A_29 = arith.constant 0 : i32
    %get3A_30 = arith.index_cast %get3A_29 : i32 to index
    %get3A_31 = arith.constant 16 : index
    %get3A_32 = tpu.vector_load %arg6[%get3A_30, %get3A_31] {strides = array<i32>} : memref<128x200xi32, #tpu.memory_space<vmem>>, vector<1x16xi32>,
    %get3A_33 = vector.shape_cast %get3A_32 : vector<1x16xi32> to vector<16xi32>
    %and3A_34 = arith.constant 524287 : i32
    %and3A_35 = vector.broadcast %and3A_34 : i32 to vector<16xi32>
    %and3A_36 = arith.andi %get3A_33, %and3A_35 : vector<16xi32>
    %dma_start3A_37 = arith.constant 0 : i32
    %dma_start3A_38 = arith.constant 0 : i32
    %dma_start3A_39 = tpu.memref_slice %arg2[%dma_start3A_37, %dma_start3A_38] : memref<524288x128xf32, #tpu.memory_space<hbm>> -> memref<524288x128xf32, #tpu.memory_space<hbm>>
    tpu.enqueue_indirect_dma source(%dma_start3A_39 : memref<524288x128xf32, #tpu.memory_space<hbm>>) target(%arg10 : memref<16x128xf32, #tpu.memory_space<vmem>>) offsets(%and3A_36 : vector<16xi32>) semaphore(%arg35 : memref<!tpu.dma_semaphore, #tpu.memory_space<semaphore_mem>>)
    %get3A_40 = arith.constant 0 : i32
    %get3A_41 = arith.index_cast %get3A_40 : i32 to index
    %get3A_42 = arith.constant 32 : index
    %get3A_43 = tpu.vector_load %arg6[%get3A_41, %get3A_42] {strides = array<i32>} : memref<128x200xi32, #tpu.memory_space<vmem>>, vector<1x16xi32>,
    %get3A_44 = vector.shape_cast %get3A_43 : vector<1x16xi32> to vector<16xi32>
    %and3A_45 = arith.constant 524287 : i32
    %and3A_46 = vector.broadcast %and3A_45 : i32 to vector<16xi32>
    %and3A_47 = arith.andi %get3A_44, %and3A_46 : vector<16xi32>
    %dma_start3A_48 = arith.constant 0 : i32
    %dma_start3A_49 = arith.constant 0 : i32
    %dma_start3A_50 = tpu.memref_slice %arg2[%dma_start3A_48, %dma_start3A_49] : memref<524288x128xf32, #tpu.memory_space<hbm>> -> memref<524288x128xf32, #tpu.memory_space<hbm>>
    tpu.enqueue_indirect_dma source(%dma_start3A_50 : memref<524288x128xf32, #tpu.memory_space<hbm>>) target(%arg11 : memref<16x128xf32, #tpu.memory_space<vmem>>) offsets(%and3A_47 : vector<16xi32>) semaphore(%arg35 : memref<!tpu.dma_semaphore, #tpu.memory_space<semaphore_mem>>)
    %get3A_51 = arith.constant 0 : i32
    %get3A_52 = arith.index_cast %get3A_51 : i32 to index
    %get3A_53 = arith.constant 48 : index
    %get3A_54 = tpu.vector_load %arg6[%get3A_52, %get3A_53] {strides = array<i32>} : memref<128x200xi32, #tpu.memory_space<vmem>>, vector<1x16xi32>,
    %get3A_55 = vector.shape_cast %get3A_54 : vector<1x16xi32> to vector<16xi32>
    %and3A_56 = arith.constant 524287 : i32
    %and3A_57 = vector.broadcast %and3A_56 : i32 to vector<16xi32>
    %and3A_58 = arith.andi %get3A_55, %and3A_57 : vector<16xi32>
    %dma_start3A_59 = arith.constant 0 : i32
    %dma_start3A_60 = arith.constant 0 : i32
    %dma_start3A_61 = tpu.memref_slice %arg2[%dma_start3A_59, %dma_start3A_60] : memref<524288x128xf32, #tpu.memory_space<hbm>> -> memref<524288x128xf32, #tpu.memory_space<hbm>>
    tpu.enqueue_indirect_dma source(%dma_start3A_61 : memref<524288x128xf32, #tpu.memory_space<hbm>>) target(%arg12 : memref<16x128xf32, #tpu.memory_space<vmem>>) offsets(%and3A_58 : vector<16xi32>) semaphore(%arg35 : memref<!tpu.dma_semaphore, #tpu.memory_space<semaphore_mem>>)
    %get3A_62 = arith.constant 0 : i32
    %get3A_63 = arith.index_cast %get3A_62 : i32 to index
    %get3A_64 = arith.constant 64 : index
    %get3A_65 = tpu.vector_load %arg6[%get3A_63, %get3A_64] {strides = array<i32>} : memref<128x200xi32, #tpu.memory_space<vmem>>, vector<1x16xi32>,
    %get3A_66 = vector.shape_cast %get3A_65 : vector<1x16xi32> to vector<16xi32>
    %and3A_67 = arith.constant 524287 : i32
    %and3A_68 = vector.broadcast %and3A_67 : i32 to vector<16xi32>
    %and3A_69 = arith.andi %get3A_66, %and3A_68 : vector<16xi32>
    %dma_start3A_70 = arith.constant 0 : i32
    %dma_start3A_71 = arith.constant 0 : i32
    %dma_start3A_72 = tpu.memref_slice %arg2[%dma_start3A_70, %dma_start3A_71] : memref<524288x128xf32, #tpu.memory_space<hbm>> -> memref<524288x128xf32, #tpu.memory_space<hbm>>
    tpu.enqueue_indirect_dma source(%dma_start3A_72 : memref<524288x128xf32, #tpu.memory_space<hbm>>) target(%arg13 : memref<16x128xf32, #tpu.memory_space<vmem>>) offsets(%and3A_69 : vector<16xi32>) semaphore(%arg35 : memref<!tpu.dma_semaphore, #tpu.memory_space<semaphore_mem>>)
    %get3A_73 = arith.constant 0 : i32
    %get3A_74 = arith.index_cast %get3A_73 : i32 to index
    %get3A_75 = arith.constant 80 : index
    %get3A_76 = tpu.vector_load %arg6[%get3A_74, %get3A_75] {strides = array<i32>} : memref<128x200xi32, #tpu.memory_space<vmem>>, vector<1x16xi32>,
    %get3A_77 = vector.shape_cast %get3A_76 : vector<1x16xi32> to vector<16xi32>
    %and3A_78 = arith.constant 524287 : i32
    %and3A_79 = vector.broadcast %and3A_78 : i32 to vector<16xi32>
    %and3A_80 = arith.andi %get3A_77, %and3A_79 : vector<16xi32>
    %dma_start3A_81 = arith.constant 0 : i32
    %dma_start3A_82 = arith.constant 0 : i32
    %dma_start3A_83 = tpu.memref_slice %arg2[%dma_start3A_81, %dma_start3A_82] : memref<524288x128xf32, #tpu.memory_space<hbm>> -> memref<524288x128xf32, #tpu.memory_space<hbm>>
    tpu.enqueue_indirect_dma source(%dma_start3A_83 : memref<524288x128xf32, #tpu.memory_space<hbm>>) target(%arg14 : memref<16x128xf32, #tpu.memory_space<vmem>>) offsets(%and3A_80 : vector<16xi32>) semaphore(%arg35 : memref<!tpu.dma_semaphore, #tpu.memory_space<semaphore_mem>>)
    %get3A_84 = arith.constant 0 : i32
    %get3A_85 = arith.index_cast %get3A_84 : i32 to index
    %get3A_86 = arith.constant 96 : index
    %get3A_87 = tpu.vector_load %arg6[%get3A_85, %get3A_86] {strides = array<i32>} : memref<128x200xi32, #tpu.memory_space<vmem>>, vector<1x16xi32>,
    %get3A_88 = vector.shape_cast %get3A_87 : vector<1x16xi32> to vector<16xi32>
    %and3A_89 = arith.constant 524287 : i32
    %and3A_90 = vector.broadcast %and3A_89 : i32 to vector<16xi32>
    %and3A_91 = arith.andi %get3A_88, %and3A_90 : vector<16xi32>
    %dma_start3A_92 = arith.constant 0 : i32
    %dma_start3A_93 = arith.constant 0 : i32
    %dma_start3A_94 = tpu.memref_slice %arg2[%dma_start3A_92, %dma_start3A_93] : memref<524288x128xf32, #tpu.memory_space<hbm>> -> memref<524288x128xf32, #tpu.memory_space<hbm>>
    tpu.enqueue_indirect_dma source(%dma_start3A_94 : memref<524288x128xf32, #tpu.memory_space<hbm>>) target(%arg15 : memref<16x128xf32, #tpu.memory_space<vmem>>) offsets(%and3A_91 : vector<16xi32>) semaphore(%arg35 : memref<!tpu.dma_semaphore, #tpu.memory_space<semaphore_mem>>)
    %get3A_95 = arith.constant 0 : i32
    %get3A_96 = arith.index_cast %get3A_95 : i32 to index
    %get3A_97 = arith.constant 112 : index
    %get3A_98 = tpu.vector_load %arg6[%get3A_96, %get3A_97] {strides = array<i32>} : memref<128x200xi32, #tpu.memory_space<vmem>>, vector<1x16xi32>,
    %get3A_99 = vector.shape_cast %get3A_98 : vector<1x16xi32> to vector<16xi32>
    %and3A_100 = arith.constant 524287 : i32
    %and3A_101 = vector.broadcast %and3A_100 : i32 to vector<16xi32>
    %and3A_102 = arith.andi %get3A_99, %and3A_101 : vector<16xi32>
    %dma_start3A_103 = arith.constant 0 : i32
    %dma_start3A_104 = arith.constant 0 : i32
    %dma_start3A_105 = tpu.memref_slice %arg2[%dma_start3A_103, %dma_start3A_104] : memref<524288x128xf32, #tpu.memory_space<hbm>> -> memref<524288x128xf32, #tpu.memory_space<hbm>>
    tpu.enqueue_indirect_dma source(%dma_start3A_105 : memref<524288x128xf32, #tpu.memory_space<hbm>>) target(%arg16 : memref<16x128xf32, #tpu.memory_space<vmem>>) offsets(%and3A_102 : vector<16xi32>) semaphore(%arg35 : memref<!tpu.dma_semaphore, #tpu.memory_space<semaphore_mem>>)
    %get3A_106 = arith.constant 0 : i32
    %get3A_107 = arith.index_cast %get3A_106 : i32 to index
    %get3A_108 = arith.constant 128 : index
    %get3A_109 = tpu.vector_load %arg6[%get3A_107, %get3A_108] {strides = array<i32>} : memref<128x200xi32, #tpu.memory_space<vmem>>, vector<1x16xi32>,
    %get3A_110 = vector.shape_cast %get3A_109 : vector<1x16xi32> to vector<16xi32>
    %and3A_111 = arith.constant 524287 : i32
    %and3A_112 = vector.broadcast %and3A_111 : i32 to vector<16xi32>
    %and3A_113 = arith.andi %get3A_110, %and3A_112 : vector<16xi32>
    %dma_start3A_114 = arith.constant 0 : i32
    %dma_start3A_115 = arith.constant 0 : i32
    %dma_start3A_116 = tpu.memref_slice %arg2[%dma_start3A_114, %dma_start3A_115] : memref<524288x128xf32, #tpu.memory_space<hbm>> -> memref<524288x128xf32, #tpu.memory_space<hbm>>
    tpu.enqueue_indirect_dma source(%dma_start3A_116 : memref<524288x128xf32, #tpu.memory_space<hbm>>) target(%arg17 : memref<16x128xf32, #tpu.memory_space<vmem>>) offsets(%and3A_113 : vector<16xi32>) semaphore(%arg35 : memref<!tpu.dma_semaphore, #tpu.memory_space<semaphore_mem>>)
    %get3A_117 = arith.constant 0 : i32
    %get3A_118 = arith.index_cast %get3A_117 : i32 to index
    %get3A_119 = arith.constant 144 : index
    %get3A_120 = tpu.vector_load %arg6[%get3A_118, %get3A_119] {strides = array<i32>} : memref<128x200xi32, #tpu.memory_space<vmem>>, vector<1x16xi32>,
    %get3A_121 = vector.shape_cast %get3A_120 : vector<1x16xi32> to vector<16xi32>
    %and3A_122 = arith.constant 524287 : i32
    %and3A_123 = vector.broadcast %and3A_122 : i32 to vector<16xi32>
    %and3A_124 = arith.andi %get3A_121, %and3A_123 : vector<16xi32>
    %dma_start3A_125 = arith.constant 0 : i32
    %dma_start3A_126 = arith.constant 0 : i32
    %dma_start3A_127 = tpu.memref_slice %arg2[%dma_start3A_125, %dma_start3A_126] : memref<524288x128xf32, #tpu.memory_space<hbm>> -> memref<524288x128xf32, #tpu.memory_space<hbm>>
    tpu.enqueue_indirect_dma source(%dma_start3A_127 : memref<524288x128xf32, #tpu.memory_space<hbm>>) target(%arg18 : memref<16x128xf32, #tpu.memory_space<vmem>>) offsets(%and3A_124 : vector<16xi32>) semaphore(%arg35 : memref<!tpu.dma_semaphore, #tpu.memory_space<semaphore_mem>>)
    %get3A_128 = arith.constant 0 : i32
    %get3A_129 = arith.index_cast %get3A_128 : i32 to index
    %get3A_130 = arith.constant 160 : index
    %get3A_131 = tpu.vector_load %arg6[%get3A_129, %get3A_130] {strides = array<i32>} : memref<128x200xi32, #tpu.memory_space<vmem>>, vector<1x16xi32>,
    %get3A_132 = vector.shape_cast %get3A_131 : vector<1x16xi32> to vector<16xi32>
    %and3A_133 = arith.constant 524287 : i32
    %and3A_134 = vector.broadcast %and3A_133 : i32 to vector<16xi32>
    %and3A_135 = arith.andi %get3A_132, %and3A_134 : vector<16xi32>
    %dma_start3A_136 = arith.constant 0 : i32
    %dma_start3A_137 = arith.constant 0 : i32
    %dma_start3A_138 = tpu.memref_slice %arg2[%dma_start3A_136, %dma_start3A_137] : memref<524288x128xf32, #tpu.memory_space<hbm>> -> memref<524288x128xf32, #tpu.memory_space<hbm>>
    tpu.enqueue_indirect_dma source(%dma_start3A_138 : memref<524288x128xf32, #tpu.memory_space<hbm>>) target(%arg19 : memref<16x128xf32, #tpu.memory_space<vmem>>) offsets(%and3A_135 : vector<16xi32>) semaphore(%arg35 : memref<!tpu.dma_semaphore, #tpu.memory_space<semaphore_mem>>)
    %get3A_139 = arith.constant 0 : i32
    %get3A_140 = arith.index_cast %get3A_139 : i32 to index
    %get3A_141 = arith.constant 176 : index
    %get3A_142 = tpu.vector_load %arg6[%get3A_140, %get3A_141] {strides = array<i32>} : memref<128x200xi32, #tpu.memory_space<vmem>>, vector<1x16xi32>,
    %get3A_143 = vector.shape_cast %get3A_142 : vector<1x16xi32> to vector<16xi32>
    %and3A_144 = arith.constant 524287 : i32
    %and3A_145 = vector.broadcast %and3A_144 : i32 to vector<16xi32>
    %and3A_146 = arith.andi %get3A_143, %and3A_145 : vector<16xi32>
    %dma_start3A_147 = arith.constant 0 : i32
    %dma_start3A_148 = arith.constant 0 : i32
    %dma_start3A_149 = tpu.memref_slice %arg2[%dma_start3A_147, %dma_start3A_148] : memref<524288x128xf32, #tpu.memory_space<hbm>> -> memref<524288x128xf32, #tpu.memory_space<hbm>>
    tpu.enqueue_indirect_dma source(%dma_start3A_149 : memref<524288x128xf32, #tpu.memory_space<hbm>>) target(%arg20 : memref<16x128xf32, #tpu.memory_space<vmem>>) offsets(%and3A_146 : vector<16xi32>) semaphore(%arg35 : memref<!tpu.dma_semaphore, #tpu.memory_space<semaphore_mem>>)
    %get3A_150 = arith.constant 0 : i32
    %get3A_151 = arith.index_cast %get3A_150 : i32 to index
    %get3A_152 = arith.constant 184 : index
    %get3A_153 = tpu.vector_load %arg6[%get3A_151, %get3A_152] {strides = array<i32>} : memref<128x200xi32, #tpu.memory_space<vmem>>, vector<1x16xi32>,
    %get3A_154 = vector.shape_cast %get3A_153 : vector<1x16xi32> to vector<16xi32>
    %and3A_155 = arith.constant 524287 : i32
    %and3A_156 = vector.broadcast %and3A_155 : i32 to vector<16xi32>
    %and3A_157 = arith.andi %get3A_154, %and3A_156 : vector<16xi32>
    %dma_start3A_158 = arith.constant 0 : i32
    %dma_start3A_159 = arith.constant 0 : i32
    %dma_start3A_160 = tpu.memref_slice %arg2[%dma_start3A_158, %dma_start3A_159] : memref<524288x128xf32, #tpu.memory_space<hbm>> -> memref<524288x128xf32, #tpu.memory_space<hbm>>
    tpu.enqueue_indirect_dma source(%dma_start3A_160 : memref<524288x128xf32, #tpu.memory_space<hbm>>) target(%arg21 : memref<16x128xf32, #tpu.memory_space<vmem>>) offsets(%and3A_157 : vector<16xi32>) semaphore(%arg35 : memref<!tpu.dma_semaphore, #tpu.memory_space<semaphore_mem>>)
    %scan3A_161 = arith.constant 0 : i32
    %scan3A_162 = arith.constant 0 : i32
    %scan3A_163 = arith.constant 64 : i32
    %scan3A_164 = arith.addi %scan3A_162, %scan3A_163 : i32
    %scan3A_165 = arith.constant 1 : i32
    scf.for %scan3A_207 = %scan3A_162 to %scan3A_164 step %scan3A_165  : i32 {
      %mul3A_208 = arith.constant 2 : i32
      %mul3A_209 = arith.muli %scan3A_207, %mul3A_208 : i32
      %add3A_210 = arith.constant 0 : i32
      %add3A_211 = arith.addi %mul3A_209, %add3A_210 : i32
      %gt3A = arith.constant 0 : i32
      %gt3A_212 = arith.cmpi sgt, %add3A_211, %gt3A : i32
      %convert_element_type3A = arith.extui %gt3A_212 : i1 to i32
      %cond3A = arith.constant 0 : i32
      %cond3A_213 = arith.cmpi ne, %convert_element_type3A, %cond3A : i32
      scf.if %cond3A_213 {
        %dma_wait3A_779 = arith.constant 0 : i32
        %dma_wait3A_780 = arith.constant 0 : i32
        %dma_wait3A_781 = tpu.memref_slice %arg8[%dma_wait3A_779, %dma_wait3A_780] : memref<4112x128xf32, #tpu.memory_space<vmem_shared>> -> memref<4112x128xf32, #tpu.memory_space<vmem_shared>>
        tpu.wait_indirect_dma semaphore(%arg38 : memref<!tpu.dma_semaphore, #tpu.memory_space<semaphore_mem>>) src(%arg22 : memref<16x128xf32, #tpu.memory_space<vmem>>) dst(%dma_wait3A_781 : memref<4112x128xf32, #tpu.memory_space<vmem_shared>>)
        %dma_wait3A_782 = arith.constant 0 : i32
        %dma_wait3A_783 = arith.constant 0 : i32
        %dma_wait3A_784 = tpu.memref_slice %arg8[%dma_wait3A_782, %dma_wait3A_783] : memref<4112x128xf32, #tpu.memory_space<vmem_shared>> -> memref<4112x128xf32, #tpu.memory_space<vmem_shared>>
        tpu.wait_indirect_dma semaphore(%arg38 : memref<!tpu.dma_semaphore, #tpu.memory_space<semaphore_mem>>) src(%arg23 : memref<16x128xf32, #tpu.memory_space<vmem>>) dst(%dma_wait3A_784 : memref<4112x128xf32, #tpu.memory_space<vmem_shared>>)
        %dma_wait3A_785 = arith.constant 0 : i32
        %dma_wait3A_786 = arith.constant 0 : i32
        %dma_wait3A_787 = tpu.memref_slice %arg8[%dma_wait3A_785, %dma_wait3A_786] : memref<4112x128xf32, #tpu.memory_space<vmem_shared>> -> memref<4112x128xf32, #tpu.memory_space<vmem_shared>>
        tpu.wait_indirect_dma semaphore(%arg38 : memref<!tpu.dma_semaphore, #tpu.memory_space<semaphore_mem>>) src(%arg24 : memref<16x128xf32, #tpu.memory_space<vmem>>) dst(%dma_wait3A_787 : memref<4112x128xf32, #tpu.memory_space<vmem_shared>>)
        %dma_wait3A_788 = arith.constant 0 : i32
        %dma_wait3A_789 = arith.constant 0 : i32
        %dma_wait3A_790 = tpu.memref_slice %arg8[%dma_wait3A_788, %dma_wait3A_789] : memref<4112x128xf32, #tpu.memory_space<vmem_shared>> -> memref<4112x128xf32, #tpu.memory_space<vmem_shared>>
        tpu.wait_indirect_dma semaphore(%arg38 : memref<!tpu.dma_semaphore, #tpu.memory_space<semaphore_mem>>) src(%arg25 : memref<16x128xf32, #tpu.memory_space<vmem>>) dst(%dma_wait3A_790 : memref<4112x128xf32, #tpu.memory_space<vmem_shared>>)
        %dma_wait3A_791 = arith.constant 0 : i32
        %dma_wait3A_792 = arith.constant 0 : i32
        %dma_wait3A_793 = tpu.memref_slice %arg8[%dma_wait3A_791, %dma_wait3A_792] : memref<4112x128xf32, #tpu.memory_space<vmem_shared>> -> memref<4112x128xf32, #tpu.memory_space<vmem_shared>>
        tpu.wait_indirect_dma semaphore(%arg38 : memref<!tpu.dma_semaphore, #tpu.memory_space<semaphore_mem>>) src(%arg26 : memref<16x128xf32, #tpu.memory_space<vmem>>) dst(%dma_wait3A_793 : memref<4112x128xf32, #tpu.memory_space<vmem_shared>>)
        %dma_wait3A_794 = arith.constant 0 : i32
        %dma_wait3A_795 = arith.constant 0 : i32
        %dma_wait3A_796 = tpu.memref_slice %arg8[%dma_wait3A_794, %dma_wait3A_795] : memref<4112x128xf32, #tpu.memory_space<vmem_shared>> -> memref<4112x128xf32, #tpu.memory_space<vmem_shared>>
        tpu.wait_indirect_dma semaphore(%arg38 : memref<!tpu.dma_semaphore, #tpu.memory_space<semaphore_mem>>) src(%arg27 : memref<16x128xf32, #tpu.memory_space<vmem>>) dst(%dma_wait3A_796 : memref<4112x128xf32, #tpu.memory_space<vmem_shared>>)
        %dma_wait3A_797 = arith.constant 0 : i32
        %dma_wait3A_798 = arith.constant 0 : i32
        %dma_wait3A_799 = tpu.memref_slice %arg8[%dma_wait3A_797, %dma_wait3A_798] : memref<4112x128xf32, #tpu.memory_space<vmem_shared>> -> memref<4112x128xf32, #tpu.memory_space<vmem_shared>>
        tpu.wait_indirect_dma semaphore(%arg38 : memref<!tpu.dma_semaphore, #tpu.memory_space<semaphore_mem>>) src(%arg28 : memref<16x128xf32, #tpu.memory_space<vmem>>) dst(%dma_wait3A_799 : memref<4112x128xf32, #tpu.memory_space<vmem_shared>>)
        %dma_wait3A_800 = arith.constant 0 : i32
        %dma_wait3A_801 = arith.constant 0 : i32
        %dma_wait3A_802 = tpu.memref_slice %arg8[%dma_wait3A_800, %dma_wait3A_801] : memref<4112x128xf32, #tpu.memory_space<vmem_shared>> -> memref<4112x128xf32, #tpu.memory_space<vmem_shared>>
        tpu.wait_indirect_dma semaphore(%arg38 : memref<!tpu.dma_semaphore, #tpu.memory_space<semaphore_mem>>) src(%arg29 : memref<16x128xf32, #tpu.memory_space<vmem>>) dst(%dma_wait3A_802 : memref<4112x128xf32, #tpu.memory_space<vmem_shared>>)
        %dma_wait3A_803 = arith.constant 0 : i32
        %dma_wait3A_804 = arith.constant 0 : i32
        %dma_wait3A_805 = tpu.memref_slice %arg8[%dma_wait3A_803, %dma_wait3A_804] : memref<4112x128xf32, #tpu.memory_space<vmem_shared>> -> memref<4112x128xf32, #tpu.memory_space<vmem_shared>>
        tpu.wait_indirect_dma semaphore(%arg38 : memref<!tpu.dma_semaphore, #tpu.memory_space<semaphore_mem>>) src(%arg30 : memref<16x128xf32, #tpu.memory_space<vmem>>) dst(%dma_wait3A_805 : memref<4112x128xf32, #tpu.memory_space<vmem_shared>>)
        %dma_wait3A_806 = arith.constant 0 : i32
        %dma_wait3A_807 = arith.constant 0 : i32
        %dma_wait3A_808 = tpu.memref_slice %arg8[%dma_wait3A_806, %dma_wait3A_807] : memref<4112x128xf32, #tpu.memory_space<vmem_shared>> -> memref<4112x128xf32, #tpu.memory_space<vmem_shared>>
        tpu.wait_indirect_dma semaphore(%arg38 : memref<!tpu.dma_semaphore, #tpu.memory_space<semaphore_mem>>) src(%arg31 : memref<16x128xf32, #tpu.memory_space<vmem>>) dst(%dma_wait3A_808 : memref<4112x128xf32, #tpu.memory_space<vmem_shared>>)
        %dma_wait3A_809 = arith.constant 0 : i32
        %dma_wait3A_810 = arith.constant 0 : i32
        %dma_wait3A_811 = tpu.memref_slice %arg8[%dma_wait3A_809, %dma_wait3A_810] : memref<4112x128xf32, #tpu.memory_space<vmem_shared>> -> memref<4112x128xf32, #tpu.memory_space<vmem_shared>>
        tpu.wait_indirect_dma semaphore(%arg38 : memref<!tpu.dma_semaphore, #tpu.memory_space<semaphore_mem>>) src(%arg32 : memref<16x128xf32, #tpu.memory_space<vmem>>) dst(%dma_wait3A_811 : memref<4112x128xf32, #tpu.memory_space<vmem_shared>>)
        %dma_wait3A_812 = arith.constant 0 : i32
        %dma_wait3A_813 = arith.constant 0 : i32
        %dma_wait3A_814 = tpu.memref_slice %arg8[%dma_wait3A_812, %dma_wait3A_813] : memref<4112x128xf32, #tpu.memory_space<vmem_shared>> -> memref<4112x128xf32, #tpu.memory_space<vmem_shared>>
        tpu.wait_indirect_dma semaphore(%arg38 : memref<!tpu.dma_semaphore, #tpu.memory_space<semaphore_mem>>) src(%arg33 : memref<16x128xf32, #tpu.memory_space<vmem>>) dst(%dma_wait3A_814 : memref<4112x128xf32, #tpu.memory_space<vmem_shared>>)
        %dma_wait3A_815 = arith.constant 0 : i32
        %dma_wait3A_816 = arith.constant 0 : i32
        %dma_wait3A_817 = tpu.memref_slice %arg8[%dma_wait3A_815, %dma_wait3A_816] : memref<4112x128xf32, #tpu.memory_space<vmem_shared>> -> memref<4112x128xf32, #tpu.memory_space<vmem_shared>>
        tpu.wait_indirect_dma semaphore(%arg38 : memref<!tpu.dma_semaphore, #tpu.memory_space<semaphore_mem>>) src(%arg34 : memref<16x128xf32, #tpu.memory_space<vmem>>) dst(%dma_wait3A_817 : memref<4112x128xf32, #tpu.memory_space<vmem_shared>>)
      } else {
      }
      %add3A_214 = arith.constant 1 : i32
      %add3A_215 = arith.addi %add3A_211, %add3A_214 : i32
      %lt3A = arith.constant 128 : i32
      %lt3A_216 = arith.cmpi slt, %add3A_215, %lt3A : i32
      %convert_element_type3A_217 = arith.extui %lt3A_216 : i1 to i32
      %cond3A_218 = arith.constant 0 : i32
      %cond3A_219 = arith.cmpi ne, %convert_element_type3A_217, %cond3A_218 : i32
      scf.if %cond3A_219 {
        %add3A_779 = arith.constant 1 : i32
        %add3A_780 = arith.addi %add3A_211, %add3A_779 : i32
        %get3A_781 = arith.index_cast %add3A_780 : i32 to index
        %get3A_782 = arith.constant 0 : index
        %get3A_783 = tpu.vector_load %arg6[%get3A_781, %get3A_782] {strides = array<i32>} : memref<128x200xi32, #tpu.memory_space<vmem>>, vector<1x16xi32>,
        %get3A_784 = vector.shape_cast %get3A_783 : vector<1x16xi32> to vector<16xi32>
        %and3A_785 = arith.constant 524287 : i32
        %and3A_786 = vector.broadcast %and3A_785 : i32 to vector<16xi32>
        %and3A_787 = arith.andi %get3A_784, %and3A_786 : vector<16xi32>
        %dma_start3A_788 = arith.constant 0 : i32
        %dma_start3A_789 = arith.constant 0 : i32
        %dma_start3A_790 = tpu.memref_slice %arg2[%dma_start3A_788, %dma_start3A_789] : memref<524288x128xf32, #tpu.memory_space<hbm>> -> memref<524288x128xf32, #tpu.memory_space<hbm>>
        tpu.enqueue_indirect_dma source(%dma_start3A_790 : memref<524288x128xf32, #tpu.memory_space<hbm>>) target(%arg22 : memref<16x128xf32, #tpu.memory_space<vmem>>) offsets(%and3A_787 : vector<16xi32>) semaphore(%arg36 : memref<!tpu.dma_semaphore, #tpu.memory_space<semaphore_mem>>)
        %get3A_791 = arith.index_cast %add3A_780 : i32 to index
        %get3A_792 = arith.constant 16 : index
        %get3A_793 = tpu.vector_load %arg6[%get3A_791, %get3A_792] {strides = array<i32>} : memref<128x200xi32, #tpu.memory_space<vmem>>, vector<1x16xi32>,
        %get3A_794 = vector.shape_cast %get3A_793 : vector<1x16xi32> to vector<16xi32>
        %and3A_795 = arith.constant 524287 : i32
        %and3A_796 = vector.broadcast %and3A_795 : i32 to vector<16xi32>
        %and3A_797 = arith.andi %get3A_794, %and3A_796 : vector<16xi32>
        %dma_start3A_798 = arith.constant 0 : i32
        %dma_start3A_799 = arith.constant 0 : i32
        %dma_start3A_800 = tpu.memref_slice %arg2[%dma_start3A_798, %dma_start3A_799] : memref<524288x128xf32, #tpu.memory_space<hbm>> -> memref<524288x128xf32, #tpu.memory_space<hbm>>
        tpu.enqueue_indirect_dma source(%dma_start3A_800 : memref<524288x128xf32, #tpu.memory_space<hbm>>) target(%arg23 : memref<16x128xf32, #tpu.memory_space<vmem>>) offsets(%and3A_797 : vector<16xi32>) semaphore(%arg36 : memref<!tpu.dma_semaphore, #tpu.memory_space<semaphore_mem>>)
        %get3A_801 = arith.index_cast %add3A_780 : i32 to index
        %get3A_802 = arith.constant 32 : index
        %get3A_803 = tpu.vector_load %arg6[%get3A_801, %get3A_802] {strides = array<i32>} : memref<128x200xi32, #tpu.memory_space<vmem>>, vector<1x16xi32>,
        %get3A_804 = vector.shape_cast %get3A_803 : vector<1x16xi32> to vector<16xi32>
        %and3A_805 = arith.constant 524287 : i32
        %and3A_806 = vector.broadcast %and3A_805 : i32 to vector<16xi32>
        %and3A_807 = arith.andi %get3A_804, %and3A_806 : vector<16xi32>
        %dma_start3A_808 = arith.constant 0 : i32
        %dma_start3A_809 = arith.constant 0 : i32
        %dma_start3A_810 = tpu.memref_slice %arg2[%dma_start3A_808, %dma_start3A_809] : memref<524288x128xf32, #tpu.memory_space<hbm>> -> memref<524288x128xf32, #tpu.memory_space<hbm>>
        tpu.enqueue_indirect_dma source(%dma_start3A_810 : memref<524288x128xf32, #tpu.memory_space<hbm>>) target(%arg24 : memref<16x128xf32, #tpu.memory_space<vmem>>) offsets(%and3A_807 : vector<16xi32>) semaphore(%arg36 : memref<!tpu.dma_semaphore, #tpu.memory_space<semaphore_mem>>)
        %get3A_811 = arith.index_cast %add3A_780 : i32 to index
        %get3A_812 = arith.constant 48 : index
        %get3A_813 = tpu.vector_load %arg6[%get3A_811, %get3A_812] {strides = array<i32>} : memref<128x200xi32, #tpu.memory_space<vmem>>, vector<1x16xi32>,
        %get3A_814 = vector.shape_cast %get3A_813 : vector<1x16xi32> to vector<16xi32>
        %and3A_815 = arith.constant 524287 : i32
        %and3A_816 = vector.broadcast %and3A_815 : i32 to vector<16xi32>
        %and3A_817 = arith.andi %get3A_814, %and3A_816 : vector<16xi32>
        %dma_start3A_818 = arith.constant 0 : i32
        %dma_start3A_819 = arith.constant 0 : i32
        %dma_start3A_820 = tpu.memref_slice %arg2[%dma_start3A_818, %dma_start3A_819] : memref<524288x128xf32, #tpu.memory_space<hbm>> -> memref<524288x128xf32, #tpu.memory_space<hbm>>
        tpu.enqueue_indirect_dma source(%dma_start3A_820 : memref<524288x128xf32, #tpu.memory_space<hbm>>) target(%arg25 : memref<16x128xf32, #tpu.memory_space<vmem>>) offsets(%and3A_817 : vector<16xi32>) semaphore(%arg36 : memref<!tpu.dma_semaphore, #tpu.memory_space<semaphore_mem>>)
        %get3A_821 = arith.index_cast %add3A_780 : i32 to index
        %get3A_822 = arith.constant 64 : index
        %get3A_823 = tpu.vector_load %arg6[%get3A_821, %get3A_822] {strides = array<i32>} : memref<128x200xi32, #tpu.memory_space<vmem>>, vector<1x16xi32>,
        %get3A_824 = vector.shape_cast %get3A_823 : vector<1x16xi32> to vector<16xi32>
        %and3A_825 = arith.constant 524287 : i32
        %and3A_826 = vector.broadcast %and3A_825 : i32 to vector<16xi32>
        %and3A_827 = arith.andi %get3A_824, %and3A_826 : vector<16xi32>
        %dma_start3A_828 = arith.constant 0 : i32
        %dma_start3A_829 = arith.constant 0 : i32
        %dma_start3A_830 = tpu.memref_slice %arg2[%dma_start3A_828, %dma_start3A_829] : memref<524288x128xf32, #tpu.memory_space<hbm>> -> memref<524288x128xf32, #tpu.memory_space<hbm>>
        tpu.enqueue_indirect_dma source(%dma_start3A_830 : memref<524288x128xf32, #tpu.memory_space<hbm>>) target(%arg26 : memref<16x128xf32, #tpu.memory_space<vmem>>) offsets(%and3A_827 : vector<16xi32>) semaphore(%arg36 : memref<!tpu.dma_semaphore, #tpu.memory_space<semaphore_mem>>)
        %get3A_831 = arith.index_cast %add3A_780 : i32 to index
        %get3A_832 = arith.constant 80 : index
        %get3A_833 = tpu.vector_load %arg6[%get3A_831, %get3A_832] {strides = array<i32>} : memref<128x200xi32, #tpu.memory_space<vmem>>, vector<1x16xi32>,
        %get3A_834 = vector.shape_cast %get3A_833 : vector<1x16xi32> to vector<16xi32>
        %and3A_835 = arith.constant 524287 : i32
        %and3A_836 = vector.broadcast %and3A_835 : i32 to vector<16xi32>
        %and3A_837 = arith.andi %get3A_834, %and3A_836 : vector<16xi32>
        %dma_start3A_838 = arith.constant 0 : i32
        %dma_start3A_839 = arith.constant 0 : i32
        %dma_start3A_840 = tpu.memref_slice %arg2[%dma_start3A_838, %dma_start3A_839] : memref<524288x128xf32, #tpu.memory_space<hbm>> -> memref<524288x128xf32, #tpu.memory_space<hbm>>
        tpu.enqueue_indirect_dma source(%dma_start3A_840 : memref<524288x128xf32, #tpu.memory_space<hbm>>) target(%arg27 : memref<16x128xf32, #tpu.memory_space<vmem>>) offsets(%and3A_837 : vector<16xi32>) semaphore(%arg36 : memref<!tpu.dma_semaphore, #tpu.memory_space<semaphore_mem>>)
        %get3A_841 = arith.index_cast %add3A_780 : i32 to index
        %get3A_842 = arith.constant 96 : index
        %get3A_843 = tpu.vector_load %arg6[%get3A_841, %get3A_842] {strides = array<i32>} : memref<128x200xi32, #tpu.memory_space<vmem>>, vector<1x16xi32>,
        %get3A_844 = vector.shape_cast %get3A_843 : vector<1x16xi32> to vector<16xi32>
        %and3A_845 = arith.constant 524287 : i32
        %and3A_846 = vector.broadcast %and3A_845 : i32 to vector<16xi32>
        %and3A_847 = arith.andi %get3A_844, %and3A_846 : vector<16xi32>
        %dma_start3A_848 = arith.constant 0 : i32
        %dma_start3A_849 = arith.constant 0 : i32
        %dma_start3A_850 = tpu.memref_slice %arg2[%dma_start3A_848, %dma_start3A_849] : memref<524288x128xf32, #tpu.memory_space<hbm>> -> memref<524288x128xf32, #tpu.memory_space<hbm>>
        tpu.enqueue_indirect_dma source(%dma_start3A_850 : memref<524288x128xf32, #tpu.memory_space<hbm>>) target(%arg28 : memref<16x128xf32, #tpu.memory_space<vmem>>) offsets(%and3A_847 : vector<16xi32>) semaphore(%arg36 : memref<!tpu.dma_semaphore, #tpu.memory_space<semaphore_mem>>)
        %get3A_851 = arith.index_cast %add3A_780 : i32 to index
        %get3A_852 = arith.constant 112 : index
        %get3A_853 = tpu.vector_load %arg6[%get3A_851, %get3A_852] {strides = array<i32>} : memref<128x200xi32, #tpu.memory_space<vmem>>, vector<1x16xi32>,
        %get3A_854 = vector.shape_cast %get3A_853 : vector<1x16xi32> to vector<16xi32>
        %and3A_855 = arith.constant 524287 : i32
        %and3A_856 = vector.broadcast %and3A_855 : i32 to vector<16xi32>
        %and3A_857 = arith.andi %get3A_854, %and3A_856 : vector<16xi32>
        %dma_start3A_858 = arith.constant 0 : i32
        %dma_start3A_859 = arith.constant 0 : i32
        %dma_start3A_860 = tpu.memref_slice %arg2[%dma_start3A_858, %dma_start3A_859] : memref<524288x128xf32, #tpu.memory_space<hbm>> -> memref<524288x128xf32, #tpu.memory_space<hbm>>
        tpu.enqueue_indirect_dma source(%dma_start3A_860 : memref<524288x128xf32, #tpu.memory_space<hbm>>) target(%arg29 : memref<16x128xf32, #tpu.memory_space<vmem>>) offsets(%and3A_857 : vector<16xi32>) semaphore(%arg36 : memref<!tpu.dma_semaphore, #tpu.memory_space<semaphore_mem>>)
        %get3A_861 = arith.index_cast %add3A_780 : i32 to index
        %get3A_862 = arith.constant 128 : index
        %get3A_863 = tpu.vector_load %arg6[%get3A_861, %get3A_862] {strides = array<i32>} : memref<128x200xi32, #tpu.memory_space<vmem>>, vector<1x16xi32>,
        %get3A_864 = vector.shape_cast %get3A_863 : vector<1x16xi32> to vector<16xi32>
        %and3A_865 = arith.constant 524287 : i32
        %and3A_866 = vector.broadcast %and3A_865 : i32 to vector<16xi32>
        %and3A_867 = arith.andi %get3A_864, %and3A_866 : vector<16xi32>
        %dma_start3A_868 = arith.constant 0 : i32
        %dma_start3A_869 = arith.constant 0 : i32
        %dma_start3A_870 = tpu.memref_slice %arg2[%dma_start3A_868, %dma_start3A_869] : memref<524288x128xf32, #tpu.memory_space<hbm>> -> memref<524288x128xf32, #tpu.memory_space<hbm>>
        tpu.enqueue_indirect_dma source(%dma_start3A_870 : memref<524288x128xf32, #tpu.memory_space<hbm>>) target(%arg30 : memref<16x128xf32, #tpu.memory_space<vmem>>) offsets(%and3A_867 : vector<16xi32>) semaphore(%arg36 : memref<!tpu.dma_semaphore, #tpu.memory_space<semaphore_mem>>)
        %get3A_871 = arith.index_cast %add3A_780 : i32 to index
        %get3A_872 = arith.constant 144 : index
        %get3A_873 = tpu.vector_load %arg6[%get3A_871, %get3A_872] {strides = array<i32>} : memref<128x200xi32, #tpu.memory_space<vmem>>, vector<1x16xi32>,
        %get3A_874 = vector.shape_cast %get3A_873 : vector<1x16xi32> to vector<16xi32>
        %and3A_875 = arith.constant 524287 : i32
        %and3A_876 = vector.broadcast %and3A_875 : i32 to vector<16xi32>
        %and3A_877 = arith.andi %get3A_874, %and3A_876 : vector<16xi32>
        %dma_start3A_878 = arith.constant 0 : i32
        %dma_start3A_879 = arith.constant 0 : i32
        %dma_start3A_880 = tpu.memref_slice %arg2[%dma_start3A_878, %dma_start3A_879] : memref<524288x128xf32, #tpu.memory_space<hbm>> -> memref<524288x128xf32, #tpu.memory_space<hbm>>
        tpu.enqueue_indirect_dma source(%dma_start3A_880 : memref<524288x128xf32, #tpu.memory_space<hbm>>) target(%arg31 : memref<16x128xf32, #tpu.memory_space<vmem>>) offsets(%and3A_877 : vector<16xi32>) semaphore(%arg36 : memref<!tpu.dma_semaphore, #tpu.memory_space<semaphore_mem>>)
        %get3A_881 = arith.index_cast %add3A_780 : i32 to index
        %get3A_882 = arith.constant 160 : index
        %get3A_883 = tpu.vector_load %arg6[%get3A_881, %get3A_882] {strides = array<i32>} : memref<128x200xi32, #tpu.memory_space<vmem>>, vector<1x16xi32>,
        %get3A_884 = vector.shape_cast %get3A_883 : vector<1x16xi32> to vector<16xi32>
        %and3A_885 = arith.constant 524287 : i32
        %and3A_886 = vector.broadcast %and3A_885 : i32 to vector<16xi32>
        %and3A_887 = arith.andi %get3A_884, %and3A_886 : vector<16xi32>
        %dma_start3A_888 = arith.constant 0 : i32
        %dma_start3A_889 = arith.constant 0 : i32
        %dma_start3A_890 = tpu.memref_slice %arg2[%dma_start3A_888, %dma_start3A_889] : memref<524288x128xf32, #tpu.memory_space<hbm>> -> memref<524288x128xf32, #tpu.memory_space<hbm>>
        tpu.enqueue_indirect_dma source(%dma_start3A_890 : memref<524288x128xf32, #tpu.memory_space<hbm>>) target(%arg32 : memref<16x128xf32, #tpu.memory_space<vmem>>) offsets(%and3A_887 : vector<16xi32>) semaphore(%arg36 : memref<!tpu.dma_semaphore, #tpu.memory_space<semaphore_mem>>)
        %get3A_891 = arith.index_cast %add3A_780 : i32 to index
        %get3A_892 = arith.constant 176 : index
        %get3A_893 = tpu.vector_load %arg6[%get3A_891, %get3A_892] {strides = array<i32>} : memref<128x200xi32, #tpu.memory_space<vmem>>, vector<1x16xi32>,
        %get3A_894 = vector.shape_cast %get3A_893 : vector<1x16xi32> to vector<16xi32>
        %and3A_895 = arith.constant 524287 : i32
        %and3A_896 = vector.broadcast %and3A_895 : i32 to vector<16xi32>
        %and3A_897 = arith.andi %get3A_894, %and3A_896 : vector<16xi32>
        %dma_start3A_898 = arith.constant 0 : i32
        %dma_start3A_899 = arith.constant 0 : i32
        %dma_start3A_900 = tpu.memref_slice %arg2[%dma_start3A_898, %dma_start3A_899] : memref<524288x128xf32, #tpu.memory_space<hbm>> -> memref<524288x128xf32, #tpu.memory_space<hbm>>
        tpu.enqueue_indirect_dma source(%dma_start3A_900 : memref<524288x128xf32, #tpu.memory_space<hbm>>) target(%arg33 : memref<16x128xf32, #tpu.memory_space<vmem>>) offsets(%and3A_897 : vector<16xi32>) semaphore(%arg36 : memref<!tpu.dma_semaphore, #tpu.memory_space<semaphore_mem>>)
        %get3A_901 = arith.index_cast %add3A_780 : i32 to index
        %get3A_902 = arith.constant 184 : index
        %get3A_903 = tpu.vector_load %arg6[%get3A_901, %get3A_902] {strides = array<i32>} : memref<128x200xi32, #tpu.memory_space<vmem>>, vector<1x16xi32>,
        %get3A_904 = vector.shape_cast %get3A_903 : vector<1x16xi32> to vector<16xi32>
        %and3A_905 = arith.constant 524287 : i32
        %and3A_906 = vector.broadcast %and3A_905 : i32 to vector<16xi32>
        %and3A_907 = arith.andi %get3A_904, %and3A_906 : vector<16xi32>
        %dma_start3A_908 = arith.constant 0 : i32
        %dma_start3A_909 = arith.constant 0 : i32
        %dma_start3A_910 = tpu.memref_slice %arg2[%dma_start3A_908, %dma_start3A_909] : memref<524288x128xf32, #tpu.memory_space<hbm>> -> memref<524288x128xf32, #tpu.memory_space<hbm>>
        tpu.enqueue_indirect_dma source(%dma_start3A_910 : memref<524288x128xf32, #tpu.memory_space<hbm>>) target(%arg34 : memref<16x128xf32, #tpu.memory_space<vmem>>) offsets(%and3A_907 : vector<16xi32>) semaphore(%arg36 : memref<!tpu.dma_semaphore, #tpu.memory_space<semaphore_mem>>)
      } else {
      }
      %dma_wait3A_220 = arith.constant 0 : i32
      %dma_wait3A_221 = arith.constant 0 : i32
      %dma_wait3A_222 = tpu.memref_slice %arg2[%dma_wait3A_220, %dma_wait3A_221] : memref<524288x128xf32, #tpu.memory_space<hbm>> -> memref<524288x128xf32, #tpu.memory_space<hbm>>
      tpu.wait_indirect_dma semaphore(%arg35 : memref<!tpu.dma_semaphore, #tpu.memory_space<semaphore_mem>>) src(%dma_wait3A_222 : memref<524288x128xf32, #tpu.memory_space<hbm>>) dst(%arg9 : memref<16x128xf32, #tpu.memory_space<vmem>>)
      %dma_wait3A_223 = arith.constant 0 : i32
      %dma_wait3A_224 = arith.constant 0 : i32
      %dma_wait3A_225 = tpu.memref_slice %arg2[%dma_wait3A_223, %dma_wait3A_224] : memref<524288x128xf32, #tpu.memory_space<hbm>> -> memref<524288x128xf32, #tpu.memory_space<hbm>>
      tpu.wait_indirect_dma semaphore(%arg35 : memref<!tpu.dma_semaphore, #tpu.memory_space<semaphore_mem>>) src(%dma_wait3A_225 : memref<524288x128xf32, #tpu.memory_space<hbm>>) dst(%arg10 : memref<16x128xf32, #tpu.memory_space<vmem>>)
      %dma_wait3A_226 = arith.constant 0 : i32
      %dma_wait3A_227 = arith.constant 0 : i32
      %dma_wait3A_228 = tpu.memref_slice %arg2[%dma_wait3A_226, %dma_wait3A_227] : memref<524288x128xf32, #tpu.memory_space<hbm>> -> memref<524288x128xf32, #tpu.memory_space<hbm>>
      tpu.wait_indirect_dma semaphore(%arg35 : memref<!tpu.dma_semaphore, #tpu.memory_space<semaphore_mem>>) src(%dma_wait3A_228 : memref<524288x128xf32, #tpu.memory_space<hbm>>) dst(%arg11 : memref<16x128xf32, #tpu.memory_space<vmem>>)
      %dma_wait3A_229 = arith.constant 0 : i32
      %dma_wait3A_230 = arith.constant 0 : i32
      %dma_wait3A_231 = tpu.memref_slice %arg2[%dma_wait3A_229, %dma_wait3A_230] : memref<524288x128xf32, #tpu.memory_space<hbm>> -> memref<524288x128xf32, #tpu.memory_space<hbm>>
      tpu.wait_indirect_dma semaphore(%arg35 : memref<!tpu.dma_semaphore, #tpu.memory_space<semaphore_mem>>) src(%dma_wait3A_231 : memref<524288x128xf32, #tpu.memory_space<hbm>>) dst(%arg12 : memref<16x128xf32, #tpu.memory_space<vmem>>)
      %dma_wait3A_232 = arith.constant 0 : i32
      %dma_wait3A_233 = arith.constant 0 : i32
      %dma_wait3A_234 = tpu.memref_slice %arg2[%dma_wait3A_232, %dma_wait3A_233] : memref<524288x128xf32, #tpu.memory_space<hbm>> -> memref<524288x128xf32, #tpu.memory_space<hbm>>
      tpu.wait_indirect_dma semaphore(%arg35 : memref<!tpu.dma_semaphore, #tpu.memory_space<semaphore_mem>>) src(%dma_wait3A_234 : memref<524288x128xf32, #tpu.memory_space<hbm>>) dst(%arg13 : memref<16x128xf32, #tpu.memory_space<vmem>>)
      %dma_wait3A_235 = arith.constant 0 : i32
      %dma_wait3A_236 = arith.constant 0 : i32
      %dma_wait3A_237 = tpu.memref_slice %arg2[%dma_wait3A_235, %dma_wait3A_236] : memref<524288x128xf32, #tpu.memory_space<hbm>> -> memref<524288x128xf32, #tpu.memory_space<hbm>>
      tpu.wait_indirect_dma semaphore(%arg35 : memref<!tpu.dma_semaphore, #tpu.memory_space<semaphore_mem>>) src(%dma_wait3A_237 : memref<524288x128xf32, #tpu.memory_space<hbm>>) dst(%arg14 : memref<16x128xf32, #tpu.memory_space<vmem>>)
      %dma_wait3A_238 = arith.constant 0 : i32
      %dma_wait3A_239 = arith.constant 0 : i32
      %dma_wait3A_240 = tpu.memref_slice %arg2[%dma_wait3A_238, %dma_wait3A_239] : memref<524288x128xf32, #tpu.memory_space<hbm>> -> memref<524288x128xf32, #tpu.memory_space<hbm>>
      tpu.wait_indirect_dma semaphore(%arg35 : memref<!tpu.dma_semaphore, #tpu.memory_space<semaphore_mem>>) src(%dma_wait3A_240 : memref<524288x128xf32, #tpu.memory_space<hbm>>) dst(%arg15 : memref<16x128xf32, #tpu.memory_space<vmem>>)
      %dma_wait3A_241 = arith.constant 0 : i32
      %dma_wait3A_242 = arith.constant 0 : i32
      %dma_wait3A_243 = tpu.memref_slice %arg2[%dma_wait3A_241, %dma_wait3A_242] : memref<524288x128xf32, #tpu.memory_space<hbm>> -> memref<524288x128xf32, #tpu.memory_space<hbm>>
      tpu.wait_indirect_dma semaphore(%arg35 : memref<!tpu.dma_semaphore, #tpu.memory_space<semaphore_mem>>) src(%dma_wait3A_243 : memref<524288x128xf32, #tpu.memory_space<hbm>>) dst(%arg16 : memref<16x128xf32, #tpu.memory_space<vmem>>)
      %dma_wait3A_244 = arith.constant 0 : i32
      %dma_wait3A_245 = arith.constant 0 : i32
      %dma_wait3A_246 = tpu.memref_slice %arg2[%dma_wait3A_244, %dma_wait3A_245] : memref<524288x128xf32, #tpu.memory_space<hbm>> -> memref<524288x128xf32, #tpu.memory_space<hbm>>
      tpu.wait_indirect_dma semaphore(%arg35 : memref<!tpu.dma_semaphore, #tpu.memory_space<semaphore_mem>>) src(%dma_wait3A_246 : memref<524288x128xf32, #tpu.memory_space<hbm>>) dst(%arg17 : memref<16x128xf32, #tpu.memory_space<vmem>>)
      %dma_wait3A_247 = arith.constant 0 : i32
      %dma_wait3A_248 = arith.constant 0 : i32
      %dma_wait3A_249 = tpu.memref_slice %arg2[%dma_wait3A_247, %dma_wait3A_248] : memref<524288x128xf32, #tpu.memory_space<hbm>> -> memref<524288x128xf32, #tpu.memory_space<hbm>>
      tpu.wait_indirect_dma semaphore(%arg35 : memref<!tpu.dma_semaphore, #tpu.memory_space<semaphore_mem>>) src(%dma_wait3A_249 : memref<524288x128xf32, #tpu.memory_space<hbm>>) dst(%arg18 : memref<16x128xf32, #tpu.memory_space<vmem>>)
      %dma_wait3A_250 = arith.constant 0 : i32
      %dma_wait3A_251 = arith.constant 0 : i32
      %dma_wait3A_252 = tpu.memref_slice %arg2[%dma_wait3A_250, %dma_wait3A_251] : memref<524288x128xf32, #tpu.memory_space<hbm>> -> memref<524288x128xf32, #tpu.memory_space<hbm>>
      tpu.wait_indirect_dma semaphore(%arg35 : memref<!tpu.dma_semaphore, #tpu.memory_space<semaphore_mem>>) src(%dma_wait3A_252 : memref<524288x128xf32, #tpu.memory_space<hbm>>) dst(%arg19 : memref<16x128xf32, #tpu.memory_space<vmem>>)
      %dma_wait3A_253 = arith.constant 0 : i32
      %dma_wait3A_254 = arith.constant 0 : i32
      %dma_wait3A_255 = tpu.memref_slice %arg2[%dma_wait3A_253, %dma_wait3A_254] : memref<524288x128xf32, #tpu.memory_space<hbm>> -> memref<524288x128xf32, #tpu.memory_space<hbm>>
      tpu.wait_indirect_dma semaphore(%arg35 : memref<!tpu.dma_semaphore, #tpu.memory_space<semaphore_mem>>) src(%dma_wait3A_255 : memref<524288x128xf32, #tpu.memory_space<hbm>>) dst(%arg20 : memref<16x128xf32, #tpu.memory_space<vmem>>)
      %dma_wait3A_256 = arith.constant 0 : i32
      %dma_wait3A_257 = arith.constant 0 : i32
      %dma_wait3A_258 = tpu.memref_slice %arg2[%dma_wait3A_256, %dma_wait3A_257] : memref<524288x128xf32, #tpu.memory_space<hbm>> -> memref<524288x128xf32, #tpu.memory_space<hbm>>
      tpu.wait_indirect_dma semaphore(%arg35 : memref<!tpu.dma_semaphore, #tpu.memory_space<semaphore_mem>>) src(%dma_wait3A_258 : memref<524288x128xf32, #tpu.memory_space<hbm>>) dst(%arg21 : memref<16x128xf32, #tpu.memory_space<vmem>>)
      %shift_right_arithmetic3A = arith.constant 4 : i32
      %shift_right_arithmetic3A_259 = arith.shrsi %add3A_211, %shift_right_arithmetic3A : i32
      %shift_left3A = arith.constant 4 : i32
      %shift_left3A_260 = arith.shli %shift_right_arithmetic3A_259, %shift_left3A : i32
      %get3A_261 = arith.index_cast %shift_left3A_260 : i32 to index
      %get3A_262 = tpu.vector_load %arg7[%get3A_261] {strides = array<i32>} : memref<128xi32, #tpu.memory_space<vmem>>, vector<16xi32>,
      %get3A_263 = vector.shape_cast %get3A_262 : vector<16xi32> to vector<16xi32>
      %and3A_264 = arith.constant 15 : i32
      %and3A_265 = arith.andi %add3A_211, %and3A_264 : i32
      %broadcast_in_dim3A_266 = vector.broadcast %and3A_265 : i32 to vector<16xi32>
      %lt3A_267 = arith.constant 0 : i32
      %lt3A_268 = vector.broadcast %lt3A_267 : i32 to vector<16xi32>
      %lt3A_269 = arith.cmpi slt, %broadcast_in_dim3A_266, %lt3A_268 : vector<16xi32>
      %add3A_270 = arith.constant 16 : i32
      %add3A_271 = vector.broadcast %add3A_270 : i32 to vector<16xi32>
      %add3A_272 = arith.addi %broadcast_in_dim3A_266, %add3A_271 : vector<16xi32>
      %select_n3A = arith.select %lt3A_269, %add3A_272, %broadcast_in_dim3A_266 : vector<16xi1>, vector<16xi32>
      %broadcast_in_dim3A_273 = vector.shape_cast %select_n3A : vector<16xi32> to vector<16x1xi32>
      %gather3A = vector.shape_cast %broadcast_in_dim3A_273 : vector<16x1xi32> to vector<16xi32>
      %gather3A_274 = tpu.dynamic_gather %get3A_263[%gather3A] in [0] : vector<16xi32>, vector<16xi32> -> vector<16xi32>
      %mul3A_275 = arith.constant 2 : i32
      %mul3A_276 = arith.muli %mul3A_275, %add3A_211 : i32
      %add3A_277 = arith.addi %mul3A_6, %mul3A_276 : i32
      %broadcast_in_dim3A_278 = vector.broadcast %add3A_277 : i32 to vector<16xi32>
      %get3A_279 = arith.index_cast %add3A_211 : i32 to index
      %get3A_280 = arith.constant 0 : index
      %get3A_281 = tpu.vector_load %arg6[%get3A_279, %get3A_280] {strides = array<i32>} : memref<128x200xi32, #tpu.memory_space<vmem>>, vector<1x16xi32>,
      %get3A_282 = vector.shape_cast %get3A_281 : vector<1x16xi32> to vector<16xi32>
      %add3A_283 = arith.constant 0 : i32
      %add3A_284 = vector.broadcast %add3A_283 : i32 to vector<16xi32>
      %add3A_285 = arith.addi %iota3A, %add3A_284 : vector<16xi32>
      %lt3A_286 = arith.cmpi slt, %add3A_285, %gather3A_274 : vector<16xi32>
      %shift_right_arithmetic3A_287 = arith.constant 19 : i32
      %shift_right_arithmetic3A_288 = vector.broadcast %shift_right_arithmetic3A_287 : i32 to vector<16xi32>
      %shift_right_arithmetic3A_289 = arith.shrsi %get3A_282, %shift_right_arithmetic3A_288 : vector<16xi32>
      %add3A_290 = arith.addi %broadcast_in_dim3A_278, %shift_right_arithmetic3A_289 : vector<16xi32>
      %select_n3A_291 = arith.select %lt3A_286, %add3A_290, %add3A_20 : vector<16xi1>, vector<16xi32>
      %dma_start3A_292 = arith.constant 0 : i32
      %dma_start3A_293 = arith.constant 0 : i32
      %dma_start3A_294 = tpu.memref_slice %arg8[%dma_start3A_292, %dma_start3A_293] : memref<4112x128xf32, #tpu.memory_space<vmem_shared>> -> memref<4112x128xf32, #tpu.memory_space<vmem_shared>>
      tpu.enqueue_indirect_dma source(%arg9 : memref<16x128xf32, #tpu.memory_space<vmem>>) target(%dma_start3A_294 : memref<4112x128xf32, #tpu.memory_space<vmem_shared>>) offsets(%select_n3A_291 : vector<16xi32>) semaphore(%arg37 : memref<!tpu.dma_semaphore, #tpu.memory_space<semaphore_mem>>) {add = true}
      %get3A_295 = arith.index_cast %add3A_211 : i32 to index
      %get3A_296 = arith.constant 16 : index
      %get3A_297 = tpu.vector_load %arg6[%get3A_295, %get3A_296] {strides = array<i32>} : memref<128x200xi32, #tpu.memory_space<vmem>>, vector<1x16xi32>,
      %get3A_298 = vector.shape_cast %get3A_297 : vector<1x16xi32> to vector<16xi32>
      %add3A_299 = arith.constant 16 : i32
      %add3A_300 = vector.broadcast %add3A_299 : i32 to vector<16xi32>
      %add3A_301 = arith.addi %iota3A, %add3A_300 : vector<16xi32>
      %lt3A_302 = arith.cmpi slt, %add3A_301, %gather3A_274 : vector<16xi32>
      %shift_right_arithmetic3A_303 = arith.constant 19 : i32
      %shift_right_arithmetic3A_304 = vector.broadcast %shift_right_arithmetic3A_303 : i32 to vector<16xi32>
      %shift_right_arithmetic3A_305 = arith.shrsi %get3A_298, %shift_right_arithmetic3A_304 : vector<16xi32>
      %add3A_306 = arith.addi %broadcast_in_dim3A_278, %shift_right_arithmetic3A_305 : vector<16xi32>
      %select_n3A_307 = arith.select %lt3A_302, %add3A_306, %add3A_20 : vector<16xi1>, vector<16xi32>
      %dma_start3A_308 = arith.constant 0 : i32
      %dma_start3A_309 = arith.constant 0 : i32
      %dma_start3A_310 = tpu.memref_slice %arg8[%dma_start3A_308, %dma_start3A_309] : memref<4112x128xf32, #tpu.memory_space<vmem_shared>> -> memref<4112x128xf32, #tpu.memory_space<vmem_shared>>
      tpu.enqueue_indirect_dma source(%arg10 : memref<16x128xf32, #tpu.memory_space<vmem>>) target(%dma_start3A_310 : memref<4112x128xf32, #tpu.memory_space<vmem_shared>>) offsets(%select_n3A_307 : vector<16xi32>) semaphore(%arg37 : memref<!tpu.dma_semaphore, #tpu.memory_space<semaphore_mem>>) {add = true}
      %get3A_311 = arith.index_cast %add3A_211 : i32 to index
      %get3A_312 = arith.constant 32 : index
      %get3A_313 = tpu.vector_load %arg6[%get3A_311, %get3A_312] {strides = array<i32>} : memref<128x200xi32, #tpu.memory_space<vmem>>, vector<1x16xi32>,
      %get3A_314 = vector.shape_cast %get3A_313 : vector<1x16xi32> to vector<16xi32>
      %add3A_315 = arith.constant 32 : i32
      %add3A_316 = vector.broadcast %add3A_315 : i32 to vector<16xi32>
      %add3A_317 = arith.addi %iota3A, %add3A_316 : vector<16xi32>
      %lt3A_318 = arith.cmpi slt, %add3A_317, %gather3A_274 : vector<16xi32>
      %shift_right_arithmetic3A_319 = arith.constant 19 : i32
      %shift_right_arithmetic3A_320 = vector.broadcast %shift_right_arithmetic3A_319 : i32 to vector<16xi32>
      %shift_right_arithmetic3A_321 = arith.shrsi %get3A_314, %shift_right_arithmetic3A_320 : vector<16xi32>
      %add3A_322 = arith.addi %broadcast_in_dim3A_278, %shift_right_arithmetic3A_321 : vector<16xi32>
      %select_n3A_323 = arith.select %lt3A_318, %add3A_322, %add3A_20 : vector<16xi1>, vector<16xi32>
      %dma_start3A_324 = arith.constant 0 : i32
      %dma_start3A_325 = arith.constant 0 : i32
      %dma_start3A_326 = tpu.memref_slice %arg8[%dma_start3A_324, %dma_start3A_325] : memref<4112x128xf32, #tpu.memory_space<vmem_shared>> -> memref<4112x128xf32, #tpu.memory_space<vmem_shared>>
      tpu.enqueue_indirect_dma source(%arg11 : memref<16x128xf32, #tpu.memory_space<vmem>>) target(%dma_start3A_326 : memref<4112x128xf32, #tpu.memory_space<vmem_shared>>) offsets(%select_n3A_323 : vector<16xi32>) semaphore(%arg37 : memref<!tpu.dma_semaphore, #tpu.memory_space<semaphore_mem>>) {add = true}
      %get3A_327 = arith.index_cast %add3A_211 : i32 to index
      %get3A_328 = arith.constant 48 : index
      %get3A_329 = tpu.vector_load %arg6[%get3A_327, %get3A_328] {strides = array<i32>} : memref<128x200xi32, #tpu.memory_space<vmem>>, vector<1x16xi32>,
      %get3A_330 = vector.shape_cast %get3A_329 : vector<1x16xi32> to vector<16xi32>
      %add3A_331 = arith.constant 48 : i32
      %add3A_332 = vector.broadcast %add3A_331 : i32 to vector<16xi32>
      %add3A_333 = arith.addi %iota3A, %add3A_332 : vector<16xi32>
      %lt3A_334 = arith.cmpi slt, %add3A_333, %gather3A_274 : vector<16xi32>
      %shift_right_arithmetic3A_335 = arith.constant 19 : i32
      %shift_right_arithmetic3A_336 = vector.broadcast %shift_right_arithmetic3A_335 : i32 to vector<16xi32>
      %shift_right_arithmetic3A_337 = arith.shrsi %get3A_330, %shift_right_arithmetic3A_336 : vector<16xi32>
      %add3A_338 = arith.addi %broadcast_in_dim3A_278, %shift_right_arithmetic3A_337 : vector<16xi32>
      %select_n3A_339 = arith.select %lt3A_334, %add3A_338, %add3A_20 : vector<16xi1>, vector<16xi32>
      %dma_start3A_340 = arith.constant 0 : i32
      %dma_start3A_341 = arith.constant 0 : i32
      %dma_start3A_342 = tpu.memref_slice %arg8[%dma_start3A_340, %dma_start3A_341] : memref<4112x128xf32, #tpu.memory_space<vmem_shared>> -> memref<4112x128xf32, #tpu.memory_space<vmem_shared>>
      tpu.enqueue_indirect_dma source(%arg12 : memref<16x128xf32, #tpu.memory_space<vmem>>) target(%dma_start3A_342 : memref<4112x128xf32, #tpu.memory_space<vmem_shared>>) offsets(%select_n3A_339 : vector<16xi32>) semaphore(%arg37 : memref<!tpu.dma_semaphore, #tpu.memory_space<semaphore_mem>>) {add = true}
      %get3A_343 = arith.index_cast %add3A_211 : i32 to index
      %get3A_344 = arith.constant 64 : index
      %get3A_345 = tpu.vector_load %arg6[%get3A_343, %get3A_344] {strides = array<i32>} : memref<128x200xi32, #tpu.memory_space<vmem>>, vector<1x16xi32>,
      %get3A_346 = vector.shape_cast %get3A_345 : vector<1x16xi32> to vector<16xi32>
      %add3A_347 = arith.constant 64 : i32
      %add3A_348 = vector.broadcast %add3A_347 : i32 to vector<16xi32>
      %add3A_349 = arith.addi %iota3A, %add3A_348 : vector<16xi32>
      %lt3A_350 = arith.cmpi slt, %add3A_349, %gather3A_274 : vector<16xi32>
      %shift_right_arithmetic3A_351 = arith.constant 19 : i32
      %shift_right_arithmetic3A_352 = vector.broadcast %shift_right_arithmetic3A_351 : i32 to vector<16xi32>
      %shift_right_arithmetic3A_353 = arith.shrsi %get3A_346, %shift_right_arithmetic3A_352 : vector<16xi32>
      %add3A_354 = arith.addi %broadcast_in_dim3A_278, %shift_right_arithmetic3A_353 : vector<16xi32>
      %select_n3A_355 = arith.select %lt3A_350, %add3A_354, %add3A_20 : vector<16xi1>, vector<16xi32>
      %dma_start3A_356 = arith.constant 0 : i32
      %dma_start3A_357 = arith.constant 0 : i32
      %dma_start3A_358 = tpu.memref_slice %arg8[%dma_start3A_356, %dma_start3A_357] : memref<4112x128xf32, #tpu.memory_space<vmem_shared>> -> memref<4112x128xf32, #tpu.memory_space<vmem_shared>>
      tpu.enqueue_indirect_dma source(%arg13 : memref<16x128xf32, #tpu.memory_space<vmem>>) target(%dma_start3A_358 : memref<4112x128xf32, #tpu.memory_space<vmem_shared>>) offsets(%select_n3A_355 : vector<16xi32>) semaphore(%arg37 : memref<!tpu.dma_semaphore, #tpu.memory_space<semaphore_mem>>) {add = true}
      %get3A_359 = arith.index_cast %add3A_211 : i32 to index
      %get3A_360 = arith.constant 80 : index
      %get3A_361 = tpu.vector_load %arg6[%get3A_359, %get3A_360] {strides = array<i32>} : memref<128x200xi32, #tpu.memory_space<vmem>>, vector<1x16xi32>,
      %get3A_362 = vector.shape_cast %get3A_361 : vector<1x16xi32> to vector<16xi32>
      %add3A_363 = arith.constant 80 : i32
      %add3A_364 = vector.broadcast %add3A_363 : i32 to vector<16xi32>
      %add3A_365 = arith.addi %iota3A, %add3A_364 : vector<16xi32>
      %lt3A_366 = arith.cmpi slt, %add3A_365, %gather3A_274 : vector<16xi32>
      %shift_right_arithmetic3A_367 = arith.constant 19 : i32
      %shift_right_arithmetic3A_368 = vector.broadcast %shift_right_arithmetic3A_367 : i32 to vector<16xi32>
      %shift_right_arithmetic3A_369 = arith.shrsi %get3A_362, %shift_right_arithmetic3A_368 : vector<16xi32>
      %add3A_370 = arith.addi %broadcast_in_dim3A_278, %shift_right_arithmetic3A_369 : vector<16xi32>
      %select_n3A_371 = arith.select %lt3A_366, %add3A_370, %add3A_20 : vector<16xi1>, vector<16xi32>
      %dma_start3A_372 = arith.constant 0 : i32
      %dma_start3A_373 = arith.constant 0 : i32
      %dma_start3A_374 = tpu.memref_slice %arg8[%dma_start3A_372, %dma_start3A_373] : memref<4112x128xf32, #tpu.memory_space<vmem_shared>> -> memref<4112x128xf32, #tpu.memory_space<vmem_shared>>
      tpu.enqueue_indirect_dma source(%arg14 : memref<16x128xf32, #tpu.memory_space<vmem>>) target(%dma_start3A_374 : memref<4112x128xf32, #tpu.memory_space<vmem_shared>>) offsets(%select_n3A_371 : vector<16xi32>) semaphore(%arg37 : memref<!tpu.dma_semaphore, #tpu.memory_space<semaphore_mem>>) {add = true}
      %get3A_375 = arith.index_cast %add3A_211 : i32 to index
      %get3A_376 = arith.constant 96 : index
      %get3A_377 = tpu.vector_load %arg6[%get3A_375, %get3A_376] {strides = array<i32>} : memref<128x200xi32, #tpu.memory_space<vmem>>, vector<1x16xi32>,
      %get3A_378 = vector.shape_cast %get3A_377 : vector<1x16xi32> to vector<16xi32>
      %add3A_379 = arith.constant 96 : i32
      %add3A_380 = vector.broadcast %add3A_379 : i32 to vector<16xi32>
      %add3A_381 = arith.addi %iota3A, %add3A_380 : vector<16xi32>
      %lt3A_382 = arith.cmpi slt, %add3A_381, %gather3A_274 : vector<16xi32>
      %shift_right_arithmetic3A_383 = arith.constant 19 : i32
      %shift_right_arithmetic3A_384 = vector.broadcast %shift_right_arithmetic3A_383 : i32 to vector<16xi32>
      %shift_right_arithmetic3A_385 = arith.shrsi %get3A_378, %shift_right_arithmetic3A_384 : vector<16xi32>
      %add3A_386 = arith.addi %broadcast_in_dim3A_278, %shift_right_arithmetic3A_385 : vector<16xi32>
      %select_n3A_387 = arith.select %lt3A_382, %add3A_386, %add3A_20 : vector<16xi1>, vector<16xi32>
      %dma_start3A_388 = arith.constant 0 : i32
      %dma_start3A_389 = arith.constant 0 : i32
      %dma_start3A_390 = tpu.memref_slice %arg8[%dma_start3A_388, %dma_start3A_389] : memref<4112x128xf32, #tpu.memory_space<vmem_shared>> -> memref<4112x128xf32, #tpu.memory_space<vmem_shared>>
      tpu.enqueue_indirect_dma source(%arg15 : memref<16x128xf32, #tpu.memory_space<vmem>>) target(%dma_start3A_390 : memref<4112x128xf32, #tpu.memory_space<vmem_shared>>) offsets(%select_n3A_387 : vector<16xi32>) semaphore(%arg37 : memref<!tpu.dma_semaphore, #tpu.memory_space<semaphore_mem>>) {add = true}
      %get3A_391 = arith.index_cast %add3A_211 : i32 to index
      %get3A_392 = arith.constant 112 : index
      %get3A_393 = tpu.vector_load %arg6[%get3A_391, %get3A_392] {strides = array<i32>} : memref<128x200xi32, #tpu.memory_space<vmem>>, vector<1x16xi32>,
      %get3A_394 = vector.shape_cast %get3A_393 : vector<1x16xi32> to vector<16xi32>
      %add3A_395 = arith.constant 112 : i32
      %add3A_396 = vector.broadcast %add3A_395 : i32 to vector<16xi32>
      %add3A_397 = arith.addi %iota3A, %add3A_396 : vector<16xi32>
      %lt3A_398 = arith.cmpi slt, %add3A_397, %gather3A_274 : vector<16xi32>
      %shift_right_arithmetic3A_399 = arith.constant 19 : i32
      %shift_right_arithmetic3A_400 = vector.broadcast %shift_right_arithmetic3A_399 : i32 to vector<16xi32>
      %shift_right_arithmetic3A_401 = arith.shrsi %get3A_394, %shift_right_arithmetic3A_400 : vector<16xi32>
      %add3A_402 = arith.addi %broadcast_in_dim3A_278, %shift_right_arithmetic3A_401 : vector<16xi32>
      %select_n3A_403 = arith.select %lt3A_398, %add3A_402, %add3A_20 : vector<16xi1>, vector<16xi32>
      %dma_start3A_404 = arith.constant 0 : i32
      %dma_start3A_405 = arith.constant 0 : i32
      %dma_start3A_406 = tpu.memref_slice %arg8[%dma_start3A_404, %dma_start3A_405] : memref<4112x128xf32, #tpu.memory_space<vmem_shared>> -> memref<4112x128xf32, #tpu.memory_space<vmem_shared>>
      tpu.enqueue_indirect_dma source(%arg16 : memref<16x128xf32, #tpu.memory_space<vmem>>) target(%dma_start3A_406 : memref<4112x128xf32, #tpu.memory_space<vmem_shared>>) offsets(%select_n3A_403 : vector<16xi32>) semaphore(%arg37 : memref<!tpu.dma_semaphore, #tpu.memory_space<semaphore_mem>>) {add = true}
      %get3A_407 = arith.index_cast %add3A_211 : i32 to index
      %get3A_408 = arith.constant 128 : index
      %get3A_409 = tpu.vector_load %arg6[%get3A_407, %get3A_408] {strides = array<i32>} : memref<128x200xi32, #tpu.memory_space<vmem>>, vector<1x16xi32>,
      %get3A_410 = vector.shape_cast %get3A_409 : vector<1x16xi32> to vector<16xi32>
      %add3A_411 = arith.constant 128 : i32
      %add3A_412 = vector.broadcast %add3A_411 : i32 to vector<16xi32>
      %add3A_413 = arith.addi %iota3A, %add3A_412 : vector<16xi32>
      %lt3A_414 = arith.cmpi slt, %add3A_413, %gather3A_274 : vector<16xi32>
      %shift_right_arithmetic3A_415 = arith.constant 19 : i32
      %shift_right_arithmetic3A_416 = vector.broadcast %shift_right_arithmetic3A_415 : i32 to vector<16xi32>
      %shift_right_arithmetic3A_417 = arith.shrsi %get3A_410, %shift_right_arithmetic3A_416 : vector<16xi32>
      %add3A_418 = arith.addi %broadcast_in_dim3A_278, %shift_right_arithmetic3A_417 : vector<16xi32>
      %select_n3A_419 = arith.select %lt3A_414, %add3A_418, %add3A_20 : vector<16xi1>, vector<16xi32>
      %dma_start3A_420 = arith.constant 0 : i32
      %dma_start3A_421 = arith.constant 0 : i32
      %dma_start3A_422 = tpu.memref_slice %arg8[%dma_start3A_420, %dma_start3A_421] : memref<4112x128xf32, #tpu.memory_space<vmem_shared>> -> memref<4112x128xf32, #tpu.memory_space<vmem_shared>>
      tpu.enqueue_indirect_dma source(%arg17 : memref<16x128xf32, #tpu.memory_space<vmem>>) target(%dma_start3A_422 : memref<4112x128xf32, #tpu.memory_space<vmem_shared>>) offsets(%select_n3A_419 : vector<16xi32>) semaphore(%arg37 : memref<!tpu.dma_semaphore, #tpu.memory_space<semaphore_mem>>) {add = true}
      %get3A_423 = arith.index_cast %add3A_211 : i32 to index
      %get3A_424 = arith.constant 144 : index
      %get3A_425 = tpu.vector_load %arg6[%get3A_423, %get3A_424] {strides = array<i32>} : memref<128x200xi32, #tpu.memory_space<vmem>>, vector<1x16xi32>,
      %get3A_426 = vector.shape_cast %get3A_425 : vector<1x16xi32> to vector<16xi32>
      %add3A_427 = arith.constant 144 : i32
      %add3A_428 = vector.broadcast %add3A_427 : i32 to vector<16xi32>
      %add3A_429 = arith.addi %iota3A, %add3A_428 : vector<16xi32>
      %lt3A_430 = arith.cmpi slt, %add3A_429, %gather3A_274 : vector<16xi32>
      %shift_right_arithmetic3A_431 = arith.constant 19 : i32
      %shift_right_arithmetic3A_432 = vector.broadcast %shift_right_arithmetic3A_431 : i32 to vector<16xi32>
      %shift_right_arithmetic3A_433 = arith.shrsi %get3A_426, %shift_right_arithmetic3A_432 : vector<16xi32>
      %add3A_434 = arith.addi %broadcast_in_dim3A_278, %shift_right_arithmetic3A_433 : vector<16xi32>
      %select_n3A_435 = arith.select %lt3A_430, %add3A_434, %add3A_20 : vector<16xi1>, vector<16xi32>
      %dma_start3A_436 = arith.constant 0 : i32
      %dma_start3A_437 = arith.constant 0 : i32
      %dma_start3A_438 = tpu.memref_slice %arg8[%dma_start3A_436, %dma_start3A_437] : memref<4112x128xf32, #tpu.memory_space<vmem_shared>> -> memref<4112x128xf32, #tpu.memory_space<vmem_shared>>
      tpu.enqueue_indirect_dma source(%arg18 : memref<16x128xf32, #tpu.memory_space<vmem>>) target(%dma_start3A_438 : memref<4112x128xf32, #tpu.memory_space<vmem_shared>>) offsets(%select_n3A_435 : vector<16xi32>) semaphore(%arg37 : memref<!tpu.dma_semaphore, #tpu.memory_space<semaphore_mem>>) {add = true}
      %get3A_439 = arith.index_cast %add3A_211 : i32 to index
      %get3A_440 = arith.constant 160 : index
      %get3A_441 = tpu.vector_load %arg6[%get3A_439, %get3A_440] {strides = array<i32>} : memref<128x200xi32, #tpu.memory_space<vmem>>, vector<1x16xi32>,
      %get3A_442 = vector.shape_cast %get3A_441 : vector<1x16xi32> to vector<16xi32>
      %add3A_443 = arith.constant 160 : i32
      %add3A_444 = vector.broadcast %add3A_443 : i32 to vector<16xi32>
      %add3A_445 = arith.addi %iota3A, %add3A_444 : vector<16xi32>
      %lt3A_446 = arith.cmpi slt, %add3A_445, %gather3A_274 : vector<16xi32>
      %shift_right_arithmetic3A_447 = arith.constant 19 : i32
      %shift_right_arithmetic3A_448 = vector.broadcast %shift_right_arithmetic3A_447 : i32 to vector<16xi32>
      %shift_right_arithmetic3A_449 = arith.shrsi %get3A_442, %shift_right_arithmetic3A_448 : vector<16xi32>
      %add3A_450 = arith.addi %broadcast_in_dim3A_278, %shift_right_arithmetic3A_449 : vector<16xi32>
      %select_n3A_451 = arith.select %lt3A_446, %add3A_450, %add3A_20 : vector<16xi1>, vector<16xi32>
      %dma_start3A_452 = arith.constant 0 : i32
      %dma_start3A_453 = arith.constant 0 : i32
      %dma_start3A_454 = tpu.memref_slice %arg8[%dma_start3A_452, %dma_start3A_453] : memref<4112x128xf32, #tpu.memory_space<vmem_shared>> -> memref<4112x128xf32, #tpu.memory_space<vmem_shared>>
      tpu.enqueue_indirect_dma source(%arg19 : memref<16x128xf32, #tpu.memory_space<vmem>>) target(%dma_start3A_454 : memref<4112x128xf32, #tpu.memory_space<vmem_shared>>) offsets(%select_n3A_451 : vector<16xi32>) semaphore(%arg37 : memref<!tpu.dma_semaphore, #tpu.memory_space<semaphore_mem>>) {add = true}
      %get3A_455 = arith.index_cast %add3A_211 : i32 to index
      %get3A_456 = arith.constant 176 : index
      %get3A_457 = tpu.vector_load %arg6[%get3A_455, %get3A_456] {strides = array<i32>} : memref<128x200xi32, #tpu.memory_space<vmem>>, vector<1x16xi32>,
      %get3A_458 = vector.shape_cast %get3A_457 : vector<1x16xi32> to vector<16xi32>
      %add3A_459 = arith.constant 176 : i32
      %add3A_460 = vector.broadcast %add3A_459 : i32 to vector<16xi32>
      %add3A_461 = arith.addi %iota3A, %add3A_460 : vector<16xi32>
      %lt3A_462 = arith.cmpi slt, %add3A_461, %gather3A_274 : vector<16xi32>
      %shift_right_arithmetic3A_463 = arith.constant 19 : i32
      %shift_right_arithmetic3A_464 = vector.broadcast %shift_right_arithmetic3A_463 : i32 to vector<16xi32>
      %shift_right_arithmetic3A_465 = arith.shrsi %get3A_458, %shift_right_arithmetic3A_464 : vector<16xi32>
      %add3A_466 = arith.addi %broadcast_in_dim3A_278, %shift_right_arithmetic3A_465 : vector<16xi32>
      %select_n3A_467 = arith.select %lt3A_462, %add3A_466, %add3A_20 : vector<16xi1>, vector<16xi32>
      %dma_start3A_468 = arith.constant 0 : i32
      %dma_start3A_469 = arith.constant 0 : i32
      %dma_start3A_470 = tpu.memref_slice %arg8[%dma_start3A_468, %dma_start3A_469] : memref<4112x128xf32, #tpu.memory_space<vmem_shared>> -> memref<4112x128xf32, #tpu.memory_space<vmem_shared>>
      tpu.enqueue_indirect_dma source(%arg20 : memref<16x128xf32, #tpu.memory_space<vmem>>) target(%dma_start3A_470 : memref<4112x128xf32, #tpu.memory_space<vmem_shared>>) offsets(%select_n3A_467 : vector<16xi32>) semaphore(%arg37 : memref<!tpu.dma_semaphore, #tpu.memory_space<semaphore_mem>>) {add = true}
      %get3A_471 = arith.index_cast %add3A_211 : i32 to index
      %get3A_472 = arith.constant 184 : index
      %get3A_473 = tpu.vector_load %arg6[%get3A_471, %get3A_472] {strides = array<i32>} : memref<128x200xi32, #tpu.memory_space<vmem>>, vector<1x16xi32>,
      %get3A_474 = vector.shape_cast %get3A_473 : vector<1x16xi32> to vector<16xi32>
      %add3A_475 = arith.constant 184 : i32
      %add3A_476 = vector.broadcast %add3A_475 : i32 to vector<16xi32>
      %add3A_477 = arith.addi %iota3A, %add3A_476 : vector<16xi32>
      %lt3A_478 = arith.cmpi slt, %add3A_477, %gather3A_274 : vector<16xi32>
      %ge3A = arith.constant 8 : i32
      %ge3A_479 = vector.broadcast %ge3A : i32 to vector<16xi32>
      %ge3A_480 = arith.cmpi sge, %iota3A, %ge3A_479 : vector<16xi32>
      %and3A_481 = arith.andi %lt3A_478, %ge3A_480 : vector<16xi1>
      %shift_right_arithmetic3A_482 = arith.constant 19 : i32
      %shift_right_arithmetic3A_483 = vector.broadcast %shift_right_arithmetic3A_482 : i32 to vector<16xi32>
      %shift_right_arithmetic3A_484 = arith.shrsi %get3A_474, %shift_right_arithmetic3A_483 : vector<16xi32>
      %add3A_485 = arith.addi %broadcast_in_dim3A_278, %shift_right_arithmetic3A_484 : vector<16xi32>
      %select_n3A_486 = arith.select %and3A_481, %add3A_485, %add3A_20 : vector<16xi1>, vector<16xi32>
      %dma_start3A_487 = arith.constant 0 : i32
      %dma_start3A_488 = arith.constant 0 : i32
      %dma_start3A_489 = tpu.memref_slice %arg8[%dma_start3A_487, %dma_start3A_488] : memref<4112x128xf32, #tpu.memory_space<vmem_shared>> -> memref<4112x128xf32, #tpu.memory_space<vmem_shared>>
      tpu.enqueue_indirect_dma source(%arg21 : memref<16x128xf32, #tpu.memory_space<vmem>>) target(%dma_start3A_489 : memref<4112x128xf32, #tpu.memory_space<vmem_shared>>) offsets(%select_n3A_486 : vector<16xi32>) semaphore(%arg37 : memref<!tpu.dma_semaphore, #tpu.memory_space<semaphore_mem>>) {add = true}
      %add3A_490 = arith.constant 1 : i32
      %add3A_491 = arith.addi %mul3A_209, %add3A_490 : i32
      %gt3A_492 = arith.constant 0 : i32
      %gt3A_493 = arith.cmpi sgt, %add3A_491, %gt3A_492 : i32
      %convert_element_type3A_494 = arith.extui %gt3A_493 : i1 to i32
      %cond3A_495 = arith.constant 0 : i32
      %cond3A_496 = arith.cmpi ne, %convert_element_type3A_494, %cond3A_495 : i32
      scf.if %cond3A_496 {
        %dma_wait3A_779 = arith.constant 0 : i32
        %dma_wait3A_780 = arith.constant 0 : i32
        %dma_wait3A_781 = tpu.memref_slice %arg8[%dma_wait3A_779, %dma_wait3A_780] : memref<4112x128xf32, #tpu.memory_space<vmem_shared>> -> memref<4112x128xf32, #tpu.memory_space<vmem_shared>>
        tpu.wait_indirect_dma semaphore(%arg37 : memref<!tpu.dma_semaphore, #tpu.memory_space<semaphore_mem>>) src(%arg9 : memref<16x128xf32, #tpu.memory_space<vmem>>) dst(%dma_wait3A_781 : memref<4112x128xf32, #tpu.memory_space<vmem_shared>>)
        %dma_wait3A_782 = arith.constant 0 : i32
        %dma_wait3A_783 = arith.constant 0 : i32
        %dma_wait3A_784 = tpu.memref_slice %arg8[%dma_wait3A_782, %dma_wait3A_783] : memref<4112x128xf32, #tpu.memory_space<vmem_shared>> -> memref<4112x128xf32, #tpu.memory_space<vmem_shared>>
        tpu.wait_indirect_dma semaphore(%arg37 : memref<!tpu.dma_semaphore, #tpu.memory_space<semaphore_mem>>) src(%arg10 : memref<16x128xf32, #tpu.memory_space<vmem>>) dst(%dma_wait3A_784 : memref<4112x128xf32, #tpu.memory_space<vmem_shared>>)
        %dma_wait3A_785 = arith.constant 0 : i32
        %dma_wait3A_786 = arith.constant 0 : i32
        %dma_wait3A_787 = tpu.memref_slice %arg8[%dma_wait3A_785, %dma_wait3A_786] : memref<4112x128xf32, #tpu.memory_space<vmem_shared>> -> memref<4112x128xf32, #tpu.memory_space<vmem_shared>>
        tpu.wait_indirect_dma semaphore(%arg37 : memref<!tpu.dma_semaphore, #tpu.memory_space<semaphore_mem>>) src(%arg11 : memref<16x128xf32, #tpu.memory_space<vmem>>) dst(%dma_wait3A_787 : memref<4112x128xf32, #tpu.memory_space<vmem_shared>>)
        %dma_wait3A_788 = arith.constant 0 : i32
        %dma_wait3A_789 = arith.constant 0 : i32
        %dma_wait3A_790 = tpu.memref_slice %arg8[%dma_wait3A_788, %dma_wait3A_789] : memref<4112x128xf32, #tpu.memory_space<vmem_shared>> -> memref<4112x128xf32, #tpu.memory_space<vmem_shared>>
        tpu.wait_indirect_dma semaphore(%arg37 : memref<!tpu.dma_semaphore, #tpu.memory_space<semaphore_mem>>) src(%arg12 : memref<16x128xf32, #tpu.memory_space<vmem>>) dst(%dma_wait3A_790 : memref<4112x128xf32, #tpu.memory_space<vmem_shared>>)
        %dma_wait3A_791 = arith.constant 0 : i32
        %dma_wait3A_792 = arith.constant 0 : i32
        %dma_wait3A_793 = tpu.memref_slice %arg8[%dma_wait3A_791, %dma_wait3A_792] : memref<4112x128xf32, #tpu.memory_space<vmem_shared>> -> memref<4112x128xf32, #tpu.memory_space<vmem_shared>>
        tpu.wait_indirect_dma semaphore(%arg37 : memref<!tpu.dma_semaphore, #tpu.memory_space<semaphore_mem>>) src(%arg13 : memref<16x128xf32, #tpu.memory_space<vmem>>) dst(%dma_wait3A_793 : memref<4112x128xf32, #tpu.memory_space<vmem_shared>>)
        %dma_wait3A_794 = arith.constant 0 : i32
        %dma_wait3A_795 = arith.constant 0 : i32
        %dma_wait3A_796 = tpu.memref_slice %arg8[%dma_wait3A_794, %dma_wait3A_795] : memref<4112x128xf32, #tpu.memory_space<vmem_shared>> -> memref<4112x128xf32, #tpu.memory_space<vmem_shared>>
        tpu.wait_indirect_dma semaphore(%arg37 : memref<!tpu.dma_semaphore, #tpu.memory_space<semaphore_mem>>) src(%arg14 : memref<16x128xf32, #tpu.memory_space<vmem>>) dst(%dma_wait3A_796 : memref<4112x128xf32, #tpu.memory_space<vmem_shared>>)
        %dma_wait3A_797 = arith.constant 0 : i32
        %dma_wait3A_798 = arith.constant 0 : i32
        %dma_wait3A_799 = tpu.memref_slice %arg8[%dma_wait3A_797, %dma_wait3A_798] : memref<4112x128xf32, #tpu.memory_space<vmem_shared>> -> memref<4112x128xf32, #tpu.memory_space<vmem_shared>>
        tpu.wait_indirect_dma semaphore(%arg37 : memref<!tpu.dma_semaphore, #tpu.memory_space<semaphore_mem>>) src(%arg15 : memref<16x128xf32, #tpu.memory_space<vmem>>) dst(%dma_wait3A_799 : memref<4112x128xf32, #tpu.memory_space<vmem_shared>>)
        %dma_wait3A_800 = arith.constant 0 : i32
        %dma_wait3A_801 = arith.constant 0 : i32
        %dma_wait3A_802 = tpu.memref_slice %arg8[%dma_wait3A_800, %dma_wait3A_801] : memref<4112x128xf32, #tpu.memory_space<vmem_shared>> -> memref<4112x128xf32, #tpu.memory_space<vmem_shared>>
        tpu.wait_indirect_dma semaphore(%arg37 : memref<!tpu.dma_semaphore, #tpu.memory_space<semaphore_mem>>) src(%arg16 : memref<16x128xf32, #tpu.memory_space<vmem>>) dst(%dma_wait3A_802 : memref<4112x128xf32, #tpu.memory_space<vmem_shared>>)
        %dma_wait3A_803 = arith.constant 0 : i32
        %dma_wait3A_804 = arith.constant 0 : i32
        %dma_wait3A_805 = tpu.memref_slice %arg8[%dma_wait3A_803, %dma_wait3A_804] : memref<4112x128xf32, #tpu.memory_space<vmem_shared>> -> memref<4112x128xf32, #tpu.memory_space<vmem_shared>>
        tpu.wait_indirect_dma semaphore(%arg37 : memref<!tpu.dma_semaphore, #tpu.memory_space<semaphore_mem>>) src(%arg17 : memref<16x128xf32, #tpu.memory_space<vmem>>) dst(%dma_wait3A_805 : memref<4112x128xf32, #tpu.memory_space<vmem_shared>>)
        %dma_wait3A_806 = arith.constant 0 : i32
        %dma_wait3A_807 = arith.constant 0 : i32
        %dma_wait3A_808 = tpu.memref_slice %arg8[%dma_wait3A_806, %dma_wait3A_807] : memref<4112x128xf32, #tpu.memory_space<vmem_shared>> -> memref<4112x128xf32, #tpu.memory_space<vmem_shared>>
        tpu.wait_indirect_dma semaphore(%arg37 : memref<!tpu.dma_semaphore, #tpu.memory_space<semaphore_mem>>) src(%arg18 : memref<16x128xf32, #tpu.memory_space<vmem>>) dst(%dma_wait3A_808 : memref<4112x128xf32, #tpu.memory_space<vmem_shared>>)
        %dma_wait3A_809 = arith.constant 0 : i32
        %dma_wait3A_810 = arith.constant 0 : i32
        %dma_wait3A_811 = tpu.memref_slice %arg8[%dma_wait3A_809, %dma_wait3A_810] : memref<4112x128xf32, #tpu.memory_space<vmem_shared>> -> memref<4112x128xf32, #tpu.memory_space<vmem_shared>>
        tpu.wait_indirect_dma semaphore(%arg37 : memref<!tpu.dma_semaphore, #tpu.memory_space<semaphore_mem>>) src(%arg19 : memref<16x128xf32, #tpu.memory_space<vmem>>) dst(%dma_wait3A_811 : memref<4112x128xf32, #tpu.memory_space<vmem_shared>>)
        %dma_wait3A_812 = arith.constant 0 : i32
        %dma_wait3A_813 = arith.constant 0 : i32
        %dma_wait3A_814 = tpu.memref_slice %arg8[%dma_wait3A_812, %dma_wait3A_813] : memref<4112x128xf32, #tpu.memory_space<vmem_shared>> -> memref<4112x128xf32, #tpu.memory_space<vmem_shared>>
        tpu.wait_indirect_dma semaphore(%arg37 : memref<!tpu.dma_semaphore, #tpu.memory_space<semaphore_mem>>) src(%arg20 : memref<16x128xf32, #tpu.memory_space<vmem>>) dst(%dma_wait3A_814 : memref<4112x128xf32, #tpu.memory_space<vmem_shared>>)
        %dma_wait3A_815 = arith.constant 0 : i32
        %dma_wait3A_816 = arith.constant 0 : i32
        %dma_wait3A_817 = tpu.memref_slice %arg8[%dma_wait3A_815, %dma_wait3A_816] : memref<4112x128xf32, #tpu.memory_space<vmem_shared>> -> memref<4112x128xf32, #tpu.memory_space<vmem_shared>>
        tpu.wait_indirect_dma semaphore(%arg37 : memref<!tpu.dma_semaphore, #tpu.memory_space<semaphore_mem>>) src(%arg21 : memref<16x128xf32, #tpu.memory_space<vmem>>) dst(%dma_wait3A_817 : memref<4112x128xf32, #tpu.memory_space<vmem_shared>>)
      } else {
      }
      %add3A_497 = arith.constant 1 : i32
      %add3A_498 = arith.addi %add3A_491, %add3A_497 : i32
      %lt3A_499 = arith.constant 128 : i32
      %lt3A_500 = arith.cmpi slt, %add3A_498, %lt3A_499 : i32
      %convert_element_type3A_501 = arith.extui %lt3A_500 : i1 to i32
      %cond3A_502 = arith.constant 0 : i32
      %cond3A_503 = arith.cmpi ne, %convert_element_type3A_501, %cond3A_502 : i32
      scf.if %cond3A_503 {
        %add3A_779 = arith.constant 1 : i32
        %add3A_780 = arith.addi %add3A_491, %add3A_779 : i32
        %get3A_781 = arith.index_cast %add3A_780 : i32 to index
        %get3A_782 = arith.constant 0 : index
        %get3A_783 = tpu.vector_load %arg6[%get3A_781, %get3A_782] {strides = array<i32>} : memref<128x200xi32, #tpu.memory_space<vmem>>, vector<1x16xi32>,
        %get3A_784 = vector.shape_cast %get3A_783 : vector<1x16xi32> to vector<16xi32>
        %and3A_785 = arith.constant 524287 : i32
        %and3A_786 = vector.broadcast %and3A_785 : i32 to vector<16xi32>
        %and3A_787 = arith.andi %get3A_784, %and3A_786 : vector<16xi32>
        %dma_start3A_788 = arith.constant 0 : i32
        %dma_start3A_789 = arith.constant 0 : i32
        %dma_start3A_790 = tpu.memref_slice %arg2[%dma_start3A_788, %dma_start3A_789] : memref<524288x128xf32, #tpu.memory_space<hbm>> -> memref<524288x128xf32, #tpu.memory_space<hbm>>
        tpu.enqueue_indirect_dma source(%dma_start3A_790 : memref<524288x128xf32, #tpu.memory_space<hbm>>) target(%arg9 : memref<16x128xf32, #tpu.memory_space<vmem>>) offsets(%and3A_787 : vector<16xi32>) semaphore(%arg35 : memref<!tpu.dma_semaphore, #tpu.memory_space<semaphore_mem>>)
        %get3A_791 = arith.index_cast %add3A_780 : i32 to index
        %get3A_792 = arith.constant 16 : index
        %get3A_793 = tpu.vector_load %arg6[%get3A_791, %get3A_792] {strides = array<i32>} : memref<128x200xi32, #tpu.memory_space<vmem>>, vector<1x16xi32>,
        %get3A_794 = vector.shape_cast %get3A_793 : vector<1x16xi32> to vector<16xi32>
        %and3A_795 = arith.constant 524287 : i32
        %and3A_796 = vector.broadcast %and3A_795 : i32 to vector<16xi32>
        %and3A_797 = arith.andi %get3A_794, %and3A_796 : vector<16xi32>
        %dma_start3A_798 = arith.constant 0 : i32
        %dma_start3A_799 = arith.constant 0 : i32
        %dma_start3A_800 = tpu.memref_slice %arg2[%dma_start3A_798, %dma_start3A_799] : memref<524288x128xf32, #tpu.memory_space<hbm>> -> memref<524288x128xf32, #tpu.memory_space<hbm>>
        tpu.enqueue_indirect_dma source(%dma_start3A_800 : memref<524288x128xf32, #tpu.memory_space<hbm>>) target(%arg10 : memref<16x128xf32, #tpu.memory_space<vmem>>) offsets(%and3A_797 : vector<16xi32>) semaphore(%arg35 : memref<!tpu.dma_semaphore, #tpu.memory_space<semaphore_mem>>)
        %get3A_801 = arith.index_cast %add3A_780 : i32 to index
        %get3A_802 = arith.constant 32 : index
        %get3A_803 = tpu.vector_load %arg6[%get3A_801, %get3A_802] {strides = array<i32>} : memref<128x200xi32, #tpu.memory_space<vmem>>, vector<1x16xi32>,
        %get3A_804 = vector.shape_cast %get3A_803 : vector<1x16xi32> to vector<16xi32>
        %and3A_805 = arith.constant 524287 : i32
        %and3A_806 = vector.broadcast %and3A_805 : i32 to vector<16xi32>
        %and3A_807 = arith.andi %get3A_804, %and3A_806 : vector<16xi32>
        %dma_start3A_808 = arith.constant 0 : i32
        %dma_start3A_809 = arith.constant 0 : i32
        %dma_start3A_810 = tpu.memref_slice %arg2[%dma_start3A_808, %dma_start3A_809] : memref<524288x128xf32, #tpu.memory_space<hbm>> -> memref<524288x128xf32, #tpu.memory_space<hbm>>
        tpu.enqueue_indirect_dma source(%dma_start3A_810 : memref<524288x128xf32, #tpu.memory_space<hbm>>) target(%arg11 : memref<16x128xf32, #tpu.memory_space<vmem>>) offsets(%and3A_807 : vector<16xi32>) semaphore(%arg35 : memref<!tpu.dma_semaphore, #tpu.memory_space<semaphore_mem>>)
        %get3A_811 = arith.index_cast %add3A_780 : i32 to index
        %get3A_812 = arith.constant 48 : index
        %get3A_813 = tpu.vector_load %arg6[%get3A_811, %get3A_812] {strides = array<i32>} : memref<128x200xi32, #tpu.memory_space<vmem>>, vector<1x16xi32>,
        %get3A_814 = vector.shape_cast %get3A_813 : vector<1x16xi32> to vector<16xi32>
        %and3A_815 = arith.constant 524287 : i32
        %and3A_816 = vector.broadcast %and3A_815 : i32 to vector<16xi32>
        %and3A_817 = arith.andi %get3A_814, %and3A_816 : vector<16xi32>
        %dma_start3A_818 = arith.constant 0 : i32
        %dma_start3A_819 = arith.constant 0 : i32
        %dma_start3A_820 = tpu.memref_slice %arg2[%dma_start3A_818, %dma_start3A_819] : memref<524288x128xf32, #tpu.memory_space<hbm>> -> memref<524288x128xf32, #tpu.memory_space<hbm>>
        tpu.enqueue_indirect_dma source(%dma_start3A_820 : memref<524288x128xf32, #tpu.memory_space<hbm>>) target(%arg12 : memref<16x128xf32, #tpu.memory_space<vmem>>) offsets(%and3A_817 : vector<16xi32>) semaphore(%arg35 : memref<!tpu.dma_semaphore, #tpu.memory_space<semaphore_mem>>)
        %get3A_821 = arith.index_cast %add3A_780 : i32 to index
        %get3A_822 = arith.constant 64 : index
        %get3A_823 = tpu.vector_load %arg6[%get3A_821, %get3A_822] {strides = array<i32>} : memref<128x200xi32, #tpu.memory_space<vmem>>, vector<1x16xi32>,
        %get3A_824 = vector.shape_cast %get3A_823 : vector<1x16xi32> to vector<16xi32>
        %and3A_825 = arith.constant 524287 : i32
        %and3A_826 = vector.broadcast %and3A_825 : i32 to vector<16xi32>
        %and3A_827 = arith.andi %get3A_824, %and3A_826 : vector<16xi32>
        %dma_start3A_828 = arith.constant 0 : i32
        %dma_start3A_829 = arith.constant 0 : i32
        %dma_start3A_830 = tpu.memref_slice %arg2[%dma_start3A_828, %dma_start3A_829] : memref<524288x128xf32, #tpu.memory_space<hbm>> -> memref<524288x128xf32, #tpu.memory_space<hbm>>
        tpu.enqueue_indirect_dma source(%dma_start3A_830 : memref<524288x128xf32, #tpu.memory_space<hbm>>) target(%arg13 : memref<16x128xf32, #tpu.memory_space<vmem>>) offsets(%and3A_827 : vector<16xi32>) semaphore(%arg35 : memref<!tpu.dma_semaphore, #tpu.memory_space<semaphore_mem>>)
        %get3A_831 = arith.index_cast %add3A_780 : i32 to index
        %get3A_832 = arith.constant 80 : index
        %get3A_833 = tpu.vector_load %arg6[%get3A_831, %get3A_832] {strides = array<i32>} : memref<128x200xi32, #tpu.memory_space<vmem>>, vector<1x16xi32>,
        %get3A_834 = vector.shape_cast %get3A_833 : vector<1x16xi32> to vector<16xi32>
        %and3A_835 = arith.constant 524287 : i32
        %and3A_836 = vector.broadcast %and3A_835 : i32 to vector<16xi32>
        %and3A_837 = arith.andi %get3A_834, %and3A_836 : vector<16xi32>
        %dma_start3A_838 = arith.constant 0 : i32
        %dma_start3A_839 = arith.constant 0 : i32
        %dma_start3A_840 = tpu.memref_slice %arg2[%dma_start3A_838, %dma_start3A_839] : memref<524288x128xf32, #tpu.memory_space<hbm>> -> memref<524288x128xf32, #tpu.memory_space<hbm>>
        tpu.enqueue_indirect_dma source(%dma_start3A_840 : memref<524288x128xf32, #tpu.memory_space<hbm>>) target(%arg14 : memref<16x128xf32, #tpu.memory_space<vmem>>) offsets(%and3A_837 : vector<16xi32>) semaphore(%arg35 : memref<!tpu.dma_semaphore, #tpu.memory_space<semaphore_mem>>)
        %get3A_841 = arith.index_cast %add3A_780 : i32 to index
        %get3A_842 = arith.constant 96 : index
        %get3A_843 = tpu.vector_load %arg6[%get3A_841, %get3A_842] {strides = array<i32>} : memref<128x200xi32, #tpu.memory_space<vmem>>, vector<1x16xi32>,
        %get3A_844 = vector.shape_cast %get3A_843 : vector<1x16xi32> to vector<16xi32>
        %and3A_845 = arith.constant 524287 : i32
        %and3A_846 = vector.broadcast %and3A_845 : i32 to vector<16xi32>
        %and3A_847 = arith.andi %get3A_844, %and3A_846 : vector<16xi32>
        %dma_start3A_848 = arith.constant 0 : i32
        %dma_start3A_849 = arith.constant 0 : i32
        %dma_start3A_850 = tpu.memref_slice %arg2[%dma_start3A_848, %dma_start3A_849] : memref<524288x128xf32, #tpu.memory_space<hbm>> -> memref<524288x128xf32, #tpu.memory_space<hbm>>
        tpu.enqueue_indirect_dma source(%dma_start3A_850 : memref<524288x128xf32, #tpu.memory_space<hbm>>) target(%arg15 : memref<16x128xf32, #tpu.memory_space<vmem>>) offsets(%and3A_847 : vector<16xi32>) semaphore(%arg35 : memref<!tpu.dma_semaphore, #tpu.memory_space<semaphore_mem>>)
        %get3A_851 = arith.index_cast %add3A_780 : i32 to index
        %get3A_852 = arith.constant 112 : index
        %get3A_853 = tpu.vector_load %arg6[%get3A_851, %get3A_852] {strides = array<i32>} : memref<128x200xi32, #tpu.memory_space<vmem>>, vector<1x16xi32>,
        %get3A_854 = vector.shape_cast %get3A_853 : vector<1x16xi32> to vector<16xi32>
        %and3A_855 = arith.constant 524287 : i32
        %and3A_856 = vector.broadcast %and3A_855 : i32 to vector<16xi32>
        %and3A_857 = arith.andi %get3A_854, %and3A_856 : vector<16xi32>
        %dma_start3A_858 = arith.constant 0 : i32
        %dma_start3A_859 = arith.constant 0 : i32
        %dma_start3A_860 = tpu.memref_slice %arg2[%dma_start3A_858, %dma_start3A_859] : memref<524288x128xf32, #tpu.memory_space<hbm>> -> memref<524288x128xf32, #tpu.memory_space<hbm>>
        tpu.enqueue_indirect_dma source(%dma_start3A_860 : memref<524288x128xf32, #tpu.memory_space<hbm>>) target(%arg16 : memref<16x128xf32, #tpu.memory_space<vmem>>) offsets(%and3A_857 : vector<16xi32>) semaphore(%arg35 : memref<!tpu.dma_semaphore, #tpu.memory_space<semaphore_mem>>)
        %get3A_861 = arith.index_cast %add3A_780 : i32 to index
        %get3A_862 = arith.constant 128 : index
        %get3A_863 = tpu.vector_load %arg6[%get3A_861, %get3A_862] {strides = array<i32>} : memref<128x200xi32, #tpu.memory_space<vmem>>, vector<1x16xi32>,
        %get3A_864 = vector.shape_cast %get3A_863 : vector<1x16xi32> to vector<16xi32>
        %and3A_865 = arith.constant 524287 : i32
        %and3A_866 = vector.broadcast %and3A_865 : i32 to vector<16xi32>
        %and3A_867 = arith.andi %get3A_864, %and3A_866 : vector<16xi32>
        %dma_start3A_868 = arith.constant 0 : i32
        %dma_start3A_869 = arith.constant 0 : i32
        %dma_start3A_870 = tpu.memref_slice %arg2[%dma_start3A_868, %dma_start3A_869] : memref<524288x128xf32, #tpu.memory_space<hbm>> -> memref<524288x128xf32, #tpu.memory_space<hbm>>
        tpu.enqueue_indirect_dma source(%dma_start3A_870 : memref<524288x128xf32, #tpu.memory_space<hbm>>) target(%arg17 : memref<16x128xf32, #tpu.memory_space<vmem>>) offsets(%and3A_867 : vector<16xi32>) semaphore(%arg35 : memref<!tpu.dma_semaphore, #tpu.memory_space<semaphore_mem>>)
        %get3A_871 = arith.index_cast %add3A_780 : i32 to index
        %get3A_872 = arith.constant 144 : index
        %get3A_873 = tpu.vector_load %arg6[%get3A_871, %get3A_872] {strides = array<i32>} : memref<128x200xi32, #tpu.memory_space<vmem>>, vector<1x16xi32>,
        %get3A_874 = vector.shape_cast %get3A_873 : vector<1x16xi32> to vector<16xi32>
        %and3A_875 = arith.constant 524287 : i32
        %and3A_876 = vector.broadcast %and3A_875 : i32 to vector<16xi32>
        %and3A_877 = arith.andi %get3A_874, %and3A_876 : vector<16xi32>
        %dma_start3A_878 = arith.constant 0 : i32
        %dma_start3A_879 = arith.constant 0 : i32
        %dma_start3A_880 = tpu.memref_slice %arg2[%dma_start3A_878, %dma_start3A_879] : memref<524288x128xf32, #tpu.memory_space<hbm>> -> memref<524288x128xf32, #tpu.memory_space<hbm>>
        tpu.enqueue_indirect_dma source(%dma_start3A_880 : memref<524288x128xf32, #tpu.memory_space<hbm>>) target(%arg18 : memref<16x128xf32, #tpu.memory_space<vmem>>) offsets(%and3A_877 : vector<16xi32>) semaphore(%arg35 : memref<!tpu.dma_semaphore, #tpu.memory_space<semaphore_mem>>)
        %get3A_881 = arith.index_cast %add3A_780 : i32 to index
        %get3A_882 = arith.constant 160 : index
        %get3A_883 = tpu.vector_load %arg6[%get3A_881, %get3A_882] {strides = array<i32>} : memref<128x200xi32, #tpu.memory_space<vmem>>, vector<1x16xi32>,
        %get3A_884 = vector.shape_cast %get3A_883 : vector<1x16xi32> to vector<16xi32>
        %and3A_885 = arith.constant 524287 : i32
        %and3A_886 = vector.broadcast %and3A_885 : i32 to vector<16xi32>
        %and3A_887 = arith.andi %get3A_884, %and3A_886 : vector<16xi32>
        %dma_start3A_888 = arith.constant 0 : i32
        %dma_start3A_889 = arith.constant 0 : i32
        %dma_start3A_890 = tpu.memref_slice %arg2[%dma_start3A_888, %dma_start3A_889] : memref<524288x128xf32, #tpu.memory_space<hbm>> -> memref<524288x128xf32, #tpu.memory_space<hbm>>
        tpu.enqueue_indirect_dma source(%dma_start3A_890 : memref<524288x128xf32, #tpu.memory_space<hbm>>) target(%arg19 : memref<16x128xf32, #tpu.memory_space<vmem>>) offsets(%and3A_887 : vector<16xi32>) semaphore(%arg35 : memref<!tpu.dma_semaphore, #tpu.memory_space<semaphore_mem>>)
        %get3A_891 = arith.index_cast %add3A_780 : i32 to index
        %get3A_892 = arith.constant 176 : index
        %get3A_893 = tpu.vector_load %arg6[%get3A_891, %get3A_892] {strides = array<i32>} : memref<128x200xi32, #tpu.memory_space<vmem>>, vector<1x16xi32>,
        %get3A_894 = vector.shape_cast %get3A_893 : vector<1x16xi32> to vector<16xi32>
        %and3A_895 = arith.constant 524287 : i32
        %and3A_896 = vector.broadcast %and3A_895 : i32 to vector<16xi32>
        %and3A_897 = arith.andi %get3A_894, %and3A_896 : vector<16xi32>
        %dma_start3A_898 = arith.constant 0 : i32
        %dma_start3A_899 = arith.constant 0 : i32
        %dma_start3A_900 = tpu.memref_slice %arg2[%dma_start3A_898, %dma_start3A_899] : memref<524288x128xf32, #tpu.memory_space<hbm>> -> memref<524288x128xf32, #tpu.memory_space<hbm>>
        tpu.enqueue_indirect_dma source(%dma_start3A_900 : memref<524288x128xf32, #tpu.memory_space<hbm>>) target(%arg20 : memref<16x128xf32, #tpu.memory_space<vmem>>) offsets(%and3A_897 : vector<16xi32>) semaphore(%arg35 : memref<!tpu.dma_semaphore, #tpu.memory_space<semaphore_mem>>)
        %get3A_901 = arith.index_cast %add3A_780 : i32 to index
        %get3A_902 = arith.constant 184 : index
        %get3A_903 = tpu.vector_load %arg6[%get3A_901, %get3A_902] {strides = array<i32>} : memref<128x200xi32, #tpu.memory_space<vmem>>, vector<1x16xi32>,
        %get3A_904 = vector.shape_cast %get3A_903 : vector<1x16xi32> to vector<16xi32>
        %and3A_905 = arith.constant 524287 : i32
        %and3A_906 = vector.broadcast %and3A_905 : i32 to vector<16xi32>
        %and3A_907 = arith.andi %get3A_904, %and3A_906 : vector<16xi32>
        %dma_start3A_908 = arith.constant 0 : i32
        %dma_start3A_909 = arith.constant 0 : i32
        %dma_start3A_910 = tpu.memref_slice %arg2[%dma_start3A_908, %dma_start3A_909] : memref<524288x128xf32, #tpu.memory_space<hbm>> -> memref<524288x128xf32, #tpu.memory_space<hbm>>
        tpu.enqueue_indirect_dma source(%dma_start3A_910 : memref<524288x128xf32, #tpu.memory_space<hbm>>) target(%arg21 : memref<16x128xf32, #tpu.memory_space<vmem>>) offsets(%and3A_907 : vector<16xi32>) semaphore(%arg35 : memref<!tpu.dma_semaphore, #tpu.memory_space<semaphore_mem>>)
      } else {
      }
      %dma_wait3A_504 = arith.constant 0 : i32
      %dma_wait3A_505 = arith.constant 0 : i32
      %dma_wait3A_506 = tpu.memref_slice %arg2[%dma_wait3A_504, %dma_wait3A_505] : memref<524288x128xf32, #tpu.memory_space<hbm>> -> memref<524288x128xf32, #tpu.memory_space<hbm>>
      tpu.wait_indirect_dma semaphore(%arg36 : memref<!tpu.dma_semaphore, #tpu.memory_space<semaphore_mem>>) src(%dma_wait3A_506 : memref<524288x128xf32, #tpu.memory_space<hbm>>) dst(%arg22 : memref<16x128xf32, #tpu.memory_space<vmem>>)
      %dma_wait3A_507 = arith.constant 0 : i32
      %dma_wait3A_508 = arith.constant 0 : i32
      %dma_wait3A_509 = tpu.memref_slice %arg2[%dma_wait3A_507, %dma_wait3A_508] : memref<524288x128xf32, #tpu.memory_space<hbm>> -> memref<524288x128xf32, #tpu.memory_space<hbm>>
      tpu.wait_indirect_dma semaphore(%arg36 : memref<!tpu.dma_semaphore, #tpu.memory_space<semaphore_mem>>) src(%dma_wait3A_509 : memref<524288x128xf32, #tpu.memory_space<hbm>>) dst(%arg23 : memref<16x128xf32, #tpu.memory_space<vmem>>)
      %dma_wait3A_510 = arith.constant 0 : i32
      %dma_wait3A_511 = arith.constant 0 : i32
      %dma_wait3A_512 = tpu.memref_slice %arg2[%dma_wait3A_510, %dma_wait3A_511] : memref<524288x128xf32, #tpu.memory_space<hbm>> -> memref<524288x128xf32, #tpu.memory_space<hbm>>
      tpu.wait_indirect_dma semaphore(%arg36 : memref<!tpu.dma_semaphore, #tpu.memory_space<semaphore_mem>>) src(%dma_wait3A_512 : memref<524288x128xf32, #tpu.memory_space<hbm>>) dst(%arg24 : memref<16x128xf32, #tpu.memory_space<vmem>>)
      %dma_wait3A_513 = arith.constant 0 : i32
      %dma_wait3A_514 = arith.constant 0 : i32
      %dma_wait3A_515 = tpu.memref_slice %arg2[%dma_wait3A_513, %dma_wait3A_514] : memref<524288x128xf32, #tpu.memory_space<hbm>> -> memref<524288x128xf32, #tpu.memory_space<hbm>>
      tpu.wait_indirect_dma semaphore(%arg36 : memref<!tpu.dma_semaphore, #tpu.memory_space<semaphore_mem>>) src(%dma_wait3A_515 : memref<524288x128xf32, #tpu.memory_space<hbm>>) dst(%arg25 : memref<16x128xf32, #tpu.memory_space<vmem>>)
      %dma_wait3A_516 = arith.constant 0 : i32
      %dma_wait3A_517 = arith.constant 0 : i32
      %dma_wait3A_518 = tpu.memref_slice %arg2[%dma_wait3A_516, %dma_wait3A_517] : memref<524288x128xf32, #tpu.memory_space<hbm>> -> memref<524288x128xf32, #tpu.memory_space<hbm>>
      tpu.wait_indirect_dma semaphore(%arg36 : memref<!tpu.dma_semaphore, #tpu.memory_space<semaphore_mem>>) src(%dma_wait3A_518 : memref<524288x128xf32, #tpu.memory_space<hbm>>) dst(%arg26 : memref<16x128xf32, #tpu.memory_space<vmem>>)
      %dma_wait3A_519 = arith.constant 0 : i32
      %dma_wait3A_520 = arith.constant 0 : i32
      %dma_wait3A_521 = tpu.memref_slice %arg2[%dma_wait3A_519, %dma_wait3A_520] : memref<524288x128xf32, #tpu.memory_space<hbm>> -> memref<524288x128xf32, #tpu.memory_space<hbm>>
      tpu.wait_indirect_dma semaphore(%arg36 : memref<!tpu.dma_semaphore, #tpu.memory_space<semaphore_mem>>) src(%dma_wait3A_521 : memref<524288x128xf32, #tpu.memory_space<hbm>>) dst(%arg27 : memref<16x128xf32, #tpu.memory_space<vmem>>)
      %dma_wait3A_522 = arith.constant 0 : i32
      %dma_wait3A_523 = arith.constant 0 : i32
      %dma_wait3A_524 = tpu.memref_slice %arg2[%dma_wait3A_522, %dma_wait3A_523] : memref<524288x128xf32, #tpu.memory_space<hbm>> -> memref<524288x128xf32, #tpu.memory_space<hbm>>
      tpu.wait_indirect_dma semaphore(%arg36 : memref<!tpu.dma_semaphore, #tpu.memory_space<semaphore_mem>>) src(%dma_wait3A_524 : memref<524288x128xf32, #tpu.memory_space<hbm>>) dst(%arg28 : memref<16x128xf32, #tpu.memory_space<vmem>>)
      %dma_wait3A_525 = arith.constant 0 : i32
      %dma_wait3A_526 = arith.constant 0 : i32
      %dma_wait3A_527 = tpu.memref_slice %arg2[%dma_wait3A_525, %dma_wait3A_526] : memref<524288x128xf32, #tpu.memory_space<hbm>> -> memref<524288x128xf32, #tpu.memory_space<hbm>>
      tpu.wait_indirect_dma semaphore(%arg36 : memref<!tpu.dma_semaphore, #tpu.memory_space<semaphore_mem>>) src(%dma_wait3A_527 : memref<524288x128xf32, #tpu.memory_space<hbm>>) dst(%arg29 : memref<16x128xf32, #tpu.memory_space<vmem>>)
      %dma_wait3A_528 = arith.constant 0 : i32
      %dma_wait3A_529 = arith.constant 0 : i32
      %dma_wait3A_530 = tpu.memref_slice %arg2[%dma_wait3A_528, %dma_wait3A_529] : memref<524288x128xf32, #tpu.memory_space<hbm>> -> memref<524288x128xf32, #tpu.memory_space<hbm>>
      tpu.wait_indirect_dma semaphore(%arg36 : memref<!tpu.dma_semaphore, #tpu.memory_space<semaphore_mem>>) src(%dma_wait3A_530 : memref<524288x128xf32, #tpu.memory_space<hbm>>) dst(%arg30 : memref<16x128xf32, #tpu.memory_space<vmem>>)
      %dma_wait3A_531 = arith.constant 0 : i32
      %dma_wait3A_532 = arith.constant 0 : i32
      %dma_wait3A_533 = tpu.memref_slice %arg2[%dma_wait3A_531, %dma_wait3A_532] : memref<524288x128xf32, #tpu.memory_space<hbm>> -> memref<524288x128xf32, #tpu.memory_space<hbm>>
      tpu.wait_indirect_dma semaphore(%arg36 : memref<!tpu.dma_semaphore, #tpu.memory_space<semaphore_mem>>) src(%dma_wait3A_533 : memref<524288x128xf32, #tpu.memory_space<hbm>>) dst(%arg31 : memref<16x128xf32, #tpu.memory_space<vmem>>)
      %dma_wait3A_534 = arith.constant 0 : i32
      %dma_wait3A_535 = arith.constant 0 : i32
      %dma_wait3A_536 = tpu.memref_slice %arg2[%dma_wait3A_534, %dma_wait3A_535] : memref<524288x128xf32, #tpu.memory_space<hbm>> -> memref<524288x128xf32, #tpu.memory_space<hbm>>
      tpu.wait_indirect_dma semaphore(%arg36 : memref<!tpu.dma_semaphore, #tpu.memory_space<semaphore_mem>>) src(%dma_wait3A_536 : memref<524288x128xf32, #tpu.memory_space<hbm>>) dst(%arg32 : memref<16x128xf32, #tpu.memory_space<vmem>>)
      %dma_wait3A_537 = arith.constant 0 : i32
      %dma_wait3A_538 = arith.constant 0 : i32
      %dma_wait3A_539 = tpu.memref_slice %arg2[%dma_wait3A_537, %dma_wait3A_538] : memref<524288x128xf32, #tpu.memory_space<hbm>> -> memref<524288x128xf32, #tpu.memory_space<hbm>>
      tpu.wait_indirect_dma semaphore(%arg36 : memref<!tpu.dma_semaphore, #tpu.memory_space<semaphore_mem>>) src(%dma_wait3A_539 : memref<524288x128xf32, #tpu.memory_space<hbm>>) dst(%arg33 : memref<16x128xf32, #tpu.memory_space<vmem>>)
      %dma_wait3A_540 = arith.constant 0 : i32
      %dma_wait3A_541 = arith.constant 0 : i32
      %dma_wait3A_542 = tpu.memref_slice %arg2[%dma_wait3A_540, %dma_wait3A_541] : memref<524288x128xf32, #tpu.memory_space<hbm>> -> memref<524288x128xf32, #tpu.memory_space<hbm>>
      tpu.wait_indirect_dma semaphore(%arg36 : memref<!tpu.dma_semaphore, #tpu.memory_space<semaphore_mem>>) src(%dma_wait3A_542 : memref<524288x128xf32, #tpu.memory_space<hbm>>) dst(%arg34 : memref<16x128xf32, #tpu.memory_space<vmem>>)
      %shift_right_arithmetic3A_543 = arith.constant 4 : i32
      %shift_right_arithmetic3A_544 = arith.shrsi %add3A_491, %shift_right_arithmetic3A_543 : i32
      %shift_left3A_545 = arith.constant 4 : i32
      %shift_left3A_546 = arith.shli %shift_right_arithmetic3A_544, %shift_left3A_545 : i32
      %get3A_547 = arith.index_cast %shift_left3A_546 : i32 to index
      %get3A_548 = tpu.vector_load %arg7[%get3A_547] {strides = array<i32>} : memref<128xi32, #tpu.memory_space<vmem>>, vector<16xi32>,
      %get3A_549 = vector.shape_cast %get3A_548 : vector<16xi32> to vector<16xi32>
      %and3A_550 = arith.constant 15 : i32
      %and3A_551 = arith.andi %add3A_491, %and3A_550 : i32
      %broadcast_in_dim3A_552 = vector.broadcast %and3A_551 : i32 to vector<16xi32>
      %lt3A_553 = arith.constant 0 : i32
      %lt3A_554 = vector.broadcast %lt3A_553 : i32 to vector<16xi32>
      %lt3A_555 = arith.cmpi slt, %broadcast_in_dim3A_552, %lt3A_554 : vector<16xi32>
      %add3A_556 = arith.constant 16 : i32
      %add3A_557 = vector.broadcast %add3A_556 : i32 to vector<16xi32>
      %add3A_558 = arith.addi %broadcast_in_dim3A_552, %add3A_557 : vector<16xi32>
      %select_n3A_559 = arith.select %lt3A_555, %add3A_558, %broadcast_in_dim3A_552 : vector<16xi1>, vector<16xi32>
      %broadcast_in_dim3A_560 = vector.shape_cast %select_n3A_559 : vector<16xi32> to vector<16x1xi32>
      %gather3A_561 = vector.shape_cast %broadcast_in_dim3A_560 : vector<16x1xi32> to vector<16xi32>
      %gather3A_562 = tpu.dynamic_gather %get3A_549[%gather3A_561] in [0] : vector<16xi32>, vector<16xi32> -> vector<16xi32>
      %mul3A_563 = arith.constant 2 : i32
      %mul3A_564 = arith.muli %mul3A_563, %add3A_491 : i32
      %add3A_565 = arith.addi %mul3A_6, %mul3A_564 : i32
      %broadcast_in_dim3A_566 = vector.broadcast %add3A_565 : i32 to vector<16xi32>
      %get3A_567 = arith.index_cast %add3A_491 : i32 to index
      %get3A_568 = arith.constant 0 : index
      %get3A_569 = tpu.vector_load %arg6[%get3A_567, %get3A_568] {strides = array<i32>} : memref<128x200xi32, #tpu.memory_space<vmem>>, vector<1x16xi32>,
      %get3A_570 = vector.shape_cast %get3A_569 : vector<1x16xi32> to vector<16xi32>
      %add3A_571 = arith.constant 0 : i32
      %add3A_572 = vector.broadcast %add3A_571 : i32 to vector<16xi32>
      %add3A_573 = arith.addi %iota3A, %add3A_572 : vector<16xi32>
      %lt3A_574 = arith.cmpi slt, %add3A_573, %gather3A_562 : vector<16xi32>
      %shift_right_arithmetic3A_575 = arith.constant 19 : i32
      %shift_right_arithmetic3A_576 = vector.broadcast %shift_right_arithmetic3A_575 : i32 to vector<16xi32>
      %shift_right_arithmetic3A_577 = arith.shrsi %get3A_570, %shift_right_arithmetic3A_576 : vector<16xi32>
      %add3A_578 = arith.addi %broadcast_in_dim3A_566, %shift_right_arithmetic3A_577 : vector<16xi32>
      %select_n3A_579 = arith.select %lt3A_574, %add3A_578, %add3A_20 : vector<16xi1>, vector<16xi32>
      %dma_start3A_580 = arith.constant 0 : i32
      %dma_start3A_581 = arith.constant 0 : i32
      %dma_start3A_582 = tpu.memref_slice %arg8[%dma_start3A_580, %dma_start3A_581] : memref<4112x128xf32, #tpu.memory_space<vmem_shared>> -> memref<4112x128xf32, #tpu.memory_space<vmem_shared>>
      tpu.enqueue_indirect_dma source(%arg22 : memref<16x128xf32, #tpu.memory_space<vmem>>) target(%dma_start3A_582 : memref<4112x128xf32, #tpu.memory_space<vmem_shared>>) offsets(%select_n3A_579 : vector<16xi32>) semaphore(%arg38 : memref<!tpu.dma_semaphore, #tpu.memory_space<semaphore_mem>>) {add = true}
      %get3A_583 = arith.index_cast %add3A_491 : i32 to index
      %get3A_584 = arith.constant 16 : index
      %get3A_585 = tpu.vector_load %arg6[%get3A_583, %get3A_584] {strides = array<i32>} : memref<128x200xi32, #tpu.memory_space<vmem>>, vector<1x16xi32>,
      %get3A_586 = vector.shape_cast %get3A_585 : vector<1x16xi32> to vector<16xi32>
      %add3A_587 = arith.constant 16 : i32
      %add3A_588 = vector.broadcast %add3A_587 : i32 to vector<16xi32>
      %add3A_589 = arith.addi %iota3A, %add3A_588 : vector<16xi32>
      %lt3A_590 = arith.cmpi slt, %add3A_589, %gather3A_562 : vector<16xi32>
      %shift_right_arithmetic3A_591 = arith.constant 19 : i32
      %shift_right_arithmetic3A_592 = vector.broadcast %shift_right_arithmetic3A_591 : i32 to vector<16xi32>
      %shift_right_arithmetic3A_593 = arith.shrsi %get3A_586, %shift_right_arithmetic3A_592 : vector<16xi32>
      %add3A_594 = arith.addi %broadcast_in_dim3A_566, %shift_right_arithmetic3A_593 : vector<16xi32>
      %select_n3A_595 = arith.select %lt3A_590, %add3A_594, %add3A_20 : vector<16xi1>, vector<16xi32>
      %dma_start3A_596 = arith.constant 0 : i32
      %dma_start3A_597 = arith.constant 0 : i32
      %dma_start3A_598 = tpu.memref_slice %arg8[%dma_start3A_596, %dma_start3A_597] : memref<4112x128xf32, #tpu.memory_space<vmem_shared>> -> memref<4112x128xf32, #tpu.memory_space<vmem_shared>>
      tpu.enqueue_indirect_dma source(%arg23 : memref<16x128xf32, #tpu.memory_space<vmem>>) target(%dma_start3A_598 : memref<4112x128xf32, #tpu.memory_space<vmem_shared>>) offsets(%select_n3A_595 : vector<16xi32>) semaphore(%arg38 : memref<!tpu.dma_semaphore, #tpu.memory_space<semaphore_mem>>) {add = true}
      %get3A_599 = arith.index_cast %add3A_491 : i32 to index
      %get3A_600 = arith.constant 32 : index
      %get3A_601 = tpu.vector_load %arg6[%get3A_599, %get3A_600] {strides = array<i32>} : memref<128x200xi32, #tpu.memory_space<vmem>>, vector<1x16xi32>,
      %get3A_602 = vector.shape_cast %get3A_601 : vector<1x16xi32> to vector<16xi32>
      %add3A_603 = arith.constant 32 : i32
      %add3A_604 = vector.broadcast %add3A_603 : i32 to vector<16xi32>
      %add3A_605 = arith.addi %iota3A, %add3A_604 : vector<16xi32>
      %lt3A_606 = arith.cmpi slt, %add3A_605, %gather3A_562 : vector<16xi32>
      %shift_right_arithmetic3A_607 = arith.constant 19 : i32
      %shift_right_arithmetic3A_608 = vector.broadcast %shift_right_arithmetic3A_607 : i32 to vector<16xi32>
      %shift_right_arithmetic3A_609 = arith.shrsi %get3A_602, %shift_right_arithmetic3A_608 : vector<16xi32>
      %add3A_610 = arith.addi %broadcast_in_dim3A_566, %shift_right_arithmetic3A_609 : vector<16xi32>
      %select_n3A_611 = arith.select %lt3A_606, %add3A_610, %add3A_20 : vector<16xi1>, vector<16xi32>
      %dma_start3A_612 = arith.constant 0 : i32
      %dma_start3A_613 = arith.constant 0 : i32
      %dma_start3A_614 = tpu.memref_slice %arg8[%dma_start3A_612, %dma_start3A_613] : memref<4112x128xf32, #tpu.memory_space<vmem_shared>> -> memref<4112x128xf32, #tpu.memory_space<vmem_shared>>
      tpu.enqueue_indirect_dma source(%arg24 : memref<16x128xf32, #tpu.memory_space<vmem>>) target(%dma_start3A_614 : memref<4112x128xf32, #tpu.memory_space<vmem_shared>>) offsets(%select_n3A_611 : vector<16xi32>) semaphore(%arg38 : memref<!tpu.dma_semaphore, #tpu.memory_space<semaphore_mem>>) {add = true}
      %get3A_615 = arith.index_cast %add3A_491 : i32 to index
      %get3A_616 = arith.constant 48 : index
      %get3A_617 = tpu.vector_load %arg6[%get3A_615, %get3A_616] {strides = array<i32>} : memref<128x200xi32, #tpu.memory_space<vmem>>, vector<1x16xi32>,
      %get3A_618 = vector.shape_cast %get3A_617 : vector<1x16xi32> to vector<16xi32>
      %add3A_619 = arith.constant 48 : i32
      %add3A_620 = vector.broadcast %add3A_619 : i32 to vector<16xi32>
      %add3A_621 = arith.addi %iota3A, %add3A_620 : vector<16xi32>
      %lt3A_622 = arith.cmpi slt, %add3A_621, %gather3A_562 : vector<16xi32>
      %shift_right_arithmetic3A_623 = arith.constant 19 : i32
      %shift_right_arithmetic3A_624 = vector.broadcast %shift_right_arithmetic3A_623 : i32 to vector<16xi32>
      %shift_right_arithmetic3A_625 = arith.shrsi %get3A_618, %shift_right_arithmetic3A_624 : vector<16xi32>
      %add3A_626 = arith.addi %broadcast_in_dim3A_566, %shift_right_arithmetic3A_625 : vector<16xi32>
      %select_n3A_627 = arith.select %lt3A_622, %add3A_626, %add3A_20 : vector<16xi1>, vector<16xi32>
      %dma_start3A_628 = arith.constant 0 : i32
      %dma_start3A_629 = arith.constant 0 : i32
      %dma_start3A_630 = tpu.memref_slice %arg8[%dma_start3A_628, %dma_start3A_629] : memref<4112x128xf32, #tpu.memory_space<vmem_shared>> -> memref<4112x128xf32, #tpu.memory_space<vmem_shared>>
      tpu.enqueue_indirect_dma source(%arg25 : memref<16x128xf32, #tpu.memory_space<vmem>>) target(%dma_start3A_630 : memref<4112x128xf32, #tpu.memory_space<vmem_shared>>) offsets(%select_n3A_627 : vector<16xi32>) semaphore(%arg38 : memref<!tpu.dma_semaphore, #tpu.memory_space<semaphore_mem>>) {add = true}
      %get3A_631 = arith.index_cast %add3A_491 : i32 to index
      %get3A_632 = arith.constant 64 : index
      %get3A_633 = tpu.vector_load %arg6[%get3A_631, %get3A_632] {strides = array<i32>} : memref<128x200xi32, #tpu.memory_space<vmem>>, vector<1x16xi32>,
      %get3A_634 = vector.shape_cast %get3A_633 : vector<1x16xi32> to vector<16xi32>
      %add3A_635 = arith.constant 64 : i32
      %add3A_636 = vector.broadcast %add3A_635 : i32 to vector<16xi32>
      %add3A_637 = arith.addi %iota3A, %add3A_636 : vector<16xi32>
      %lt3A_638 = arith.cmpi slt, %add3A_637, %gather3A_562 : vector<16xi32>
      %shift_right_arithmetic3A_639 = arith.constant 19 : i32
      %shift_right_arithmetic3A_640 = vector.broadcast %shift_right_arithmetic3A_639 : i32 to vector<16xi32>
      %shift_right_arithmetic3A_641 = arith.shrsi %get3A_634, %shift_right_arithmetic3A_640 : vector<16xi32>
      %add3A_642 = arith.addi %broadcast_in_dim3A_566, %shift_right_arithmetic3A_641 : vector<16xi32>
      %select_n3A_643 = arith.select %lt3A_638, %add3A_642, %add3A_20 : vector<16xi1>, vector<16xi32>
      %dma_start3A_644 = arith.constant 0 : i32
      %dma_start3A_645 = arith.constant 0 : i32
      %dma_start3A_646 = tpu.memref_slice %arg8[%dma_start3A_644, %dma_start3A_645] : memref<4112x128xf32, #tpu.memory_space<vmem_shared>> -> memref<4112x128xf32, #tpu.memory_space<vmem_shared>>
      tpu.enqueue_indirect_dma source(%arg26 : memref<16x128xf32, #tpu.memory_space<vmem>>) target(%dma_start3A_646 : memref<4112x128xf32, #tpu.memory_space<vmem_shared>>) offsets(%select_n3A_643 : vector<16xi32>) semaphore(%arg38 : memref<!tpu.dma_semaphore, #tpu.memory_space<semaphore_mem>>) {add = true}
      %get3A_647 = arith.index_cast %add3A_491 : i32 to index
      %get3A_648 = arith.constant 80 : index
      %get3A_649 = tpu.vector_load %arg6[%get3A_647, %get3A_648] {strides = array<i32>} : memref<128x200xi32, #tpu.memory_space<vmem>>, vector<1x16xi32>,
      %get3A_650 = vector.shape_cast %get3A_649 : vector<1x16xi32> to vector<16xi32>
      %add3A_651 = arith.constant 80 : i32
      %add3A_652 = vector.broadcast %add3A_651 : i32 to vector<16xi32>
      %add3A_653 = arith.addi %iota3A, %add3A_652 : vector<16xi32>
      %lt3A_654 = arith.cmpi slt, %add3A_653, %gather3A_562 : vector<16xi32>
      %shift_right_arithmetic3A_655 = arith.constant 19 : i32
      %shift_right_arithmetic3A_656 = vector.broadcast %shift_right_arithmetic3A_655 : i32 to vector<16xi32>
      %shift_right_arithmetic3A_657 = arith.shrsi %get3A_650, %shift_right_arithmetic3A_656 : vector<16xi32>
      %add3A_658 = arith.addi %broadcast_in_dim3A_566, %shift_right_arithmetic3A_657 : vector<16xi32>
      %select_n3A_659 = arith.select %lt3A_654, %add3A_658, %add3A_20 : vector<16xi1>, vector<16xi32>
      %dma_start3A_660 = arith.constant 0 : i32
      %dma_start3A_661 = arith.constant 0 : i32
      %dma_start3A_662 = tpu.memref_slice %arg8[%dma_start3A_660, %dma_start3A_661] : memref<4112x128xf32, #tpu.memory_space<vmem_shared>> -> memref<4112x128xf32, #tpu.memory_space<vmem_shared>>
      tpu.enqueue_indirect_dma source(%arg27 : memref<16x128xf32, #tpu.memory_space<vmem>>) target(%dma_start3A_662 : memref<4112x128xf32, #tpu.memory_space<vmem_shared>>) offsets(%select_n3A_659 : vector<16xi32>) semaphore(%arg38 : memref<!tpu.dma_semaphore, #tpu.memory_space<semaphore_mem>>) {add = true}
      %get3A_663 = arith.index_cast %add3A_491 : i32 to index
      %get3A_664 = arith.constant 96 : index
      %get3A_665 = tpu.vector_load %arg6[%get3A_663, %get3A_664] {strides = array<i32>} : memref<128x200xi32, #tpu.memory_space<vmem>>, vector<1x16xi32>,
      %get3A_666 = vector.shape_cast %get3A_665 : vector<1x16xi32> to vector<16xi32>
      %add3A_667 = arith.constant 96 : i32
      %add3A_668 = vector.broadcast %add3A_667 : i32 to vector<16xi32>
      %add3A_669 = arith.addi %iota3A, %add3A_668 : vector<16xi32>
      %lt3A_670 = arith.cmpi slt, %add3A_669, %gather3A_562 : vector<16xi32>
      %shift_right_arithmetic3A_671 = arith.constant 19 : i32
      %shift_right_arithmetic3A_672 = vector.broadcast %shift_right_arithmetic3A_671 : i32 to vector<16xi32>
      %shift_right_arithmetic3A_673 = arith.shrsi %get3A_666, %shift_right_arithmetic3A_672 : vector<16xi32>
      %add3A_674 = arith.addi %broadcast_in_dim3A_566, %shift_right_arithmetic3A_673 : vector<16xi32>
      %select_n3A_675 = arith.select %lt3A_670, %add3A_674, %add3A_20 : vector<16xi1>, vector<16xi32>
      %dma_start3A_676 = arith.constant 0 : i32
      %dma_start3A_677 = arith.constant 0 : i32
      %dma_start3A_678 = tpu.memref_slice %arg8[%dma_start3A_676, %dma_start3A_677] : memref<4112x128xf32, #tpu.memory_space<vmem_shared>> -> memref<4112x128xf32, #tpu.memory_space<vmem_shared>>
      tpu.enqueue_indirect_dma source(%arg28 : memref<16x128xf32, #tpu.memory_space<vmem>>) target(%dma_start3A_678 : memref<4112x128xf32, #tpu.memory_space<vmem_shared>>) offsets(%select_n3A_675 : vector<16xi32>) semaphore(%arg38 : memref<!tpu.dma_semaphore, #tpu.memory_space<semaphore_mem>>) {add = true}
      %get3A_679 = arith.index_cast %add3A_491 : i32 to index
      %get3A_680 = arith.constant 112 : index
      %get3A_681 = tpu.vector_load %arg6[%get3A_679, %get3A_680] {strides = array<i32>} : memref<128x200xi32, #tpu.memory_space<vmem>>, vector<1x16xi32>,
      %get3A_682 = vector.shape_cast %get3A_681 : vector<1x16xi32> to vector<16xi32>
      %add3A_683 = arith.constant 112 : i32
      %add3A_684 = vector.broadcast %add3A_683 : i32 to vector<16xi32>
      %add3A_685 = arith.addi %iota3A, %add3A_684 : vector<16xi32>
      %lt3A_686 = arith.cmpi slt, %add3A_685, %gather3A_562 : vector<16xi32>
      %shift_right_arithmetic3A_687 = arith.constant 19 : i32
      %shift_right_arithmetic3A_688 = vector.broadcast %shift_right_arithmetic3A_687 : i32 to vector<16xi32>
      %shift_right_arithmetic3A_689 = arith.shrsi %get3A_682, %shift_right_arithmetic3A_688 : vector<16xi32>
      %add3A_690 = arith.addi %broadcast_in_dim3A_566, %shift_right_arithmetic3A_689 : vector<16xi32>
      %select_n3A_691 = arith.select %lt3A_686, %add3A_690, %add3A_20 : vector<16xi1>, vector<16xi32>
      %dma_start3A_692 = arith.constant 0 : i32
      %dma_start3A_693 = arith.constant 0 : i32
      %dma_start3A_694 = tpu.memref_slice %arg8[%dma_start3A_692, %dma_start3A_693] : memref<4112x128xf32, #tpu.memory_space<vmem_shared>> -> memref<4112x128xf32, #tpu.memory_space<vmem_shared>>
      tpu.enqueue_indirect_dma source(%arg29 : memref<16x128xf32, #tpu.memory_space<vmem>>) target(%dma_start3A_694 : memref<4112x128xf32, #tpu.memory_space<vmem_shared>>) offsets(%select_n3A_691 : vector<16xi32>) semaphore(%arg38 : memref<!tpu.dma_semaphore, #tpu.memory_space<semaphore_mem>>) {add = true}
      %get3A_695 = arith.index_cast %add3A_491 : i32 to index
      %get3A_696 = arith.constant 128 : index
      %get3A_697 = tpu.vector_load %arg6[%get3A_695, %get3A_696] {strides = array<i32>} : memref<128x200xi32, #tpu.memory_space<vmem>>, vector<1x16xi32>,
      %get3A_698 = vector.shape_cast %get3A_697 : vector<1x16xi32> to vector<16xi32>
      %add3A_699 = arith.constant 128 : i32
      %add3A_700 = vector.broadcast %add3A_699 : i32 to vector<16xi32>
      %add3A_701 = arith.addi %iota3A, %add3A_700 : vector<16xi32>
      %lt3A_702 = arith.cmpi slt, %add3A_701, %gather3A_562 : vector<16xi32>
      %shift_right_arithmetic3A_703 = arith.constant 19 : i32
      %shift_right_arithmetic3A_704 = vector.broadcast %shift_right_arithmetic3A_703 : i32 to vector<16xi32>
      %shift_right_arithmetic3A_705 = arith.shrsi %get3A_698, %shift_right_arithmetic3A_704 : vector<16xi32>
      %add3A_706 = arith.addi %broadcast_in_dim3A_566, %shift_right_arithmetic3A_705 : vector<16xi32>
      %select_n3A_707 = arith.select %lt3A_702, %add3A_706, %add3A_20 : vector<16xi1>, vector<16xi32>
      %dma_start3A_708 = arith.constant 0 : i32
      %dma_start3A_709 = arith.constant 0 : i32
      %dma_start3A_710 = tpu.memref_slice %arg8[%dma_start3A_708, %dma_start3A_709] : memref<4112x128xf32, #tpu.memory_space<vmem_shared>> -> memref<4112x128xf32, #tpu.memory_space<vmem_shared>>
      tpu.enqueue_indirect_dma source(%arg30 : memref<16x128xf32, #tpu.memory_space<vmem>>) target(%dma_start3A_710 : memref<4112x128xf32, #tpu.memory_space<vmem_shared>>) offsets(%select_n3A_707 : vector<16xi32>) semaphore(%arg38 : memref<!tpu.dma_semaphore, #tpu.memory_space<semaphore_mem>>) {add = true}
      %get3A_711 = arith.index_cast %add3A_491 : i32 to index
      %get3A_712 = arith.constant 144 : index
      %get3A_713 = tpu.vector_load %arg6[%get3A_711, %get3A_712] {strides = array<i32>} : memref<128x200xi32, #tpu.memory_space<vmem>>, vector<1x16xi32>,
      %get3A_714 = vector.shape_cast %get3A_713 : vector<1x16xi32> to vector<16xi32>
      %add3A_715 = arith.constant 144 : i32
      %add3A_716 = vector.broadcast %add3A_715 : i32 to vector<16xi32>
      %add3A_717 = arith.addi %iota3A, %add3A_716 : vector<16xi32>
      %lt3A_718 = arith.cmpi slt, %add3A_717, %gather3A_562 : vector<16xi32>
      %shift_right_arithmetic3A_719 = arith.constant 19 : i32
      %shift_right_arithmetic3A_720 = vector.broadcast %shift_right_arithmetic3A_719 : i32 to vector<16xi32>
      %shift_right_arithmetic3A_721 = arith.shrsi %get3A_714, %shift_right_arithmetic3A_720 : vector<16xi32>
      %add3A_722 = arith.addi %broadcast_in_dim3A_566, %shift_right_arithmetic3A_721 : vector<16xi32>
      %select_n3A_723 = arith.select %lt3A_718, %add3A_722, %add3A_20 : vector<16xi1>, vector<16xi32>
      %dma_start3A_724 = arith.constant 0 : i32
      %dma_start3A_725 = arith.constant 0 : i32
      %dma_start3A_726 = tpu.memref_slice %arg8[%dma_start3A_724, %dma_start3A_725] : memref<4112x128xf32, #tpu.memory_space<vmem_shared>> -> memref<4112x128xf32, #tpu.memory_space<vmem_shared>>
      tpu.enqueue_indirect_dma source(%arg31 : memref<16x128xf32, #tpu.memory_space<vmem>>) target(%dma_start3A_726 : memref<4112x128xf32, #tpu.memory_space<vmem_shared>>) offsets(%select_n3A_723 : vector<16xi32>) semaphore(%arg38 : memref<!tpu.dma_semaphore, #tpu.memory_space<semaphore_mem>>) {add = true}
      %get3A_727 = arith.index_cast %add3A_491 : i32 to index
      %get3A_728 = arith.constant 160 : index
      %get3A_729 = tpu.vector_load %arg6[%get3A_727, %get3A_728] {strides = array<i32>} : memref<128x200xi32, #tpu.memory_space<vmem>>, vector<1x16xi32>,
      %get3A_730 = vector.shape_cast %get3A_729 : vector<1x16xi32> to vector<16xi32>
      %add3A_731 = arith.constant 160 : i32
      %add3A_732 = vector.broadcast %add3A_731 : i32 to vector<16xi32>
      %add3A_733 = arith.addi %iota3A, %add3A_732 : vector<16xi32>
      %lt3A_734 = arith.cmpi slt, %add3A_733, %gather3A_562 : vector<16xi32>
      %shift_right_arithmetic3A_735 = arith.constant 19 : i32
      %shift_right_arithmetic3A_736 = vector.broadcast %shift_right_arithmetic3A_735 : i32 to vector<16xi32>
      %shift_right_arithmetic3A_737 = arith.shrsi %get3A_730, %shift_right_arithmetic3A_736 : vector<16xi32>
      %add3A_738 = arith.addi %broadcast_in_dim3A_566, %shift_right_arithmetic3A_737 : vector<16xi32>
      %select_n3A_739 = arith.select %lt3A_734, %add3A_738, %add3A_20 : vector<16xi1>, vector<16xi32>
      %dma_start3A_740 = arith.constant 0 : i32
      %dma_start3A_741 = arith.constant 0 : i32
      %dma_start3A_742 = tpu.memref_slice %arg8[%dma_start3A_740, %dma_start3A_741] : memref<4112x128xf32, #tpu.memory_space<vmem_shared>> -> memref<4112x128xf32, #tpu.memory_space<vmem_shared>>
      tpu.enqueue_indirect_dma source(%arg32 : memref<16x128xf32, #tpu.memory_space<vmem>>) target(%dma_start3A_742 : memref<4112x128xf32, #tpu.memory_space<vmem_shared>>) offsets(%select_n3A_739 : vector<16xi32>) semaphore(%arg38 : memref<!tpu.dma_semaphore, #tpu.memory_space<semaphore_mem>>) {add = true}
      %get3A_743 = arith.index_cast %add3A_491 : i32 to index
      %get3A_744 = arith.constant 176 : index
      %get3A_745 = tpu.vector_load %arg6[%get3A_743, %get3A_744] {strides = array<i32>} : memref<128x200xi32, #tpu.memory_space<vmem>>, vector<1x16xi32>,
      %get3A_746 = vector.shape_cast %get3A_745 : vector<1x16xi32> to vector<16xi32>
      %add3A_747 = arith.constant 176 : i32
      %add3A_748 = vector.broadcast %add3A_747 : i32 to vector<16xi32>
      %add3A_749 = arith.addi %iota3A, %add3A_748 : vector<16xi32>
      %lt3A_750 = arith.cmpi slt, %add3A_749, %gather3A_562 : vector<16xi32>
      %shift_right_arithmetic3A_751 = arith.constant 19 : i32
      %shift_right_arithmetic3A_752 = vector.broadcast %shift_right_arithmetic3A_751 : i32 to vector<16xi32>
      %shift_right_arithmetic3A_753 = arith.shrsi %get3A_746, %shift_right_arithmetic3A_752 : vector<16xi32>
      %add3A_754 = arith.addi %broadcast_in_dim3A_566, %shift_right_arithmetic3A_753 : vector<16xi32>
      %select_n3A_755 = arith.select %lt3A_750, %add3A_754, %add3A_20 : vector<16xi1>, vector<16xi32>
      %dma_start3A_756 = arith.constant 0 : i32
      %dma_start3A_757 = arith.constant 0 : i32
      %dma_start3A_758 = tpu.memref_slice %arg8[%dma_start3A_756, %dma_start3A_757] : memref<4112x128xf32, #tpu.memory_space<vmem_shared>> -> memref<4112x128xf32, #tpu.memory_space<vmem_shared>>
      tpu.enqueue_indirect_dma source(%arg33 : memref<16x128xf32, #tpu.memory_space<vmem>>) target(%dma_start3A_758 : memref<4112x128xf32, #tpu.memory_space<vmem_shared>>) offsets(%select_n3A_755 : vector<16xi32>) semaphore(%arg38 : memref<!tpu.dma_semaphore, #tpu.memory_space<semaphore_mem>>) {add = true}
      %get3A_759 = arith.index_cast %add3A_491 : i32 to index
      %get3A_760 = arith.constant 184 : index
      %get3A_761 = tpu.vector_load %arg6[%get3A_759, %get3A_760] {strides = array<i32>} : memref<128x200xi32, #tpu.memory_space<vmem>>, vector<1x16xi32>,
      %get3A_762 = vector.shape_cast %get3A_761 : vector<1x16xi32> to vector<16xi32>
      %add3A_763 = arith.constant 184 : i32
      %add3A_764 = vector.broadcast %add3A_763 : i32 to vector<16xi32>
      %add3A_765 = arith.addi %iota3A, %add3A_764 : vector<16xi32>
      %lt3A_766 = arith.cmpi slt, %add3A_765, %gather3A_562 : vector<16xi32>
      %ge3A_767 = arith.constant 8 : i32
      %ge3A_768 = vector.broadcast %ge3A_767 : i32 to vector<16xi32>
      %ge3A_769 = arith.cmpi sge, %iota3A, %ge3A_768 : vector<16xi32>
      %and3A_770 = arith.andi %lt3A_766, %ge3A_769 : vector<16xi1>
      %shift_right_arithmetic3A_771 = arith.constant 19 : i32
      %shift_right_arithmetic3A_772 = vector.broadcast %shift_right_arithmetic3A_771 : i32 to vector<16xi32>
      %shift_right_arithmetic3A_773 = arith.shrsi %get3A_762, %shift_right_arithmetic3A_772 : vector<16xi32>
      %add3A_774 = arith.addi %broadcast_in_dim3A_566, %shift_right_arithmetic3A_773 : vector<16xi32>
      %select_n3A_775 = arith.select %and3A_770, %add3A_774, %add3A_20 : vector<16xi1>, vector<16xi32>
      %dma_start3A_776 = arith.constant 0 : i32
      %dma_start3A_777 = arith.constant 0 : i32
      %dma_start3A_778 = tpu.memref_slice %arg8[%dma_start3A_776, %dma_start3A_777] : memref<4112x128xf32, #tpu.memory_space<vmem_shared>> -> memref<4112x128xf32, #tpu.memory_space<vmem_shared>>
      tpu.enqueue_indirect_dma source(%arg34 : memref<16x128xf32, #tpu.memory_space<vmem>>) target(%dma_start3A_778 : memref<4112x128xf32, #tpu.memory_space<vmem_shared>>) offsets(%select_n3A_775 : vector<16xi32>) semaphore(%arg38 : memref<!tpu.dma_semaphore, #tpu.memory_space<semaphore_mem>>) {add = true}
    }
    %scan3A_166 = arith.constant 64 : i32
    %dma_wait3A = arith.constant 0 : i32
    %dma_wait3A_167 = arith.constant 0 : i32
    %dma_wait3A_168 = tpu.memref_slice %arg8[%dma_wait3A, %dma_wait3A_167] : memref<4112x128xf32, #tpu.memory_space<vmem_shared>> -> memref<4112x128xf32, #tpu.memory_space<vmem_shared>>
    tpu.wait_indirect_dma semaphore(%arg38 : memref<!tpu.dma_semaphore, #tpu.memory_space<semaphore_mem>>) src(%arg22 : memref<16x128xf32, #tpu.memory_space<vmem>>) dst(%dma_wait3A_168 : memref<4112x128xf32, #tpu.memory_space<vmem_shared>>)
    %dma_wait3A_169 = arith.constant 0 : i32
    %dma_wait3A_170 = arith.constant 0 : i32
    %dma_wait3A_171 = tpu.memref_slice %arg8[%dma_wait3A_169, %dma_wait3A_170] : memref<4112x128xf32, #tpu.memory_space<vmem_shared>> -> memref<4112x128xf32, #tpu.memory_space<vmem_shared>>
    tpu.wait_indirect_dma semaphore(%arg38 : memref<!tpu.dma_semaphore, #tpu.memory_space<semaphore_mem>>) src(%arg23 : memref<16x128xf32, #tpu.memory_space<vmem>>) dst(%dma_wait3A_171 : memref<4112x128xf32, #tpu.memory_space<vmem_shared>>)
    %dma_wait3A_172 = arith.constant 0 : i32
    %dma_wait3A_173 = arith.constant 0 : i32
    %dma_wait3A_174 = tpu.memref_slice %arg8[%dma_wait3A_172, %dma_wait3A_173] : memref<4112x128xf32, #tpu.memory_space<vmem_shared>> -> memref<4112x128xf32, #tpu.memory_space<vmem_shared>>
    tpu.wait_indirect_dma semaphore(%arg38 : memref<!tpu.dma_semaphore, #tpu.memory_space<semaphore_mem>>) src(%arg24 : memref<16x128xf32, #tpu.memory_space<vmem>>) dst(%dma_wait3A_174 : memref<4112x128xf32, #tpu.memory_space<vmem_shared>>)
    %dma_wait3A_175 = arith.constant 0 : i32
    %dma_wait3A_176 = arith.constant 0 : i32
    %dma_wait3A_177 = tpu.memref_slice %arg8[%dma_wait3A_175, %dma_wait3A_176] : memref<4112x128xf32, #tpu.memory_space<vmem_shared>> -> memref<4112x128xf32, #tpu.memory_space<vmem_shared>>
    tpu.wait_indirect_dma semaphore(%arg38 : memref<!tpu.dma_semaphore, #tpu.memory_space<semaphore_mem>>) src(%arg25 : memref<16x128xf32, #tpu.memory_space<vmem>>) dst(%dma_wait3A_177 : memref<4112x128xf32, #tpu.memory_space<vmem_shared>>)
    %dma_wait3A_178 = arith.constant 0 : i32
    %dma_wait3A_179 = arith.constant 0 : i32
    %dma_wait3A_180 = tpu.memref_slice %arg8[%dma_wait3A_178, %dma_wait3A_179] : memref<4112x128xf32, #tpu.memory_space<vmem_shared>> -> memref<4112x128xf32, #tpu.memory_space<vmem_shared>>
    tpu.wait_indirect_dma semaphore(%arg38 : memref<!tpu.dma_semaphore, #tpu.memory_space<semaphore_mem>>) src(%arg26 : memref<16x128xf32, #tpu.memory_space<vmem>>) dst(%dma_wait3A_180 : memref<4112x128xf32, #tpu.memory_space<vmem_shared>>)
    %dma_wait3A_181 = arith.constant 0 : i32
    %dma_wait3A_182 = arith.constant 0 : i32
    %dma_wait3A_183 = tpu.memref_slice %arg8[%dma_wait3A_181, %dma_wait3A_182] : memref<4112x128xf32, #tpu.memory_space<vmem_shared>> -> memref<4112x128xf32, #tpu.memory_space<vmem_shared>>
    tpu.wait_indirect_dma semaphore(%arg38 : memref<!tpu.dma_semaphore, #tpu.memory_space<semaphore_mem>>) src(%arg27 : memref<16x128xf32, #tpu.memory_space<vmem>>) dst(%dma_wait3A_183 : memref<4112x128xf32, #tpu.memory_space<vmem_shared>>)
    %dma_wait3A_184 = arith.constant 0 : i32
    %dma_wait3A_185 = arith.constant 0 : i32
    %dma_wait3A_186 = tpu.memref_slice %arg8[%dma_wait3A_184, %dma_wait3A_185] : memref<4112x128xf32, #tpu.memory_space<vmem_shared>> -> memref<4112x128xf32, #tpu.memory_space<vmem_shared>>
    tpu.wait_indirect_dma semaphore(%arg38 : memref<!tpu.dma_semaphore, #tpu.memory_space<semaphore_mem>>) src(%arg28 : memref<16x128xf32, #tpu.memory_space<vmem>>) dst(%dma_wait3A_186 : memref<4112x128xf32, #tpu.memory_space<vmem_shared>>)
    %dma_wait3A_187 = arith.constant 0 : i32
    %dma_wait3A_188 = arith.constant 0 : i32
    %dma_wait3A_189 = tpu.memref_slice %arg8[%dma_wait3A_187, %dma_wait3A_188] : memref<4112x128xf32, #tpu.memory_space<vmem_shared>> -> memref<4112x128xf32, #tpu.memory_space<vmem_shared>>
    tpu.wait_indirect_dma semaphore(%arg38 : memref<!tpu.dma_semaphore, #tpu.memory_space<semaphore_mem>>) src(%arg29 : memref<16x128xf32, #tpu.memory_space<vmem>>) dst(%dma_wait3A_189 : memref<4112x128xf32, #tpu.memory_space<vmem_shared>>)
    %dma_wait3A_190 = arith.constant 0 : i32
    %dma_wait3A_191 = arith.constant 0 : i32
    %dma_wait3A_192 = tpu.memref_slice %arg8[%dma_wait3A_190, %dma_wait3A_191] : memref<4112x128xf32, #tpu.memory_space<vmem_shared>> -> memref<4112x128xf32, #tpu.memory_space<vmem_shared>>
    tpu.wait_indirect_dma semaphore(%arg38 : memref<!tpu.dma_semaphore, #tpu.memory_space<semaphore_mem>>) src(%arg30 : memref<16x128xf32, #tpu.memory_space<vmem>>) dst(%dma_wait3A_192 : memref<4112x128xf32, #tpu.memory_space<vmem_shared>>)
    %dma_wait3A_193 = arith.constant 0 : i32
    %dma_wait3A_194 = arith.constant 0 : i32
    %dma_wait3A_195 = tpu.memref_slice %arg8[%dma_wait3A_193, %dma_wait3A_194] : memref<4112x128xf32, #tpu.memory_space<vmem_shared>> -> memref<4112x128xf32, #tpu.memory_space<vmem_shared>>
    tpu.wait_indirect_dma semaphore(%arg38 : memref<!tpu.dma_semaphore, #tpu.memory_space<semaphore_mem>>) src(%arg31 : memref<16x128xf32, #tpu.memory_space<vmem>>) dst(%dma_wait3A_195 : memref<4112x128xf32, #tpu.memory_space<vmem_shared>>)
    %dma_wait3A_196 = arith.constant 0 : i32
    %dma_wait3A_197 = arith.constant 0 : i32
    %dma_wait3A_198 = tpu.memref_slice %arg8[%dma_wait3A_196, %dma_wait3A_197] : memref<4112x128xf32, #tpu.memory_space<vmem_shared>> -> memref<4112x128xf32, #tpu.memory_space<vmem_shared>>
    tpu.wait_indirect_dma semaphore(%arg38 : memref<!tpu.dma_semaphore, #tpu.memory_space<semaphore_mem>>) src(%arg32 : memref<16x128xf32, #tpu.memory_space<vmem>>) dst(%dma_wait3A_198 : memref<4112x128xf32, #tpu.memory_space<vmem_shared>>)
    %dma_wait3A_199 = arith.constant 0 : i32
    %dma_wait3A_200 = arith.constant 0 : i32
    %dma_wait3A_201 = tpu.memref_slice %arg8[%dma_wait3A_199, %dma_wait3A_200] : memref<4112x128xf32, #tpu.memory_space<vmem_shared>> -> memref<4112x128xf32, #tpu.memory_space<vmem_shared>>
    tpu.wait_indirect_dma semaphore(%arg38 : memref<!tpu.dma_semaphore, #tpu.memory_space<semaphore_mem>>) src(%arg33 : memref<16x128xf32, #tpu.memory_space<vmem>>) dst(%dma_wait3A_201 : memref<4112x128xf32, #tpu.memory_space<vmem_shared>>)
    %dma_wait3A_202 = arith.constant 0 : i32
    %dma_wait3A_203 = arith.constant 0 : i32
    %dma_wait3A_204 = tpu.memref_slice %arg8[%dma_wait3A_202, %dma_wait3A_203] : memref<4112x128xf32, #tpu.memory_space<vmem_shared>> -> memref<4112x128xf32, #tpu.memory_space<vmem_shared>>
    tpu.wait_indirect_dma semaphore(%arg38 : memref<!tpu.dma_semaphore, #tpu.memory_space<semaphore_mem>>) src(%arg34 : memref<16x128xf32, #tpu.memory_space<vmem>>) dst(%dma_wait3A_204 : memref<4112x128xf32, #tpu.memory_space<vmem_shared>>)
    %mul3A_205 = arith.constant 2 : i32
    %mul3A_206 = arith.muli %mul3A_205, %add3A : i32
    "tpu.region"() ({
      %run_scoped3A = tpu.sem_alloc : memref<!tpu.dma_semaphore, #tpu.memory_space<semaphore_mem>>
      %dma_start3A_207 = arith.constant 0 : i32
      %dma_start3A_208 = tpu.memref_slice %arg5[%mul3A_206, %dma_start3A_207] : memref<8192x128xf32, #tpu.memory_space<hbm>> -> memref<256x128xf32, #tpu.memory_space<hbm>>
      %dma_start3A_209 = arith.constant 0 : i32
      %dma_start3A_210 = tpu.memref_slice %arg8[%mul3A_6, %dma_start3A_209] : memref<4112x128xf32, #tpu.memory_space<vmem_shared>> -> memref<256x128xf32, #tpu.memory_space<vmem_shared>>
      tpu.enqueue_dma source(%dma_start3A_210 : memref<256x128xf32, #tpu.memory_space<vmem_shared>>) target(%dma_start3A_208 : memref<256x128xf32, #tpu.memory_space<hbm>>) target_semaphore(%run_scoped3A : memref<!tpu.dma_semaphore, #tpu.memory_space<semaphore_mem>>)
      %dma_wait3A_211 = arith.constant 0 : i32
      %dma_wait3A_212 = tpu.memref_slice %arg5[%mul3A_206, %dma_wait3A_211] : memref<8192x128xf32, #tpu.memory_space<hbm>> -> memref<256x128xf32, #tpu.memory_space<hbm>>
      %dma_wait3A_213 = arith.constant 0 : i32
      %dma_wait3A_214 = tpu.memref_slice %arg8[%mul3A_6, %dma_wait3A_213] : memref<4112x128xf32, #tpu.memory_space<vmem_shared>> -> memref<256x128xf32, #tpu.memory_space<vmem_shared>>
      tpu.wait_dma2 semaphore(%run_scoped3A : memref<!tpu.dma_semaphore, #tpu.memory_space<semaphore_mem>>) src(%dma_wait3A_214 : memref<256x128xf32, #tpu.memory_space<vmem_shared>>) dst(%dma_wait3A_212 : memref<256x128xf32, #tpu.memory_space<hbm>>)
      tpu.yield
    }) : () -> ()
    return
  }
}

module attributes {stable_mosaic.version = 14 : i64} {
  func.func @body(%arg0: i32, %arg1: memref<256x2x128xf32, #tpu.memory_space<vmem>>, %arg2: memref<256x1xi32, #tpu.memory_space<vmem>>, %arg3: memref<64x128xf32, #tpu.memory_space<vmem>>, %arg4: memref<1x128xf32, #tpu.memory_space<vmem>>, %arg5: memref<256x128xf32, #tpu.memory_space<vmem>>) attributes {dimension_semantics = [#tpu.dimension_semantics<arbitrary>], iteration_bounds = array<i64: 16>, scalar_prefetch = 0 : i64, scratch_operands = 0 : i64, tpu.core_type = #tpu.core_type<tc>, window_params = [{transform_indices = @transform_0, window_bounds = array<i64: 256, 2, 128>}, {transform_indices = @transform_1, window_bounds = array<i64: 256, 1>}, {pipeline_mode = #tpu.pipeline_mode<synchronous>, transform_indices = @transform_2, window_bounds = array<i64: 64, 128>}, {pipeline_mode = #tpu.pipeline_mode<synchronous>, transform_indices = @transform_3, window_bounds = array<i64: 1, 128>}, {transform_indices = @transform_4, window_bounds = array<i64: 256, 128>}]} {
    %get3A = arith.constant 0 : index
    %get3A_0 = arith.constant 0 : index
    %get3A_1 = arith.constant 0 : index
    %get3A_2 = vector.load %arg1[%get3A, %get3A_0, %get3A_1] : memref<256x2x128xf32, #tpu.memory_space<vmem>>, vector<256x1x64xf32>
    %get3A_3 = vector.shape_cast %get3A_2 : vector<256x1x64xf32> to vector<256x64xf32>
    %get3A_4 = arith.constant 0 : index
    %get3A_5 = arith.constant 1 : index
    %get3A_6 = arith.constant 64 : index
    %get3A_7 = vector.load %arg1[%get3A_4, %get3A_5, %get3A_6] : memref<256x2x128xf32, #tpu.memory_space<vmem>>, vector<256x1x64xf32>
    %get3A_8 = vector.shape_cast %get3A_7 : vector<256x1x64xf32> to vector<256x64xf32>
    %add3A = arith.addf %get3A_3, %get3A_8 : vector<256x64xf32>
    %get3A_9 = arith.constant 0 : index
    %get3A_10 = arith.constant 0 : index
    %get3A_11 = vector.load %arg2[%get3A_9, %get3A_10] : memref<256x1xi32, #tpu.memory_space<vmem>>, vector<256x1xi32>
    %convert_element_type3A = arith.sitofp %get3A_11 : vector<256x1xi32> to vector<256x1xf32>
    %div3A = vector.broadcast %convert_element_type3A : vector<256x1xf32> to vector<256x64xf32>
    %div3A_12 = arith.divf %add3A, %div3A : vector<256x64xf32>
    %get3A_13 = arith.constant 0 : index
    %get3A_14 = arith.constant 0 : index
    %get3A_15 = vector.load %arg3[%get3A_13, %get3A_14] : memref<64x128xf32, #tpu.memory_space<vmem>>, vector<64x128xf32>
    %dot_general3A = arith.constant dense<0.000000e+00> : vector<256x128xf32>
    %dot_general3A_16 = tpu.matmul %div3A_12, %get3A_15, %dot_general3A {dimension_numbers = #tpu.dot_dimension_numbers<[1], [0], [0], [1], [0, 0, 1, 1], [], []>, transpose_lhs_hint = false} : vector<256x64xf32>, vector<64x128xf32>, vector<256x128xf32> -> vector<256x128xf32>
    %get3A_17 = arith.constant 0 : index
    %get3A_18 = arith.constant 0 : index
    %get3A_19 = vector.load %arg4[%get3A_17, %get3A_18] : memref<1x128xf32, #tpu.memory_space<vmem>>, vector<1x128xf32>
    %add3A_20 = vector.broadcast %get3A_19 : vector<1x128xf32> to vector<256x128xf32>
    %add3A_21 = arith.addf %dot_general3A_16, %add3A_20 : vector<256x128xf32>
    %swap3A = arith.constant 0 : index
    %swap3A_22 = arith.constant 0 : index
    %swap3A_23 = vector.load %arg5[%swap3A, %swap3A_22] : memref<256x128xf32, #tpu.memory_space<vmem>>, vector<256x128xf32>
    tpu.vector_store %arg5[%swap3A, %swap3A_22], %add3A_21 {strides = array<i32>} : memref<256x128xf32, #tpu.memory_space<vmem>>, vector<256x128xf32>,
    return
  }
  func.func @transform_0(%arg0: i32) -> (i32, i32, i32) {
    %c0_i32 = arith.constant 0 : i32
    %c0_i32_0 = arith.constant 0 : i32
    %c0_i32_1 = arith.constant 0 : i32
    return %arg0, %c0_i32, %c0_i32_0 : i32, i32, i32
  }
  func.func @transform_1(%arg0: i32) -> (i32, i32) {
    %c0_i32 = arith.constant 0 : i32
    %c0_i32_0 = arith.constant 0 : i32
    return %arg0, %c0_i32 : i32, i32
  }
  func.func @transform_2(%arg0: i32) -> (i32, i32) {
    %c0_i32 = arith.constant 0 : i32
    %c0_i32_0 = arith.constant 0 : i32
    %c0_i32_1 = arith.constant 0 : i32
    return %c0_i32, %c0_i32_0 : i32, i32
  }
  func.func @transform_3(%arg0: i32) -> (i32, i32) {
    %c0_i32 = arith.constant 0 : i32
    %c0_i32_0 = arith.constant 0 : i32
    %c0_i32_1 = arith.constant 0 : i32
    return %c0_i32, %c0_i32_0 : i32, i32
  }
  func.func @transform_4(%arg0: i32) -> (i32, i32) {
    %c0_i32 = arith.constant 0 : i32
    %c0_i32_0 = arith.constant 0 : i32
    return %arg0, %c0_i32 : i32, i32
  }
}

module attributes {stable_mosaic.version = 14 : i64} {
  func.func @body(%arg0: i32, %arg1: memref<64x4096xf32, #tpu.memory_space<vmem>>, %arg2: memref<64x4096xf32, #tpu.memory_space<vmem>>, %arg3: memref<4096x128xf32, #tpu.memory_space<vmem>>) attributes {dimension_semantics = [#tpu.dimension_semantics<arbitrary>], iteration_bounds = array<i64: 128>, scalar_prefetch = 0 : i64, scratch_operands = 0 : i64, tpu.core_type = #tpu.core_type<tc>, window_params = [{transform_indices = @transform_0, window_bounds = array<i64: 64, 4096>}, {transform_indices = @transform_1, window_bounds = array<i64: 64, 4096>}, {transform_indices = @transform_2, window_bounds = array<i64: 4096, 128>}]} {
    %get3A = arith.constant 0 : index
    %get3A_0 = arith.constant 0 : index
    %get3A_1 = vector.load %arg1[%get3A, %get3A_0] : memref<64x4096xf32, #tpu.memory_space<vmem>>, vector<64x4096xf32>
    %transpose3A = tpu.transpose %get3A_1, [1, 0] : vector<64x4096xf32> -> vector<4096x64xf32>
    %get3A_2 = arith.constant 0 : index
    %get3A_3 = arith.constant 0 : index
    %get3A_4 = vector.load %arg2[%get3A_2, %get3A_3] : memref<64x4096xf32, #tpu.memory_space<vmem>>, vector<64x4096xf32>
    %transpose3A_5 = tpu.transpose %get3A_4, [1, 0] : vector<64x4096xf32> -> vector<4096x64xf32>
    %concatenate3A = tpu.concatenate %transpose3A, %transpose3A_5 in 1 : vector<4096x64xf32>, vector<4096x64xf32> -> vector<4096x128xf32>
    %swap3A = arith.constant 0 : index
    %swap3A_6 = arith.constant 0 : index
    %swap3A_7 = vector.load %arg3[%swap3A, %swap3A_6] : memref<4096x128xf32, #tpu.memory_space<vmem>>, vector<4096x128xf32>
    tpu.vector_store %arg3[%swap3A, %swap3A_6], %concatenate3A {strides = array<i32>} : memref<4096x128xf32, #tpu.memory_space<vmem>>, vector<4096x128xf32>,
    return
  }
  func.func @transform_0(%arg0: i32) -> (i32, i32) {
    %c0_i32 = arith.constant 0 : i32
    %c0_i32_0 = arith.constant 0 : i32
    return %c0_i32, %arg0 : i32, i32
  }
  func.func @transform_1(%arg0: i32) -> (i32, i32) {
    %add3A = arith.constant 128 : i32
    %add3A_0 = arith.addi %arg0, %add3A : i32
    %min3A = arith.constant 244 : i32
    %min3A_1 = arith.minsi %add3A_0, %min3A : i32
    %c0_i32 = arith.constant 0 : i32
    %c0_i32_2 = arith.constant 0 : i32
    return %c0_i32, %min3A_1 : i32, i32
  }
  func.func @transform_2(%arg0: i32) -> (i32, i32) {
    %c0_i32 = arith.constant 0 : i32
    %c0_i32_0 = arith.constant 0 : i32
    return %arg0, %c0_i32 : i32, i32
  }
}

</mosaic_0001>

<sc_bundles>
// kernel: kernel.5.cloned.1.call-start
scs
__scs_entry_jumppad:
0x0: {  	(pc) =	sbr.rel $0x88, $3  }
0x1: {  	(tag) =	ssettag $0x0;
	lr =	simm.s32 $0x1  }
0x2: {  	[smem:$0x3F9C] =	sst lr;
	_ =	strace $0xD0000000  }
0x3: {  	_ = 	snop  }
0x4: {  	_ = 	snop  }
0x5: {  	_ = 	snop  }
0x6: {  	_ = 	snop  }
0x7: {  	_ = 	snop  }
__scs_overlays_trampoline_lowered:
0x8: {  	[smem:$0x3FAB] =	sst s0  }
0x9: {  	[smem:$0x3FAC] =	sst s1  }
0xa: {  	[smem:$0x3FAD] =	sst s2  }
0xb: {  	[smem:$0x3FAE] =	sst s3  }
0xc: {  	[smem:$0x3FAF] =	sst s4  }
0xd: {  	[smem:$0x3FB0] =	sst s5  }
0xe: {  	[smem:$0x3FB1] =	sst s6  }
0xf: {  	[smem:$0x3FB2] =	sst s7  }
0x10: {  	[smem:$0x3FB3] =	sst s8  }
0x11: {  	[smem:$0x3FB4] =	sst s9;
	s0 =	simm.s32 @!p0 $0x0  }
0x12: {  	s1 =	sld [smem:$0x3F9A];
	s0 =	simm.s32 @p0 $0x1  }
0x13: {  	[smem:$0x3FB5] =	sst s0;
	s0 =	simm.s32 @!p1 $0x0  }
0x14: {  	s2 =	sld [smem:$0x3F99];
	s0 =	simm.s32 @p1 $0x1  }
0x15: {  	[smem:$0x3FB6] =	sst s0;
	s0 =	simm.s32 @!p2 $0x0  }
0x16: {  	s3 =	sld [smem:$0x3FDB];
	s0 =	simm.s32 @p2 $0x1  }
0x17: {  	s4 =	simm.s32 $0x1BF5;
	[smem:$0x3FB8] =	sst s0  }
0x18: {  	s0 =	sld [smem:$0x3F9B];
	_ =	swait.ge [sflag:s4], $0x0  }
0x19: {  	s7 =	sld [smem:$0x3F9C]  }
0x1a: {  	s8 =	sadd.s32 $0xFFFFE003, lr  }
0x1b: {  	s9 =	sadd.s32 $0xFFFFFEF7, lr;
	s5 =	simm.s32 $0xFFFFFFFF;
	p2 =	slt.u32 s8, $0xFFFFF086  }
0x1c: {  	p1 =	slt.u32 s9, $0xF7A;
	s5 =	simm.s32 @!p2 $0x0  }
0x1d: {  	s5 =	simm.s32 @p1 $0x1;
	p0 =	seq.s32 s7, s2  }
0x1e: {  	s7 =	smul.u32 @!p0 $0xF7A, s2;
	p2 =	seq.s32 @!p0 s5, $0x0  }
0x1f: {  	s9 =	smul.u32 $0xF7A, s1;
	s8 =	simm.s32 @!p0 $0x1BF5;
	p2 =	por !p2, p0  }
0x20: {  	[sflag:s8] =	ssyncset.s32 @!p0 $0xFFFFF086;
	s6 =	sadd.s32 @!p0 s3, s7;
	s7 =	simm.s32 @!p0 $0x108  }
0x21: {  	s3 =	sadd.s32 s3, s9;
	s6 =	sadd.s32 @!p0 $0x88, s6;
	s7 =	simm.s32 @p2 $0x1082  }
0x22: {  	[simem:s7], [sflag:s8] =	dma.local @!p0 [hbm:s6], $0xF7A  }
0x23: {  	s9 =	sor.u32 $0xD0000000, s2;
	s6 =	simm.s32 $0x108;
	_ =	swait.ge @!p0 [sflag:s8], $0x0  }
0x24: {  	s3 =	sadd.s32 $0x88, s3;
	s6 =	simm.s32 @!p1 $0x1082;
	[sflag:s4] =	ssyncset.s32 $0xFFFFF086  }
0x25: {  	[simem:s6], [sflag:s4] =	dma.local [hbm:s3], $0xF7A  }
0x26: {  	[smem:$0x3F9C] =	sst s1;
	(tag) =	ssettag s2;
	_ =	strace s9  }
0x27: {  	s1 =	sld [smem:$0x3FAC]  }
0x28: {  	s2 =	sld [smem:$0x3FAD]  }
0x29: {  	s4 =	sld [smem:$0x3FAF]  }
0x2a: {  	p0 =	seq.s32 s5, $0x0;
	s5 =	sld [smem:$0x3FB0]  }
0x2b: {  	s6 =	sld [smem:$0x3FB1]  }
0x2c: {  	s7 =	sld [smem:$0x3FB2]  }
0x2d: {  	s3 =	simm.s32 $0x108;
	s8 =	sld [smem:$0x3FB3]  }
0x2e: {  	s3 =	simm.s32 @!p0 $0x1082;
	s9 =	sld [smem:$0x3FB4]  }
0x2f: {  	lr =	sadd.s32 s0, s3;
	s0 =	sld [smem:$0x3FAB]  }
0x30: {  	s3 =	sld [smem:$0x3FAE]  }
0x31: {  	[smem:$0x3FB7] =	sst s10  }
0x32: {  	s10 =	sld [smem:$0x3FB5];
	_ =	sdelay $0x3  }
0x33: {  	p0 =	seq.s32 s10, $0x1;
	s10 =	sld [smem:$0x3FB7];
	_ =	sdelay $0x3  }
0x34: {  	[smem:$0x3FB7] =	sst s10  }
0x35: {  	s10 =	sld [smem:$0x3FB6];
	_ =	sdelay $0x3  }
0x36: {  	p1 =	seq.s32 s10, $0x1;
	s10 =	sld [smem:$0x3FB7];
	_ =	sdelay $0x3  }
0x37: {  	[smem:$0x3FB7] =	sst s10  }
0x38: {  	s10 =	sld [smem:$0x3FB8]  }
0x39: {  	_ = 	snop;
	(pc) =	sbr.ind lr, $3  }
0x3a: {  	_ = 	snop  }
0x3b: {  	_ = 	snop  }
0x3c: {  	p2 =	seq.s32 s10, $0x1;
	s10 =	sld [smem:$0x3FB7]  }
0x3d: {  	_ =	shalt  }
0x3e: {  	_ =	shalt  }
0x3f: {  	_ =	shalt  }
0x40: {  	_ =	shalt  }
0x41: {  	_ =	shalt  }
0x42: {  	_ =	shalt  }
0x43: {  	_ =	shalt  }
0x44: {  	_ =	shalt  }
0x45: {  	_ =	shalt  }
0x46: {  	_ =	shalt  }
0x47: {  	_ =	shalt  }
0x48: {  	_ =	shalt  }
0x49: {  	_ =	shalt  }
0x4a: {  	_ =	shalt  }
0x4b: {  	_ =	shalt  }
0x4c: {  	_ =	shalt  }
0x4d: {  	_ =	shalt  }
0x4e: {  	_ =	shalt  }
0x4f: {  	_ =	shalt  }
0x50: {  	_ =	shalt  }
0x51: {  	_ =	shalt  }
0x52: {  	_ =	shalt  }
0x53: {  	_ =	shalt  }
0x54: {  	_ =	shalt  }
0x55: {  	_ =	shalt  }
0x56: {  	_ =	shalt  }
0x57: {  	_ =	shalt  }
0x58: {  	_ =	shalt  }
0x59: {  	_ =	shalt  }
0x5a: {  	_ =	shalt  }
0x5b: {  	_ =	shalt  }
0x5c: {  	_ =	shalt  }
0x5d: {  	_ =	shalt  }
0x5e: {  	_ =	shalt  }
0x5f: {  	_ =	shalt  }
0x60: {  	_ =	shalt  }
0x61: {  	_ =	shalt  }
0x62: {  	_ =	shalt  }
0x63: {  	_ =	shalt  }
0x64: {  	_ =	shalt  }
0x65: {  	_ =	shalt  }
0x66: {  	_ =	shalt  }
0x67: {  	_ =	shalt  }
0x68: {  	_ =	shalt  }
0x69: {  	_ =	shalt  }
0x6a: {  	_ =	shalt  }
0x6b: {  	_ =	shalt  }
0x6c: {  	_ =	shalt  }
0x6d: {  	_ =	shalt  }
0x6e: {  	_ =	shalt  }
0x6f: {  	_ =	shalt  }
0x70: {  	_ =	shalt  }
0x71: {  	_ =	shalt  }
0x72: {  	_ =	shalt  }
0x73: {  	_ =	shalt  }
0x74: {  	_ =	shalt  }
0x75: {  	_ =	shalt  }
0x76: {  	_ =	shalt  }
0x77: {  	_ =	shalt  }
0x78: {  	_ =	shalt  }
0x79: {  	_ =	shalt  }
0x7a: {  	_ =	shalt  }
0x7b: {  	_ =	shalt  }
0x7c: {  	_ =	shalt  }
0x7d: {  	_ =	shalt  }
0x7e: {  	_ =	shalt  }
0x7f: {  	_ =	shalt  }
0x80: {  	_ =	shalt  }
0x81: {  	_ =	shalt  }
0x82: {  	_ =	shalt  }
0x83: {  	_ =	shalt  }
0x84: {  	_ =	shalt  }
0x85: {  	_ =	shalt  }
0x86: {  	_ =	shalt  }
0x87: {  	_ =	shalt  }
.Lfunc_end0:
.L_simem_size_0:
called_computation_lowered:
.L_overlay_start_0:
0x88: {  	s2 =	sld [smem:$0x3FD9]  }
0x89: {  	s3 =	sld [smem:$0x3FFE];
	_ =	sdelay $0x1  }
0x8a: {  	s1 =	srdreg.scid  }
0x8b: {  	s0 =	sand.u32 $0x1, s1  }
0x8c: {  	s17 =	sshll.u32 s0, $0xA;
	s2 =	sadd.s32 s3, s2  }
0x8d: {  	s2 =	sadd.s32 s2, s17  }
0x8e: {  	[smem:$0x3FC3] =	sst s2  }
0x8f: {  	_ = 	snop  }
0x90: {  	s2 =	sld [smem:$0x3FC8];
	(tm) =	ssettm $0x1  }
0x91: {  	s18 =	sld [smem:$0x3FFB];
	_ =	sdelay $0x3  }
0x92: {  	_ =	strace s18  }
0x93: {  	s3 =	sld [smem:$0x3FFC];
	_ =	sdelay $0x3  }
0x94: {  	_ =	strace s3  }
0x95: {  	s3 =	sld [smem:$0x3FFD];
	_ =	sdelay $0x3  }
0x96: {  	_ =	strace s3  }
0x97: {  	_ =	strace $0x8FFFFFFF  }
0x98: {  	s19 =	sld [smem:$0x3FDB];
	_ =	sdelay $0x1  }
0x99: {  	s4 =	simm.s32 $_scs_section_size  }
0x9a: {  	s5 =	simm.s32 $_size__tile_overlayer_lowered;
	s6 =	simm.s32 $_tile_overlayer_lowered  }
0x9b: {  	s22 =	simm.s32 $0x1BFF;
	s21 =	sshll.u32 s6, $0x1;
	s3 =	sadd.s32 s4, s19  }
0x9c: {  	s7 =	simm.s32 $0x0;
	s20 =	sshll.u32 s5, $0x1;
	s5 =	sadd.s32 s21, s3  }
0x9d: {  	[timem:s7], [sflag:s22] =	dma.local [hbm:s5], s20  }
0x9e: {  	_ =	swait.ge [sflag:s22], s20  }
0x9f: {  	s4 =	ssub.s32 $0x0, s20;
	[sflag:s22] =	ssyncset.done $0x0  }
0xa0: {  	[sflag:s22] =	ssyncadd.s32 s4;
	_ =	sdelay $0x1  }
0xa1: {  	s23 =	simm.s32 $0x1B8B  }
0xa2: {  	_ =	swait.ge [sflag:s23], $0x1  }
0xa3: {  	[sflag:s23] =	ssyncset.done $0x0  }
0xa4: {  	s25 =	simm.s32 $0x1B8E;
	s24 =	sld [smem:$0x3FFE];
	[sflag:s23] =	ssyncadd.s32 $0xFFFFFFFF  }
0xa5: {  	s26 =	simm.s32 $execute0_lowered;
	[smem:$0x3FD2] =	sst s25  }
0xa6: {  	s5 =	sshll.u32 s26, $0x1;
	_ =	strace $0x80000046;
	[dreg:$0x1] =	wrdreg $0xFFFFFFFF  }
0xa7: {  	s28 =	simm.s32 $_size_execute0_lowered;
	s3 =	sadd.s32 s3, s5;
	[dreg:$0x0] =	wrdreg $0x0  }
0xa8: {  	s5 =	sshll.u32 s28, $0x1;
	[dreg:$0x2] =	wrdreg s3  }
0xa9: {  	[dreg:$0x3] =	wrdreg s5  }
0xaa: {  	[dreg:$0x4] =	wrdreg $0xC0  }
0xab: {  	_ =	task [dreg:s7], $0x5FFFF  }
0xac: {  	[dreg:$0x1] =	wrdreg $0xFFFFFFFF  }
0xad: {  	[dreg:$0x0] =	wrdreg $0x60  }
0xae: {  	[dreg:$0x2] =	wrdreg s24  }
0xaf: {  	[dreg:$0x3] =	wrdreg s2  }
0xb0: {  	[dreg:$0x4] =	wrdreg $0x80800  }
0xb1: {  	[dreg:$0x5] =	wrdreg $0x9  }
0xb2: {  	_ =	task.clear_ibuf [dreg:s7], $0x6FFFF;
	_ =	strace $0x90000046  }
0xb3: {  	s29 =	simm.s32 $0x9;
	_ =	strace $0x80000048  }
0xb4: {  	_ =	swait.ge [sflag:s29], $0x1  }
0xb5: {  	[sflag:s29] =	ssyncadd.s32 $0xFFFFFFFF  }
0xb6: {  	_ =	strace $0x90000048  }
0xb7: {  	_ =	sfence  }
0xb8: {  	s30 =	sld [smem:$0x0];
	_ =	sdelay $0x2  }
0xb9: {  	s31 =	sshll.u32 s1, $0xD;
	s1 =	sshrl.u32 s1, $0x2  }
0xba: {  	s3 =	sand.u32 $0x4000, s31;
	s1 =	sadd.s32 s1, s30  }
0xbb: {  	s0 =	sor.u32 s3, s0;
	s1 =	sshll.u32 s1, $0x11  }
0xbc: {  	s0 =	sor.u32 s1, s0  }
0xbd: {  	s0 =	sadd.s32 $0x8F2B, s0  }
0xbe: {  	[sflag:s0] =	ssyncadd.remote.s32 $0x1  }
0xbf: {  	_ =	sfence.sel $0xFFFF  }
0xc0: {  	[dreg:$0x0] =	wrdreg $0xFFFFFFFF;
	(pc) =	sbr.abs _section_cstart, $3  }
0xc1: {  	[dreg:$0x1] =	wrdreg $0xFFFFFFFF  }
0xc2: {  	_ =	task.clear_ibuf [dreg:s7], $0x2FFFF;
	_ =	strace $0x9FFFFFFF  }
0xc3: {  	(tm) =	ssettm $0x7FFFFFFF  }
tec
execute0_lowered:
.L_overlay_start_1:
0x0: {  	(tag) =	ssettag $0x1  }
0x1: {  	s0 =	rddreg [dreg:$0x0]  }
0x2: {  	s1 =	rddreg [dreg:$0x1]  }
0x3: {  	s2 =	rddreg [dreg:$0x2]  }
0x4: {  	s3 =	srdreg.scid;
	s8 =	stileid.u32  }
0x5: {  	s4 =	sand.u32 $0x1, s3;
	s3 =	simm.s32 $0x0;
	s6 =	sshll.u32 s8, $0x7  }
0x6: {  	s9 =	sshll.u32 s8, $0x8;
	s11 =	sshll.u32 s8, $0xF;
	s5 =	sshll.u32 s4, $0xB  }
0x7: {  	[smem:$0x7FF] =	sst s3;
	s7 =	ssub.s32 $0x2, s4;
	s5 =	sor.u32 s6, s5  }
0x8: {  	s4 =	sadd.s32 $0xE00, s0;
	s6 =	sshll.u32 s5, $0x5;
	s5 =	sshrl.u32 s5, $0x3  }
0x9: {  	_ =	strace $0x80000047;
	[dreg:$0x4] =	wrdreg s9;
	s1 =	sadd.s32 s1, s5  }
0xa: {  	s0 =	sadd.s32 s6, s0;
	s5 =	sadd.s32 s11, s2;
	[dreg:$0x6] =	wrdreg s1  }
0xb: {  	s28 =	sshrl.u32 s7, $0x1;
	s10 =	sadd.s32 $0x800E00, s0;
	[dreg:$0x7] =	wrdreg s5  }
0xc: {  	s6 =	ssub.s32 s7, s28;
	s0 =	sadd.s32 $0x820E00, s0;
	[dreg:$0x5] =	wrdreg s10  }
0xd: {  	s12 =	smax.u32 s6, $0x1;
	[dreg:$0x8] =	wrdreg s0  }
0xe: {  	s13 =	sadd.s32 $0x800, s5;
	[dreg:$0x9] =	wrdreg s12  }
0xf: {  	s14 =	sadd.s32 $0x1000, s5;
	[dreg:$0xa] =	wrdreg s13  }
0x10: {  	s15 =	sadd.s32 $0x1800, s5;
	[dreg:$0xb] =	wrdreg s14  }
0x11: {  	s16 =	sadd.s32 $0x2000, s5;
	[dreg:$0xc] =	wrdreg s15  }
0x12: {  	s17 =	sadd.s32 $0x2800, s5;
	[dreg:$0xd] =	wrdreg s16  }
0x13: {  	s18 =	sadd.s32 $0x3000, s5;
	[dreg:$0xe] =	wrdreg s17  }
0x14: {  	s19 =	sadd.s32 $0x3800, s5;
	[dreg:$0xf] =	wrdreg s18  }
0x15: {  	s20 =	sadd.s32 $0x4000, s5;
	[dreg:$0x10] =	wrdreg s19  }
0x16: {  	s21 =	sadd.s32 $0x4800, s5;
	[dreg:$0x11] =	wrdreg s20  }
0x17: {  	s22 =	sadd.s32 $0x5000, s5;
	[dreg:$0x12] =	wrdreg s21  }
0x18: {  	v0 =	vimm.s32 $0xFEDCBA98;
	s23 =	sadd.s32 $0x5800, s5;
	[dreg:$0x13] =	wrdreg s22  }
0x19: {  	s29 =	simm.s32 $0x10100;
	v1 =	vimm.s32 $0x76543210;
	v0 =	vunpack.c.l.s4.s8 v0;
	s24 =	sadd.s32 $0x6000, s5;
	[dreg:$0x14] =	wrdreg s23  }
0x1a: {  	s30 =	simm.s32 $0x3;
	v2 =	vmov s8;
	v3 =	vunpack.c.l.s4.s8 v1;
	s25 =	sadd.s32 $0x6800, s5;
	[dreg:$0x15] =	wrdreg s24  }
0x1b: {  	s31 =	simm.s32 $0x2;
	v1 =	vor.u32 $0x1000, v2;
	v2 =	vunpack.c.0.s8.s32 v0;
	s26 =	sadd.s32 $0x7000, s5;
	[dreg:$0x16] =	wrdreg s25  }
0x1c: {  	vm0 =	vmmov $0xffff;
	vm1 =	vmmov $0xff;
	s8 =	simm.s32 $0x1;
	v3 =	vunpack.c.0.s8.s32 v3;
	s28 =	sadd.s32 $0x7800, s5;
	[dreg:$0x17] =	wrdreg s26  }
0x1d: {  	vm2 =	vcmask $0x3F20;
	v0 =	vbroadcast v1, $0x0;
	v4 =	vand.u32 $0xF, v2;
	s1 =	simm.s32 $0x0;
	[dreg:$0x18] =	wrdreg s28;
	s26 =	simm.s32 $0x5  }
.Ltmp0:
0x1e: {  	v1 =	vimm.f32 $0.0e+00;
	v2 =	vlaneseq.u32;
	v3 =	vcombine.low v4, v3;
	s12 =	simm.s32 $0x16100;
	s13 =	simm.s32 $0x16900;
	(pc) =	sbr.rel .LBB2_1-.Ltmp0, $4  }
0x1f: {  	v4 =	vor.u32 $0x10, v2;
	v5 =	vor.u32 $0x20, v2;
	v6 =	vor.u32 $0x30, v2;
	s14 =	simm.s32 $0x17100;
	s15 =	simm.s32 $0x17900;
	s16 =	simm.s32 $0x18100  }
0x20: {  	v7 =	vor.u32 $0x40, v2;
	v8 =	vor.u32 $0x50, v2;
	v9 =	vor.u32 $0x60, v2;
	s17 =	simm.s32 $0x18900;
	s18 =	simm.s32 $0x19100;
	s19 =	simm.s32 $0x19900  }
0x21: {  	v10 =	vor.u32 $0x70, v2;
	v11 =	vor.u32 $0x80, v2;
	v12 =	vor.u32 $0x90, v2;
	s20 =	simm.s32 $0x1A100;
	s21 =	simm.s32 $0x1A900;
	s22 =	simm.s32 $0x1B100  }
0x22: {  	v13 =	vor.u32 $0xA0, v2;
	v14 =	vor.u32 $0xB0, v2;
	v15 =	vadd.s32 $0xB8, v2;
	s23 =	simm.s32 $0x1B900;
	s24 =	simm.s32 $0x1C100;
	s25 =	simm.s32 $0x1C900  }
.LBB2_7:
0x23: {  	s1 =	simm.s32 $0x4  }
0x24: {  	_ =	swait.ge [sflag:s1], $0x800  }
0x25: {  	[sflag:s1] =	ssyncset.done $0x0  }
0x26: {  	[sflag:s1] =	ssyncadd.s32 $0xFFFFF800  }
0x27: {  	_ =	swait.ge [sflag:s1], $0x800  }
0x28: {  	[sflag:s1] =	ssyncset.done $0x0  }
0x29: {  	[sflag:s1] =	ssyncadd.s32 $0xFFFFF800  }
0x2a: {  	_ =	swait.ge [sflag:s1], $0x800  }
0x2b: {  	[sflag:s1] =	ssyncset.done $0x0  }
0x2c: {  	[sflag:s1] =	ssyncadd.s32 $0xFFFFF800  }
0x2d: {  	_ =	swait.ge [sflag:s1], $0x800  }
0x2e: {  	[sflag:s1] =	ssyncset.done $0x0  }
0x2f: {  	[sflag:s1] =	ssyncadd.s32 $0xFFFFF800  }
0x30: {  	_ =	swait.ge [sflag:s1], $0x800  }
0x31: {  	[sflag:s1] =	ssyncset.done $0x0  }
0x32: {  	[sflag:s1] =	ssyncadd.s32 $0xFFFFF800  }
0x33: {  	_ =	swait.ge [sflag:s1], $0x800  }
0x34: {  	[sflag:s1] =	ssyncset.done $0x0  }
0x35: {  	[sflag:s1] =	ssyncadd.s32 $0xFFFFF800  }
0x36: {  	_ =	swait.ge [sflag:s1], $0x800  }
0x37: {  	[sflag:s1] =	ssyncset.done $0x0  }
0x38: {  	[sflag:s1] =	ssyncadd.s32 $0xFFFFF800  }
0x39: {  	_ =	swait.ge [sflag:s1], $0x800  }
0x3a: {  	[sflag:s1] =	ssyncset.done $0x0  }
0x3b: {  	[sflag:s1] =	ssyncadd.s32 $0xFFFFF800  }
0x3c: {  	_ =	swait.ge [sflag:s1], $0x800  }
0x3d: {  	[sflag:s1] =	ssyncset.done $0x0  }
0x3e: {  	[sflag:s1] =	ssyncadd.s32 $0xFFFFF800  }
0x3f: {  	_ =	swait.ge [sflag:s1], $0x800  }
0x40: {  	[sflag:s1] =	ssyncset.done $0x0  }
0x41: {  	[sflag:s1] =	ssyncadd.s32 $0xFFFFF800  }
0x42: {  	_ =	swait.ge [sflag:s1], $0x800  }
0x43: {  	[sflag:s1] =	ssyncset.done $0x0  }
0x44: {  	[sflag:s1] =	ssyncadd.s32 $0xFFFFF800  }
0x45: {  	_ =	swait.ge [sflag:s1], $0x800  }
0x46: {  	[sflag:s1] =	ssyncset.done $0x0  }
0x47: {  	s0 =	stileid.u32;
	[sflag:s1] =	ssyncadd.s32 $0xFFFFF800  }
0x48: {  	s0 =	sshll.u32 s0, $0x6;
	_ =	swait.ge [sflag:s1], $0x800  }
0x49: {  	s0 =	sor.u32 $0x1C05, s0;
	[sflag:s1] =	ssyncset.done $0x0;
	s5 =	rddreg [dreg:$0x7]  }
0x4a: {  	s6 =	rddreg [dreg:$0x8];
	[sflag:s1] =	ssyncadd.s32 $0xFFFFF800;
	s10 =	sshrl.u32 s5, $0x3  }
0x4b: {  	[hbm:s6], [sflag:s0] =	dma.local [spmem:s10], $0x1000  }
0x4c: {  	_ =	swait.ge [sflag:s26], $0x1000  }
0x4d: {  	s11 =	rddreg [dreg:$0x19]  }
0x4e: {  	s28 =	rddreg [dreg:$0x9];
	s1 =	sadd.s32 $0x1, s11  }
0x4f: {  	p0 =	sne.s32 s1, s28  }
.Ltmp1:
0x50: {  	_ = 	snop;
	(pc) =	sbr.rel @!p0 .LBB2_8-.Ltmp1, $3  }
0x51: {  	_ =	sdelay $0x1  }
0x52: {  	[sflag:s26] =	ssyncset.done $0x0  }
0x53: {  	[sflag:s26] =	ssyncadd.s32 $0xFFFFF000  }
.LBB2_1:
0x54: {  	[dreg:$0x19] =	wrdreg s1  }
0x55: {  	s0 =	rddreg [dreg:$0x5]  }
0x56: {  	[tilespmem:s3], [sflag:$0x5] =	stream.linear.gather [hbm4b:s0+s3], $0x8000, $0x38;
	[tilespmem:$0x1D100] =	vst v63  }
0x57: {  	_ =	swait.ge [sflag:s26], $0x8000  }
0x58: {  	[sflag:s26] =	ssyncset.done $0x0  }
0x59: {  	s28 =	simm.s32 $0x8000;
	s11 =	rddreg [dreg:$0x6];
	[sflag:s26] =	ssyncadd.s32 $0xFFFF8000  }
0x5a: {  	[tilespmem:s28], [sflag:$0x5] =	stream.linear.gather [hbm4b:s11+s3], $0x80, $0x38;
	[tilespmem:$0x1D100] =	vst v63  }
0x5b: {  	_ =	swait.ge [sflag:s26], $0x80  }
0x5c: {  	[sflag:s26] =	ssyncset.done $0x0  }
0x5d: {  	s1 =	simm.s32 $0x200;
	s0 =	simm.s32 $0x0;
	[sflag:s26] =	ssyncadd.s32 $0xFFFFFF80  }
.LBB2_2:
0x5e: {  	p0 =	sne.s32 s1, $0x1E00;
	[tilespmem:s0+$0x10170] =	vst v1  }
0x5f: {  	[tilespmem:s0+$0x10100] =	vst v1  }
0x60: {  	[tilespmem:s0+$0x10110] =	vst v1  }
.Ltmp2:
0x61: {  	[tilespmem:s0+$0x10120] =	vst v1;
	(pc) =	sbr.rel @p0 .LBB2_2-.Ltmp2, $4  }
0x62: {  	[tilespmem:s0+$0x10130] =	vst v1  }
0x63: {  	[tilespmem:s0+$0x10140] =	vst v1  }
0x64: {  	[tilespmem:s0+$0x10150] =	vst v1  }
0x65: {  	[tilespmem:s0+$0x10160] =	vst v1;
	s0 =	sshra.s32 s1, $0x2;
	s1 =	sadd.s32 $0x200, s1  }
0x66: {  	[tilespmem:s0+$0x10170] =	vst v1  }
0x67: {  	[tilespmem:s0+$0x10100] =	vst v1  }
0x68: {  	[tilespmem:s0+$0x10110] =	vst v1  }
0x69: {  	[tilespmem:s0+$0x10120] =	vst v1  }
0x6a: {  	[tilespmem:s0+$0x10130] =	vst v1  }
0x6b: {  	[tilespmem:s0+$0x10140] =	vst v1  }
0x6c: {  	[tilespmem:s0+$0x10150] =	vst v1  }
0x6d: {  	[tilespmem:s0+$0x10160] =	vst v1  }
0x6e: {  	[spmem:s5] =	stream.linear.scatter [tilespmem:s29], [sflag:$0x5], $0x800, $0x38;
	[tilespmem:$0x1D100] =	vst v63  }
0x6f: {  	_ =	swait.ge [sflag:s26], $0x800  }
0x70: {  	[sflag:s26] =	ssyncset.done $0x0  }
0x71: {  	s6 =	rddreg [dreg:$0xa];
	[sflag:s26] =	ssyncadd.s32 $0xFFFFF800  }
0x72: {  	[spmem:s6] =	stream.linear.scatter [tilespmem:s29], [sflag:$0x5], $0x800, $0x38;
	[tilespmem:$0x1D100] =	vst v63  }
0x73: {  	_ =	swait.ge [sflag:s26], $0x800  }
0x74: {  	[sflag:s26] =	ssyncset.done $0x0  }
0x75: {  	s7 =	rddreg [dreg:$0xb];
	[sflag:s26] =	ssyncadd.s32 $0xFFFFF800  }
0x76: {  	[spmem:s7] =	stream.linear.scatter [tilespmem:s29], [sflag:$0x5], $0x800, $0x38;
	[tilespmem:$0x1D100] =	vst v63  }
0x77: {  	_ =	swait.ge [sflag:s26], $0x800  }
0x78: {  	[sflag:s26] =	ssyncset.done $0x0  }
0x79: {  	s9 =	rddreg [dreg:$0xc];
	[sflag:s26] =	ssyncadd.s32 $0xFFFFF800  }
0x7a: {  	[spmem:s9] =	stream.linear.scatter [tilespmem:s29], [sflag:$0x5], $0x800, $0x38;
	[tilespmem:$0x1D100] =	vst v63  }
0x7b: {  	_ =	swait.ge [sflag:s26], $0x800  }
0x7c: {  	[sflag:s26] =	ssyncset.done $0x0  }
0x7d: {  	s10 =	rddreg [dreg:$0xd];
	[sflag:s26] =	ssyncadd.s32 $0xFFFFF800  }
0x7e: {  	[spmem:s10] =	stream.linear.scatter [tilespmem:s29], [sflag:$0x5], $0x800, $0x38;
	[tilespmem:$0x1D100] =	vst v63  }
0x7f: {  	_ =	swait.ge [sflag:s26], $0x800  }
0x80: {  	[sflag:s26] =	ssyncset.done $0x0  }
0x81: {  	s11 =	rddreg [dreg:$0xe];
	[sflag:s26] =	ssyncadd.s32 $0xFFFFF800  }
0x82: {  	[spmem:s11] =	stream.linear.scatter [tilespmem:s29], [sflag:$0x5], $0x800, $0x38;
	[tilespmem:$0x1D100] =	vst v63  }
0x83: {  	_ =	swait.ge [sflag:s26], $0x800  }
0x84: {  	[sflag:s26] =	ssyncset.done $0x0  }
0x85: {  	s1 =	rddreg [dreg:$0xf];
	[sflag:s26] =	ssyncadd.s32 $0xFFFFF800  }
0x86: {  	[spmem:s1] =	stream.linear.scatter [tilespmem:s29], [sflag:$0x5], $0x800, $0x38;
	[tilespmem:$0x1D100] =	vst v63  }
0x87: {  	_ =	swait.ge [sflag:s26], $0x800  }
0x88: {  	[sflag:s26] =	ssyncset.done $0x0  }
0x89: {  	s5 =	rddreg [dreg:$0x10];
	[sflag:s26] =	ssyncadd.s32 $0xFFFFF800  }
0x8a: {  	[spmem:s5] =	stream.linear.scatter [tilespmem:s29], [sflag:$0x5], $0x800, $0x38;
	[tilespmem:$0x1D100] =	vst v63  }
0x8b: {  	_ =	swait.ge [sflag:s26], $0x800  }
0x8c: {  	[sflag:s26] =	ssyncset.done $0x0  }
0x8d: {  	s6 =	rddreg [dreg:$0x11];
	[sflag:s26] =	ssyncadd.s32 $0xFFFFF800  }
0x8e: {  	[spmem:s6] =	stream.linear.scatter [tilespmem:s29], [sflag:$0x5], $0x800, $0x38;
	[tilespmem:$0x1D100] =	vst v63  }
0x8f: {  	_ =	swait.ge [sflag:s26], $0x800  }
0x90: {  	[sflag:s26] =	ssyncset.done $0x0  }
0x91: {  	s7 =	rddreg [dreg:$0x12];
	[sflag:s26] =	ssyncadd.s32 $0xFFFFF800  }
0x92: {  	[spmem:s7] =	stream.linear.scatter [tilespmem:s29], [sflag:$0x5], $0x800, $0x38;
	[tilespmem:$0x1D100] =	vst v63  }
0x93: {  	_ =	swait.ge [sflag:s26], $0x800  }
0x94: {  	[sflag:s26] =	ssyncset.done $0x0  }
0x95: {  	s9 =	rddreg [dreg:$0x13];
	[sflag:s26] =	ssyncadd.s32 $0xFFFFF800  }
0x96: {  	[spmem:s9] =	stream.linear.scatter [tilespmem:s29], [sflag:$0x5], $0x800, $0x38;
	[tilespmem:$0x1D100] =	vst v63  }
0x97: {  	_ =	swait.ge [sflag:s26], $0x800  }
0x98: {  	[sflag:s26] =	ssyncset.done $0x0  }
0x99: {  	s10 =	rddreg [dreg:$0x14];
	[sflag:s26] =	ssyncadd.s32 $0xFFFFF800  }
0x9a: {  	[spmem:s10] =	stream.linear.scatter [tilespmem:s29], [sflag:$0x5], $0x800, $0x38;
	[tilespmem:$0x1D100] =	vst v63  }
0x9b: {  	_ =	swait.ge [sflag:s26], $0x800  }
0x9c: {  	[sflag:s26] =	ssyncset.done $0x0  }
0x9d: {  	s11 =	rddreg [dreg:$0x15];
	[sflag:s26] =	ssyncadd.s32 $0xFFFFF800  }
0x9e: {  	[spmem:s11] =	stream.linear.scatter [tilespmem:s29], [sflag:$0x5], $0x800, $0x38;
	[tilespmem:$0x1D100] =	vst v63  }
0x9f: {  	_ =	swait.ge [sflag:s26], $0x800  }
0xa0: {  	[sflag:s26] =	ssyncset.done $0x0  }
0xa1: {  	s1 =	rddreg [dreg:$0x16];
	[sflag:s26] =	ssyncadd.s32 $0xFFFFF800  }
0xa2: {  	[spmem:s1] =	stream.linear.scatter [tilespmem:s29], [sflag:$0x5], $0x800, $0x38;
	[tilespmem:$0x1D100] =	vst v63  }
0xa3: {  	_ =	swait.ge [sflag:s26], $0x800  }
0xa4: {  	[sflag:s26] =	ssyncset.done $0x0  }
0xa5: {  	s5 =	rddreg [dreg:$0x17];
	[sflag:s26] =	ssyncadd.s32 $0xFFFFF800  }
0xa6: {  	[spmem:s5] =	stream.linear.scatter [tilespmem:s29], [sflag:$0x5], $0x800, $0x38;
	[tilespmem:$0x1D100] =	vst v63  }
0xa7: {  	_ =	swait.ge [sflag:s26], $0x800  }
0xa8: {  	[sflag:s26] =	ssyncset.done $0x0  }
0xa9: {  	s6 =	rddreg [dreg:$0x18];
	[sflag:s26] =	ssyncadd.s32 $0xFFFFF800  }
0xaa: {  	[spmem:s6] =	stream.linear.scatter [tilespmem:s29], [sflag:$0x5], $0x800, $0x38;
	[tilespmem:$0x1D100] =	vst v63  }
0xab: {  	_ =	swait.ge [sflag:s26], $0x800  }
0xac: {  	[sflag:s26] =	ssyncset.done $0x0  }
0xad: {  	[sflag:s26] =	ssyncadd.s32 $0xFFFFF800  }
0xae: {  	v16 =	vld [tilespmem:$0x0];
	_ =	sdelay $0x4  }
0xaf: {  	v16 =	vand.u32 $0x7FFFF, v16;
	_ =	sdelay $0x3  }
0xb0: {  	s0 =	simm.s32 $0x0  }
0xb1: {  	[tilespmem:s29], [sflag:$0x1] =	stream.indirect_vreg.gather [hbm4b:s4+s0], $0x80, v16, vm0, $0xb8;
	[tilespmem:$0x1D100] =	vst v63  }
0xb2: {  	v16 =	vld [tilespmem:$0x10];
	_ =	sdelay $0x4  }
0xb3: {  	v16 =	vand.u32 $0x7FFFF, v16;
	_ =	sdelay $0x3  }
0xb4: {  	s1 =	simm.s32 $0x10900  }
0xb5: {  	[tilespmem:s1], [sflag:$0x1] =	stream.indirect_vreg.gather [hbm4b:s4+s0], $0x80, v16, vm0, $0xb8;
	[tilespmem:$0x1D100] =	vst v63  }
0xb6: {  	v16 =	vld [tilespmem:$0x20];
	_ =	sdelay $0x4  }
0xb7: {  	v16 =	vand.u32 $0x7FFFF, v16;
	_ =	sdelay $0x3  }
0xb8: {  	s7 =	simm.s32 $0x11100  }
0xb9: {  	[tilespmem:s7], [sflag:$0x1] =	stream.indirect_vreg.gather [hbm4b:s4+s0], $0x80, v16, vm0, $0xb8;
	[tilespmem:$0x1D100] =	vst v63  }
0xba: {  	v16 =	vld [tilespmem:$0x30];
	_ =	sdelay $0x4  }
0xbb: {  	v16 =	vand.u32 $0x7FFFF, v16;
	_ =	sdelay $0x3  }
0xbc: {  	s9 =	simm.s32 $0x11900  }
0xbd: {  	[tilespmem:s9], [sflag:$0x1] =	stream.indirect_vreg.gather [hbm4b:s4+s0], $0x80, v16, vm0, $0xb8;
	[tilespmem:$0x1D100] =	vst v63  }
0xbe: {  	v16 =	vld [tilespmem:$0x40];
	_ =	sdelay $0x4  }
0xbf: {  	v16 =	vand.u32 $0x7FFFF, v16;
	_ =	sdelay $0x3  }
0xc0: {  	s10 =	simm.s32 $0x12100  }
0xc1: {  	[tilespmem:s10], [sflag:$0x1] =	stream.indirect_vreg.gather [hbm4b:s4+s0], $0x80, v16, vm0, $0xb8;
	[tilespmem:$0x1D100] =	vst v63  }
0xc2: {  	v16 =	vld [tilespmem:$0x50];
	_ =	sdelay $0x4  }
0xc3: {  	v16 =	vand.u32 $0x7FFFF, v16;
	_ =	sdelay $0x3  }
0xc4: {  	s11 =	simm.s32 $0x12900  }
0xc5: {  	[tilespmem:s11], [sflag:$0x1] =	stream.indirect_vreg.gather [hbm4b:s4+s0], $0x80, v16, vm0, $0xb8;
	[tilespmem:$0x1D100] =	vst v63  }
0xc6: {  	v16 =	vld [tilespmem:$0x60];
	_ =	sdelay $0x4  }
0xc7: {  	v16 =	vand.u32 $0x7FFFF, v16;
	_ =	sdelay $0x3  }
0xc8: {  	s5 =	simm.s32 $0x13100  }
0xc9: {  	[tilespmem:s5], [sflag:$0x1] =	stream.indirect_vreg.gather [hbm4b:s4+s0], $0x80, v16, vm0, $0xb8;
	[tilespmem:$0x1D100] =	vst v63  }
0xca: {  	v16 =	vld [tilespmem:$0x70];
	_ =	sdelay $0x4  }
0xcb: {  	v16 =	vand.u32 $0x7FFFF, v16;
	_ =	sdelay $0x3  }
0xcc: {  	s6 =	simm.s32 $0x13900  }
0xcd: {  	[tilespmem:s6], [sflag:$0x1] =	stream.indirect_vreg.gather [hbm4b:s4+s0], $0x80, v16, vm0, $0xb8;
	[tilespmem:$0x1D100] =	vst v63  }
0xce: {  	v16 =	vld [tilespmem:$0x400];
	_ =	sdelay $0x4  }
0xcf: {  	v16 =	vand.u32 $0x7FFFF, v16;
	_ =	sdelay $0x3  }
0xd0: {  	s7 =	simm.s32 $0x14100  }
0xd1: {  	[tilespmem:s7], [sflag:$0x1] =	stream.indirect_vreg.gather [hbm4b:s4+s0], $0x80, v16, vm0, $0xb8;
	[tilespmem:$0x1D100] =	vst v63  }
0xd2: {  	v16 =	vld [tilespmem:$0x410];
	_ =	sdelay $0x4  }
0xd3: {  	v16 =	vand.u32 $0x7FFFF, v16;
	_ =	sdelay $0x3  }
0xd4: {  	s9 =	simm.s32 $0x14900  }
0xd5: {  	[tilespmem:s9], [sflag:$0x1] =	stream.indirect_vreg.gather [hbm4b:s4+s0], $0x80, v16, vm0, $0xb8;
	[tilespmem:$0x1D100] =	vst v63  }
0xd6: {  	v16 =	vld [tilespmem:$0x420];
	_ =	sdelay $0x4  }
0xd7: {  	v16 =	vand.u32 $0x7FFFF, v16;
	_ =	sdelay $0x3  }
0xd8: {  	s10 =	simm.s32 $0x15100  }
0xd9: {  	[tilespmem:s10], [sflag:$0x1] =	stream.indirect_vreg.gather [hbm4b:s4+s0], $0x80, v16, vm0, $0xb8;
	[tilespmem:$0x1D100] =	vst v63  }
0xda: {  	v16 =	vld [tilespmem:$0x430];
	_ =	sdelay $0x4  }
0xdb: {  	v16 =	vand.u32 $0x7FFFF, v16;
	_ =	sdelay $0x3  }
0xdc: {  	s11 =	simm.s32 $0x15900  }
0xdd: {  	[tilespmem:s11], [sflag:$0x1] =	stream.indirect_vreg.gather [hbm4b:s4+s0], $0x80, v16, vm0, $0xb8;
	[tilespmem:$0x1D100] =	vst v63  }
0xde: {  	v16 =	vld [tilespmem:$0x430]  }
0xdf: {  	v17 =	vld.msk [tilespmem:$0x440], $0xff;
	_ =	sdelay $0x4  }
0xe0: {  	v16 =	vand.u32 $0x7FFFF, v16;
	v17 =	vand.u32 $0x7FFFF, v17  }
0xe1: {  	v16 =	vperm.xlane v16, v3;
	v17 =	vperm.xlane v17, v3;
	_ =	sdelay $0x1  }
0xe2: {  	v16 =	vsel vm1, v16, v17  }
.Ltmp3:
0xe3: {  	_ = 	snop;
	(pc) =	sbr.rel .LBB2_4-.Ltmp3, $3  }
0xe4: {  	_ =	sdelay $0x1  }
0xe5: {  	s28 =	simm.s32 $0x0;
	s1 =	rddreg [dreg:$0x4];
	s6 =	simm.s32 $0x0  }
0xe6: {  	[tilespmem:s12], [sflag:$0x1] =	stream.indirect_vreg.gather [hbm4b:s4+s0], $0x80, v16, vm0, $0xb8;
	[tilespmem:$0x1D100] =	vst v63  }
.LBB2_6:
0xe7: {  	_ =	swait.ge [sflag:s31], $0x800  }
0xe8: {  	[sflag:s31] =	ssyncset.done $0x0  }
0xe9: {  	[sflag:s31] =	ssyncadd.s32 $0xFFFFF800  }
0xea: {  	_ =	swait.ge [sflag:s31], $0x800  }
0xeb: {  	[sflag:s31] =	ssyncset.done $0x0  }
0xec: {  	[sflag:s31] =	ssyncadd.s32 $0xFFFFF800  }
0xed: {  	_ =	swait.ge [sflag:s31], $0x800  }
0xee: {  	[sflag:s31] =	ssyncset.done $0x0  }
0xef: {  	[sflag:s31] =	ssyncadd.s32 $0xFFFFF800  }
0xf0: {  	_ =	swait.ge [sflag:s31], $0x800  }
0xf1: {  	[sflag:s31] =	ssyncset.done $0x0  }
0xf2: {  	[sflag:s31] =	ssyncadd.s32 $0xFFFFF800  }
0xf3: {  	_ =	swait.ge [sflag:s31], $0x800  }
0xf4: {  	[sflag:s31] =	ssyncset.done $0x0  }
0xf5: {  	[sflag:s31] =	ssyncadd.s32 $0xFFFFF800  }
0xf6: {  	_ =	swait.ge [sflag:s31], $0x800  }
0xf7: {  	[sflag:s31] =	ssyncset.done $0x0  }
0xf8: {  	[sflag:s31] =	ssyncadd.s32 $0xFFFFF800  }
0xf9: {  	_ =	swait.ge [sflag:s31], $0x800  }
0xfa: {  	[sflag:s31] =	ssyncset.done $0x0  }
0xfb: {  	[sflag:s31] =	ssyncadd.s32 $0xFFFFF800  }
0xfc: {  	_ =	swait.ge [sflag:s31], $0x800  }
0xfd: {  	[sflag:s31] =	ssyncset.done $0x0  }
0xfe: {  	[sflag:s31] =	ssyncadd.s32 $0xFFFFF800  }
0xff: {  	_ =	swait.ge [sflag:s31], $0x800  }
0x100: {  	[sflag:s31] =	ssyncset.done $0x0  }
0x101: {  	[sflag:s31] =	ssyncadd.s32 $0xFFFFF800  }
0x102: {  	_ =	swait.ge [sflag:s31], $0x800  }
0x103: {  	[sflag:s31] =	ssyncset.done $0x0  }
0x104: {  	[sflag:s31] =	ssyncadd.s32 $0xFFFFF800  }
0x105: {  	_ =	swait.ge [sflag:s31], $0x800  }
0x106: {  	[sflag:s31] =	ssyncset.done $0x0  }
0x107: {  	[sflag:s31] =	ssyncadd.s32 $0xFFFFF800  }
0x108: {  	_ =	swait.ge [sflag:s31], $0x800  }
0x109: {  	[sflag:s31] =	ssyncset.done $0x0  }
0x10a: {  	[sflag:s31] =	ssyncadd.s32 $0xFFFFF800  }
0x10b: {  	_ =	swait.ge [sflag:s31], $0x800  }
0x10c: {  	[sflag:s31] =	ssyncset.done $0x0  }
0x10d: {  	[sflag:s31] =	ssyncadd.s32 $0xFFFFF800  }
0x10e: {  	v16 =	vld [tilespmem:s10+$0x8000]  }
0x10f: {  	v17 =	vld [tilespmem:s7+$0x0];
	_ =	sdelay $0x1  }
0x110: {  	s5 =	sadd.s32 $0x1, s0  }
0x111: {  	v18 =	vmov s5  }
0x112: {  	v16 =	vperm.xlane v16, v18  }
0x113: {  	s11 =	sadd.s32 $0x2, s1;
	v17 =	vshra.s32 v17, $0x13  }
0x114: {  	v17 =	vadd.s32 s11, v17;
	vm3 =	vgt.s32 v16, v2  }
0x115: {  	v17 =	vsel vm3, v17, v0;
	_ =	sdelay $0x4  }
0x116: {  	[spmem:s2] =	stream.indirect_vreg.scatter.add.f32 [tilespmem:s13], [sflag:$0x4], $0x80, v17, vm0, $0xb8;
	[tilespmem:$0x1D100] =	vst v63  }
0x117: {  	v17 =	vld [tilespmem:s7+$0x10];
	_ =	sdelay $0x4  }
0x118: {  	v17 =	vshra.s32 v17, $0x13  }
0x119: {  	vm3 =	vgt.s32 v16, v4;
	v17 =	vadd.s32 s11, v17  }
0x11a: {  	v17 =	vsel vm3, v17, v0;
	_ =	sdelay $0x4  }
0x11b: {  	[spmem:s2] =	stream.indirect_vreg.scatter.add.f32 [tilespmem:s14], [sflag:$0x4], $0x80, v17, vm0, $0xb8;
	[tilespmem:$0x1D100] =	vst v63  }
0x11c: {  	v17 =	vld [tilespmem:s7+$0x20];
	_ =	sdelay $0x4  }
0x11d: {  	v17 =	vshra.s32 v17, $0x13  }
0x11e: {  	vm3 =	vgt.s32 v16, v5;
	v17 =	vadd.s32 s11, v17  }
0x11f: {  	v17 =	vsel vm3, v17, v0;
	_ =	sdelay $0x4  }
0x120: {  	[spmem:s2] =	stream.indirect_vreg.scatter.add.f32 [tilespmem:s15], [sflag:$0x4], $0x80, v17, vm0, $0xb8;
	[tilespmem:$0x1D100] =	vst v63  }
0x121: {  	v17 =	vld [tilespmem:s7+$0x30];
	_ =	sdelay $0x4  }
0x122: {  	v17 =	vshra.s32 v17, $0x13  }
0x123: {  	vm3 =	vgt.s32 v16, v6;
	v17 =	vadd.s32 s11, v17  }
0x124: {  	v17 =	vsel vm3, v17, v0;
	_ =	sdelay $0x4  }
0x125: {  	[spmem:s2] =	stream.indirect_vreg.scatter.add.f32 [tilespmem:s16], [sflag:$0x4], $0x80, v17, vm0, $0xb8;
	[tilespmem:$0x1D100] =	vst v63  }
0x126: {  	v17 =	vld [tilespmem:s7+$0x40];
	_ =	sdelay $0x4  }
0x127: {  	v17 =	vshra.s32 v17, $0x13  }
0x128: {  	vm3 =	vgt.s32 v16, v7;
	v17 =	vadd.s32 s11, v17  }
0x129: {  	v17 =	vsel vm3, v17, v0;
	_ =	sdelay $0x4  }
0x12a: {  	[spmem:s2] =	stream.indirect_vreg.scatter.add.f32 [tilespmem:s17], [sflag:$0x4], $0x80, v17, vm0, $0xb8;
	[tilespmem:$0x1D100] =	vst v63  }
0x12b: {  	v17 =	vld [tilespmem:s7+$0x50];
	_ =	sdelay $0x4  }
0x12c: {  	v17 =	vshra.s32 v17, $0x13  }
0x12d: {  	vm3 =	vgt.s32 v16, v8;
	v17 =	vadd.s32 s11, v17  }
0x12e: {  	v17 =	vsel vm3, v17, v0;
	_ =	sdelay $0x4  }
0x12f: {  	[spmem:s2] =	stream.indirect_vreg.scatter.add.f32 [tilespmem:s18], [sflag:$0x4], $0x80, v17, vm0, $0xb8;
	[tilespmem:$0x1D100] =	vst v63  }
0x130: {  	v17 =	vld [tilespmem:s7+$0x60];
	_ =	sdelay $0x4  }
0x131: {  	v17 =	vshra.s32 v17, $0x13  }
0x132: {  	vm3 =	vgt.s32 v16, v9;
	v17 =	vadd.s32 s11, v17  }
0x133: {  	v17 =	vsel vm3, v17, v0;
	_ =	sdelay $0x4  }
0x134: {  	[spmem:s2] =	stream.indirect_vreg.scatter.add.f32 [tilespmem:s19], [sflag:$0x4], $0x80, v17, vm0, $0xb8;
	[tilespmem:$0x1D100] =	vst v63  }
0x135: {  	v17 =	vld [tilespmem:s7+$0x70];
	_ =	sdelay $0x4  }
0x136: {  	v17 =	vshra.s32 v17, $0x13  }
0x137: {  	vm3 =	vgt.s32 v16, v10;
	v17 =	vadd.s32 s11, v17  }
0x138: {  	v17 =	vsel vm3, v17, v0;
	_ =	sdelay $0x4  }
0x139: {  	[spmem:s2] =	stream.indirect_vreg.scatter.add.f32 [tilespmem:s20], [sflag:$0x4], $0x80, v17, vm0, $0xb8;
	[tilespmem:$0x1D100] =	vst v63  }
0x13a: {  	v17 =	vld [tilespmem:s7+$0x400];
	_ =	sdelay $0x4  }
0x13b: {  	v17 =	vshra.s32 v17, $0x13  }
0x13c: {  	vm3 =	vgt.s32 v16, v11;
	v17 =	vadd.s32 s11, v17  }
0x13d: {  	v17 =	vsel vm3, v17, v0;
	_ =	sdelay $0x4  }
0x13e: {  	[spmem:s2] =	stream.indirect_vreg.scatter.add.f32 [tilespmem:s21], [sflag:$0x4], $0x80, v17, vm0, $0xb8;
	[tilespmem:$0x1D100] =	vst v63  }
0x13f: {  	v17 =	vld [tilespmem:s7+$0x410];
	_ =	sdelay $0x4  }
0x140: {  	v17 =	vshra.s32 v17, $0x13  }
0x141: {  	vm3 =	vgt.s32 v16, v12;
	v17 =	vadd.s32 s11, v17  }
0x142: {  	v17 =	vsel vm3, v17, v0;
	_ =	sdelay $0x4  }
0x143: {  	[spmem:s2] =	stream.indirect_vreg.scatter.add.f32 [tilespmem:s22], [sflag:$0x4], $0x80, v17, vm0, $0xb8;
	[tilespmem:$0x1D100] =	vst v63  }
0x144: {  	v17 =	vld [tilespmem:s7+$0x420];
	_ =	sdelay $0x4  }
0x145: {  	v17 =	vshra.s32 v17, $0x13  }
0x146: {  	vm3 =	vgt.s32 v16, v13;
	v17 =	vadd.s32 s11, v17  }
0x147: {  	v17 =	vsel vm3, v17, v0;
	_ =	sdelay $0x4  }
0x148: {  	[spmem:s2] =	stream.indirect_vreg.scatter.add.f32 [tilespmem:s23], [sflag:$0x4], $0x80, v17, vm0, $0xb8;
	[tilespmem:$0x1D100] =	vst v63  }
0x149: {  	v17 =	vld [tilespmem:s7+$0x430];
	_ =	sdelay $0x4  }
0x14a: {  	v17 =	vshra.s32 v17, $0x13  }
0x14b: {  	vm3 =	vgt.s32 v16, v14;
	v17 =	vadd.s32 s11, v17  }
0x14c: {  	v17 =	vsel vm3, v17, v0;
	_ =	sdelay $0x4  }
0x14d: {  	[spmem:s2] =	stream.indirect_vreg.scatter.add.f32 [tilespmem:s24], [sflag:$0x4], $0x80, v17, vm0, $0xb8;
	[tilespmem:$0x1D100] =	vst v63  }
0x14e: {  	v17 =	vld [tilespmem:s7+$0x430]  }
0x14f: {  	v63 =	vld.msk [tilespmem:s9+$0x0], $0xff;
	_ =	sdelay $0x4  }
0x150: {  	v17 =	vshra.s32 v17, $0x13;
	v18 =	vshra.s32 v63, $0x13  }
0x151: {  	v17 =	vadd.s32 s11, v17;
	v18 =	vadd.s32 s11, v18  }
0x152: {  	v17 =	vperm.xlane v17, v3;
	v18 =	vperm.xlane v18, v3  }
0x153: {  	vm3 =	vgt.s32 v16, v15  }
0x154: {  	s6 =	sadd.s32 $0x100, s6;
	vm3 =	vmand vm3, vm2;
	v16 =	vsel vm1, v17, v18  }
0x155: {  	p0 =	sne.s32 s6, $0x4000;
	v16 =	vsel vm3, v16, v0  }
.Ltmp4:
0x156: {  	_ = 	snop;
	(pc) =	sbr.rel @!p0 .LBB2_7-.Ltmp4, $3  }
0x157: {  	_ =	sdelay $0x1  }
0x158: {  	s1 =	sadd.s32 $0x4, s1;
	s28 =	sadd.s32 $0x200, s28;
	s0 =	sadd.s32 $0x2, s0  }
0x159: {  	[spmem:s2] =	stream.indirect_vreg.scatter.add.f32 [tilespmem:s25], [sflag:$0x4], $0x80, v16, vm0, $0xb8;
	[tilespmem:$0x1D100] =	vst v63  }
.LBB2_4:
0x15a: {  	p0 =	seq.s32 s6, $0x0  }
0x15b: {  	s7 =	simm.s32 @!p0 $0x4  }
0x15c: {  	_ =	swait.ge @!p0 [sflag:s7], $0x800  }
0x15d: {  	[sflag:s7] =	ssyncset.done @!p0 $0x0  }
0x15e: {  	[sflag:s7] =	ssyncadd.s32 @!p0 $0xFFFFF800  }
0x15f: {  	_ =	swait.ge @!p0 [sflag:s7], $0x800  }
0x160: {  	[sflag:s7] =	ssyncset.done @!p0 $0x0  }
0x161: {  	[sflag:s7] =	ssyncadd.s32 @!p0 $0xFFFFF800  }
0x162: {  	_ =	swait.ge @!p0 [sflag:s7], $0x800  }
0x163: {  	[sflag:s7] =	ssyncset.done @!p0 $0x0  }
0x164: {  	[sflag:s7] =	ssyncadd.s32 @!p0 $0xFFFFF800  }
0x165: {  	_ =	swait.ge @!p0 [sflag:s7], $0x800  }
0x166: {  	[sflag:s7] =	ssyncset.done @!p0 $0x0  }
0x167: {  	[sflag:s7] =	ssyncadd.s32 @!p0 $0xFFFFF800  }
0x168: {  	_ =	swait.ge @!p0 [sflag:s7], $0x800  }
0x169: {  	[sflag:s7] =	ssyncset.done @!p0 $0x0  }
0x16a: {  	[sflag:s7] =	ssyncadd.s32 @!p0 $0xFFFFF800  }
0x16b: {  	_ =	swait.ge @!p0 [sflag:s7], $0x800  }
0x16c: {  	[sflag:s7] =	ssyncset.done @!p0 $0x0  }
0x16d: {  	[sflag:s7] =	ssyncadd.s32 @!p0 $0xFFFFF800  }
0x16e: {  	_ =	swait.ge @!p0 [sflag:s7], $0x800  }
0x16f: {  	[sflag:s7] =	ssyncset.done @!p0 $0x0  }
0x170: {  	[sflag:s7] =	ssyncadd.s32 @!p0 $0xFFFFF800  }
0x171: {  	_ =	swait.ge @!p0 [sflag:s7], $0x800  }
0x172: {  	[sflag:s7] =	ssyncset.done @!p0 $0x0  }
0x173: {  	[sflag:s7] =	ssyncadd.s32 @!p0 $0xFFFFF800  }
0x174: {  	_ =	swait.ge @!p0 [sflag:s7], $0x800  }
0x175: {  	[sflag:s7] =	ssyncset.done @!p0 $0x0  }
0x176: {  	[sflag:s7] =	ssyncadd.s32 @!p0 $0xFFFFF800  }
0x177: {  	_ =	swait.ge @!p0 [sflag:s7], $0x800  }
0x178: {  	[sflag:s7] =	ssyncset.done @!p0 $0x0  }
0x179: {  	[sflag:s7] =	ssyncadd.s32 @!p0 $0xFFFFF800  }
0x17a: {  	_ =	swait.ge @!p0 [sflag:s7], $0x800  }
0x17b: {  	[sflag:s7] =	ssyncset.done @!p0 $0x0  }
0x17c: {  	[sflag:s7] =	ssyncadd.s32 @!p0 $0xFFFFF800  }
0x17d: {  	_ =	swait.ge @!p0 [sflag:s7], $0x800  }
0x17e: {  	[sflag:s7] =	ssyncset.done @!p0 $0x0  }
0x17f: {  	[sflag:s7] =	ssyncadd.s32 @!p0 $0xFFFFF800  }
0x180: {  	s9 =	sadd.s32 $0x80, s6;
	_ =	swait.ge @!p0 [sflag:s7], $0x800  }
0x181: {  	s5 =	sand.u32 $0x7800, s28;
	s9 =	sand.u32 $0x380, s9;
	[sflag:s7] =	ssyncset.done @!p0 $0x0  }
0x182: {  	[sflag:s7] =	ssyncadd.s32 @!p0 $0xFFFFF800;
	s7 =	sor.u32 s9, s5  }
0x183: {  	v16 =	vld [tilespmem:s7+$0x0];
	_ =	sdelay $0x4  }
0x184: {  	v16 =	vand.u32 $0x7FFFF, v16;
	_ =	sdelay $0x4  }
0x185: {  	[tilespmem:s13], [sflag:$0x2] =	stream.indirect_vreg.gather [hbm4b:s4+s3], $0x80, v16, vm0, $0xb8;
	[tilespmem:$0x1D100] =	vst v63  }
0x186: {  	v16 =	vld [tilespmem:s7+$0x10];
	_ =	sdelay $0x4  }
0x187: {  	v16 =	vand.u32 $0x7FFFF, v16;
	_ =	sdelay $0x4  }
0x188: {  	[tilespmem:s14], [sflag:$0x2] =	stream.indirect_vreg.gather [hbm4b:s4+s3], $0x80, v16, vm0, $0xb8;
	[tilespmem:$0x1D100] =	vst v63  }
0x189: {  	v16 =	vld [tilespmem:s7+$0x20];
	_ =	sdelay $0x4  }
0x18a: {  	v16 =	vand.u32 $0x7FFFF, v16;
	_ =	sdelay $0x4  }
0x18b: {  	[tilespmem:s15], [sflag:$0x2] =	stream.indirect_vreg.gather [hbm4b:s4+s3], $0x80, v16, vm0, $0xb8;
	[tilespmem:$0x1D100] =	vst v63  }
0x18c: {  	v16 =	vld [tilespmem:s7+$0x30];
	_ =	sdelay $0x4  }
0x18d: {  	v16 =	vand.u32 $0x7FFFF, v16;
	_ =	sdelay $0x4  }
0x18e: {  	[tilespmem:s16], [sflag:$0x2] =	stream.indirect_vreg.gather [hbm4b:s4+s3], $0x80, v16, vm0, $0xb8;
	[tilespmem:$0x1D100] =	vst v63  }
0x18f: {  	v16 =	vld [tilespmem:s7+$0x40];
	_ =	sdelay $0x4  }
0x190: {  	v16 =	vand.u32 $0x7FFFF, v16;
	_ =	sdelay $0x4  }
0x191: {  	[tilespmem:s17], [sflag:$0x2] =	stream.indirect_vreg.gather [hbm4b:s4+s3], $0x80, v16, vm0, $0xb8;
	[tilespmem:$0x1D100] =	vst v63  }
0x192: {  	v16 =	vld [tilespmem:s7+$0x50];
	_ =	sdelay $0x4  }
0x193: {  	v16 =	vand.u32 $0x7FFFF, v16;
	_ =	sdelay $0x4  }
0x194: {  	[tilespmem:s18], [sflag:$0x2] =	stream.indirect_vreg.gather [hbm4b:s4+s3], $0x80, v16, vm0, $0xb8;
	[tilespmem:$0x1D100] =	vst v63  }
0x195: {  	v16 =	vld [tilespmem:s7+$0x60];
	_ =	sdelay $0x4  }
0x196: {  	v16 =	vand.u32 $0x7FFFF, v16;
	_ =	sdelay $0x4  }
0x197: {  	[tilespmem:s19], [sflag:$0x2] =	stream.indirect_vreg.gather [hbm4b:s4+s3], $0x80, v16, vm0, $0xb8;
	[tilespmem:$0x1D100] =	vst v63  }
0x198: {  	v16 =	vld [tilespmem:s7+$0x70];
	_ =	sdelay $0x4  }
0x199: {  	v16 =	vand.u32 $0x7FFFF, v16;
	_ =	sdelay $0x4  }
0x19a: {  	[tilespmem:s20], [sflag:$0x2] =	stream.indirect_vreg.gather [hbm4b:s4+s3], $0x80, v16, vm0, $0xb8;
	[tilespmem:$0x1D100] =	vst v63  }
0x19b: {  	v16 =	vld [tilespmem:s7+$0x400];
	_ =	sdelay $0x4  }
0x19c: {  	v16 =	vand.u32 $0x7FFFF, v16;
	_ =	sdelay $0x4  }
0x19d: {  	[tilespmem:s21], [sflag:$0x2] =	stream.indirect_vreg.gather [hbm4b:s4+s3], $0x80, v16, vm0, $0xb8;
	[tilespmem:$0x1D100] =	vst v63  }
0x19e: {  	v16 =	vld [tilespmem:s7+$0x410];
	_ =	sdelay $0x4  }
0x19f: {  	v16 =	vand.u32 $0x7FFFF, v16;
	_ =	sdelay $0x4  }
0x1a0: {  	[tilespmem:s22], [sflag:$0x2] =	stream.indirect_vreg.gather [hbm4b:s4+s3], $0x80, v16, vm0, $0xb8;
	[tilespmem:$0x1D100] =	vst v63  }
0x1a1: {  	v16 =	vld [tilespmem:s7+$0x420];
	_ =	sdelay $0x4  }
0x1a2: {  	v16 =	vand.u32 $0x7FFFF, v16;
	_ =	sdelay $0x4  }
0x1a3: {  	[tilespmem:s23], [sflag:$0x2] =	stream.indirect_vreg.gather [hbm4b:s4+s3], $0x80, v16, vm0, $0xb8;
	[tilespmem:$0x1D100] =	vst v63  }
0x1a4: {  	v16 =	vld [tilespmem:s7+$0x430];
	_ =	sdelay $0x4  }
0x1a5: {  	v16 =	vand.u32 $0x7FFFF, v16;
	_ =	sdelay $0x4  }
0x1a6: {  	[tilespmem:s24], [sflag:$0x2] =	stream.indirect_vreg.gather [hbm4b:s4+s3], $0x80, v16, vm0, $0xb8;
	[tilespmem:$0x1D100] =	vst v63  }
0x1a7: {  	s9 =	sor.u32 $0x440, s7;
	v16 =	vld [tilespmem:s7+$0x430]  }
0x1a8: {  	v17 =	vld.msk [tilespmem:s9+$0x0], $0xff;
	_ =	sdelay $0x4  }
0x1a9: {  	v16 =	vand.u32 $0x7FFFF, v16;
	v17 =	vand.u32 $0x7FFFF, v17  }
0x1aa: {  	v16 =	vperm.xlane v16, v3;
	v17 =	vperm.xlane v17, v3;
	_ =	sdelay $0x1  }
0x1ab: {  	v16 =	vsel vm1, v16, v17;
	_ =	sdelay $0x4  }
0x1ac: {  	[tilespmem:s25], [sflag:$0x2] =	stream.indirect_vreg.gather [hbm4b:s4+s3], $0x80, v16, vm0, $0xb8;
	[tilespmem:$0x1D100] =	vst v63  }
0x1ad: {  	_ =	swait.ge [sflag:s8], $0x800  }
0x1ae: {  	[sflag:s8] =	ssyncset.done $0x0  }
0x1af: {  	[sflag:s8] =	ssyncadd.s32 $0xFFFFF800  }
0x1b0: {  	_ =	swait.ge [sflag:s8], $0x800  }
0x1b1: {  	[sflag:s8] =	ssyncset.done $0x0  }
0x1b2: {  	[sflag:s8] =	ssyncadd.s32 $0xFFFFF800  }
0x1b3: {  	_ =	swait.ge [sflag:s8], $0x800  }
0x1b4: {  	[sflag:s8] =	ssyncset.done $0x0  }
0x1b5: {  	[sflag:s8] =	ssyncadd.s32 $0xFFFFF800  }
0x1b6: {  	_ =	swait.ge [sflag:s8], $0x800  }
0x1b7: {  	[sflag:s8] =	ssyncset.done $0x0  }
0x1b8: {  	[sflag:s8] =	ssyncadd.s32 $0xFFFFF800  }
0x1b9: {  	_ =	swait.ge [sflag:s8], $0x800  }
0x1ba: {  	[sflag:s8] =	ssyncset.done $0x0  }
0x1bb: {  	[sflag:s8] =	ssyncadd.s32 $0xFFFFF800  }
0x1bc: {  	_ =	swait.ge [sflag:s8], $0x800  }
0x1bd: {  	[sflag:s8] =	ssyncset.done $0x0  }
0x1be: {  	[sflag:s8] =	ssyncadd.s32 $0xFFFFF800  }
0x1bf: {  	_ =	swait.ge [sflag:s8], $0x800  }
0x1c0: {  	[sflag:s8] =	ssyncset.done $0x0  }
0x1c1: {  	[sflag:s8] =	ssyncadd.s32 $0xFFFFF800  }
0x1c2: {  	_ =	swait.ge [sflag:s8], $0x800  }
0x1c3: {  	[sflag:s8] =	ssyncset.done $0x0  }
0x1c4: {  	[sflag:s8] =	ssyncadd.s32 $0xFFFFF800  }
0x1c5: {  	_ =	swait.ge [sflag:s8], $0x800  }
0x1c6: {  	[sflag:s8] =	ssyncset.done $0x0  }
0x1c7: {  	[sflag:s8] =	ssyncadd.s32 $0xFFFFF800  }
0x1c8: {  	_ =	swait.ge [sflag:s8], $0x800  }
0x1c9: {  	[sflag:s8] =	ssyncset.done $0x0  }
0x1ca: {  	[sflag:s8] =	ssyncadd.s32 $0xFFFFF800  }
0x1cb: {  	_ =	swait.ge [sflag:s8], $0x800  }
0x1cc: {  	[sflag:s8] =	ssyncset.done $0x0  }
0x1cd: {  	[sflag:s8] =	ssyncadd.s32 $0xFFFFF800  }
0x1ce: {  	_ =	swait.ge [sflag:s8], $0x800  }
0x1cf: {  	[sflag:s8] =	ssyncset.done $0x0  }
0x1d0: {  	[sflag:s8] =	ssyncadd.s32 $0xFFFFF800  }
0x1d1: {  	_ =	swait.ge [sflag:s8], $0x800  }
0x1d2: {  	[sflag:s8] =	ssyncset.done $0x0  }
0x1d3: {  	s10 =	sand.u32 $0x70, s0;
	s11 =	sand.u32 $0x300, s6;
	[sflag:s8] =	ssyncadd.s32 $0xFFFFF800  }
0x1d4: {  	s5 =	sor.u32 s11, s5;
	v16 =	vld [tilespmem:s10+$0x8000]  }
0x1d5: {  	v17 =	vld [tilespmem:s5+$0x0];
	_ =	sdelay $0x1  }
0x1d6: {  	s11 =	sand.u32 $0xE, s0  }
0x1d7: {  	v18 =	vmov s11  }
0x1d8: {  	v16 =	vperm.xlane v16, v18  }
0x1d9: {  	v17 =	vshra.s32 v17, $0x13  }
0x1da: {  	v17 =	vadd.s32 s1, v17;
	vm3 =	vgt.s32 v16, v2  }
0x1db: {  	v17 =	vsel vm3, v17, v0;
	_ =	sdelay $0x4  }
0x1dc: {  	[spmem:s2] =	stream.indirect_vreg.scatter.add.f32 [tilespmem:s29], [sflag:$0x3], $0x80, v17, vm0, $0xb8;
	[tilespmem:$0x1D100] =	vst v63  }
0x1dd: {  	v17 =	vld [tilespmem:s5+$0x10];
	_ =	sdelay $0x4  }
0x1de: {  	v17 =	vshra.s32 v17, $0x13  }
0x1df: {  	vm3 =	vgt.s32 v16, v4;
	v17 =	vadd.s32 s1, v17  }
0x1e0: {  	v17 =	vsel vm3, v17, v0;
	_ =	sdelay $0x3  }
0x1e1: {  	s11 =	simm.s32 $0x10900  }
0x1e2: {  	[spmem:s2] =	stream.indirect_vreg.scatter.add.f32 [tilespmem:s11], [sflag:$0x3], $0x80, v17, vm0, $0xb8;
	[tilespmem:$0x1D100] =	vst v63  }
0x1e3: {  	v17 =	vld [tilespmem:s5+$0x20];
	_ =	sdelay $0x4  }
0x1e4: {  	v17 =	vshra.s32 v17, $0x13  }
0x1e5: {  	vm3 =	vgt.s32 v16, v5;
	v17 =	vadd.s32 s1, v17  }
0x1e6: {  	v17 =	vsel vm3, v17, v0;
	_ =	sdelay $0x3  }
0x1e7: {  	s11 =	simm.s32 $0x11100  }
0x1e8: {  	[spmem:s2] =	stream.indirect_vreg.scatter.add.f32 [tilespmem:s11], [sflag:$0x3], $0x80, v17, vm0, $0xb8;
	[tilespmem:$0x1D100] =	vst v63  }
0x1e9: {  	v17 =	vld [tilespmem:s5+$0x30];
	_ =	sdelay $0x4  }
0x1ea: {  	v17 =	vshra.s32 v17, $0x13  }
0x1eb: {  	vm3 =	vgt.s32 v16, v6;
	v17 =	vadd.s32 s1, v17  }
0x1ec: {  	v17 =	vsel vm3, v17, v0;
	_ =	sdelay $0x3  }
0x1ed: {  	s11 =	simm.s32 $0x11900  }
0x1ee: {  	[spmem:s2] =	stream.indirect_vreg.scatter.add.f32 [tilespmem:s11], [sflag:$0x3], $0x80, v17, vm0, $0xb8;
	[tilespmem:$0x1D100] =	vst v63  }
0x1ef: {  	v17 =	vld [tilespmem:s5+$0x40];
	_ =	sdelay $0x4  }
0x1f0: {  	v17 =	vshra.s32 v17, $0x13  }
0x1f1: {  	vm3 =	vgt.s32 v16, v7;
	v17 =	vadd.s32 s1, v17  }
0x1f2: {  	v17 =	vsel vm3, v17, v0;
	_ =	sdelay $0x3  }
0x1f3: {  	s11 =	simm.s32 $0x12100  }
0x1f4: {  	[spmem:s2] =	stream.indirect_vreg.scatter.add.f32 [tilespmem:s11], [sflag:$0x3], $0x80, v17, vm0, $0xb8;
	[tilespmem:$0x1D100] =	vst v63  }
0x1f5: {  	v17 =	vld [tilespmem:s5+$0x50];
	_ =	sdelay $0x4  }
0x1f6: {  	v17 =	vshra.s32 v17, $0x13  }
0x1f7: {  	vm3 =	vgt.s32 v16, v8;
	v17 =	vadd.s32 s1, v17  }
0x1f8: {  	v17 =	vsel vm3, v17, v0;
	_ =	sdelay $0x3  }
0x1f9: {  	s11 =	simm.s32 $0x12900  }
0x1fa: {  	[spmem:s2] =	stream.indirect_vreg.scatter.add.f32 [tilespmem:s11], [sflag:$0x3], $0x80, v17, vm0, $0xb8;
	[tilespmem:$0x1D100] =	vst v63  }
0x1fb: {  	v17 =	vld [tilespmem:s5+$0x60];
	_ =	sdelay $0x4  }
0x1fc: {  	v17 =	vshra.s32 v17, $0x13  }
0x1fd: {  	vm3 =	vgt.s32 v16, v9;
	v17 =	vadd.s32 s1, v17  }
0x1fe: {  	v17 =	vsel vm3, v17, v0;
	_ =	sdelay $0x3  }
0x1ff: {  	s11 =	simm.s32 $0x13100  }
0x200: {  	[spmem:s2] =	stream.indirect_vreg.scatter.add.f32 [tilespmem:s11], [sflag:$0x3], $0x80, v17, vm0, $0xb8;
	[tilespmem:$0x1D100] =	vst v63  }
0x201: {  	v17 =	vld [tilespmem:s5+$0x70];
	_ =	sdelay $0x4  }
0x202: {  	v17 =	vshra.s32 v17, $0x13  }
0x203: {  	vm3 =	vgt.s32 v16, v10;
	v17 =	vadd.s32 s1, v17  }
0x204: {  	v17 =	vsel vm3, v17, v0;
	_ =	sdelay $0x3  }
0x205: {  	s11 =	simm.s32 $0x13900  }
0x206: {  	[spmem:s2] =	stream.indirect_vreg.scatter.add.f32 [tilespmem:s11], [sflag:$0x3], $0x80, v17, vm0, $0xb8;
	[tilespmem:$0x1D100] =	vst v63  }
0x207: {  	v17 =	vld [tilespmem:s5+$0x400];
	_ =	sdelay $0x4  }
0x208: {  	v17 =	vshra.s32 v17, $0x13  }
0x209: {  	vm3 =	vgt.s32 v16, v11;
	v17 =	vadd.s32 s1, v17  }
0x20a: {  	v17 =	vsel vm3, v17, v0;
	_ =	sdelay $0x3  }
0x20b: {  	s11 =	simm.s32 $0x14100  }
0x20c: {  	[spmem:s2] =	stream.indirect_vreg.scatter.add.f32 [tilespmem:s11], [sflag:$0x3], $0x80, v17, vm0, $0xb8;
	[tilespmem:$0x1D100] =	vst v63  }
0x20d: {  	v17 =	vld [tilespmem:s5+$0x410];
	_ =	sdelay $0x4  }
0x20e: {  	v17 =	vshra.s32 v17, $0x13  }
0x20f: {  	vm3 =	vgt.s32 v16, v12;
	v17 =	vadd.s32 s1, v17  }
0x210: {  	v17 =	vsel vm3, v17, v0;
	_ =	sdelay $0x3  }
0x211: {  	s11 =	simm.s32 $0x14900  }
0x212: {  	[spmem:s2] =	stream.indirect_vreg.scatter.add.f32 [tilespmem:s11], [sflag:$0x3], $0x80, v17, vm0, $0xb8;
	[tilespmem:$0x1D100] =	vst v63  }
0x213: {  	v17 =	vld [tilespmem:s5+$0x420];
	_ =	sdelay $0x4  }
0x214: {  	v17 =	vshra.s32 v17, $0x13  }
0x215: {  	vm3 =	vgt.s32 v16, v13;
	v17 =	vadd.s32 s1, v17  }
0x216: {  	v17 =	vsel vm3, v17, v0;
	_ =	sdelay $0x3  }
0x217: {  	s11 =	simm.s32 $0x15100  }
0x218: {  	[spmem:s2] =	stream.indirect_vreg.scatter.add.f32 [tilespmem:s11], [sflag:$0x3], $0x80, v17, vm0, $0xb8;
	[tilespmem:$0x1D100] =	vst v63  }
0x219: {  	v17 =	vld [tilespmem:s5+$0x430];
	_ =	sdelay $0x4  }
0x21a: {  	v17 =	vshra.s32 v17, $0x13  }
0x21b: {  	vm3 =	vgt.s32 v16, v14;
	v17 =	vadd.s32 s1, v17  }
0x21c: {  	v17 =	vsel vm3, v17, v0;
	_ =	sdelay $0x3  }
0x21d: {  	s11 =	simm.s32 $0x15900  }
0x21e: {  	[spmem:s2] =	stream.indirect_vreg.scatter.add.f32 [tilespmem:s11], [sflag:$0x3], $0x80, v17, vm0, $0xb8;
	[tilespmem:$0x1D100] =	vst v63  }
0x21f: {  	v17 =	vld [tilespmem:s5+$0x430];
	s5 =	sor.u32 $0x440, s5  }
0x220: {  	v63 =	vld.msk [tilespmem:s5+$0x0], $0xff;
	_ =	sdelay $0x4  }
0x221: {  	v17 =	vshra.s32 v17, $0x13;
	v18 =	vshra.s32 v63, $0x13  }
0x222: {  	v17 =	vadd.s32 s1, v17;
	v18 =	vadd.s32 s1, v18  }
0x223: {  	v17 =	vperm.xlane v17, v3;
	v18 =	vperm.xlane v18, v3  }
0x224: {  	vm3 =	vgt.s32 v16, v15  }
0x225: {  	vm3 =	vmand vm3, vm2;
	v16 =	vsel vm1, v17, v18  }
0x226: {  	v16 =	vsel vm3, v16, v0;
	_ =	sdelay $0x4  }
0x227: {  	[spmem:s2] =	stream.indirect_vreg.scatter.add.f32 [tilespmem:s12], [sflag:$0x3], $0x80, v16, vm0, $0xb8;
	[tilespmem:$0x1D100] =	vst v63  }
0x228: {  	_ =	swait.ge [sflag:s30], $0x800  }
0x229: {  	[sflag:s30] =	ssyncset.done $0x0  }
0x22a: {  	[sflag:s30] =	ssyncadd.s32 $0xFFFFF800  }
0x22b: {  	_ =	swait.ge [sflag:s30], $0x800  }
0x22c: {  	[sflag:s30] =	ssyncset.done $0x0  }
0x22d: {  	[sflag:s30] =	ssyncadd.s32 $0xFFFFF800  }
0x22e: {  	_ =	swait.ge [sflag:s30], $0x800  }
0x22f: {  	[sflag:s30] =	ssyncset.done $0x0  }
0x230: {  	[sflag:s30] =	ssyncadd.s32 $0xFFFFF800  }
0x231: {  	_ =	swait.ge [sflag:s30], $0x800  }
0x232: {  	[sflag:s30] =	ssyncset.done $0x0  }
0x233: {  	[sflag:s30] =	ssyncadd.s32 $0xFFFFF800  }
0x234: {  	_ =	swait.ge [sflag:s30], $0x800  }
0x235: {  	[sflag:s30] =	ssyncset.done $0x0  }
0x236: {  	[sflag:s30] =	ssyncadd.s32 $0xFFFFF800  }
0x237: {  	_ =	swait.ge [sflag:s30], $0x800  }
0x238: {  	[sflag:s30] =	ssyncset.done $0x0  }
0x239: {  	[sflag:s30] =	ssyncadd.s32 $0xFFFFF800  }
0x23a: {  	_ =	swait.ge [sflag:s30], $0x800  }
0x23b: {  	[sflag:s30] =	ssyncset.done $0x0  }
0x23c: {  	[sflag:s30] =	ssyncadd.s32 $0xFFFFF800  }
0x23d: {  	_ =	swait.ge [sflag:s30], $0x800  }
0x23e: {  	[sflag:s30] =	ssyncset.done $0x0  }
0x23f: {  	[sflag:s30] =	ssyncadd.s32 $0xFFFFF800  }
0x240: {  	_ =	swait.ge [sflag:s30], $0x800  }
0x241: {  	[sflag:s30] =	ssyncset.done $0x0  }
0x242: {  	[sflag:s30] =	ssyncadd.s32 $0xFFFFF800  }
0x243: {  	_ =	swait.ge [sflag:s30], $0x800  }
0x244: {  	[sflag:s30] =	ssyncset.done $0x0  }
0x245: {  	[sflag:s30] =	ssyncadd.s32 $0xFFFFF800  }
0x246: {  	_ =	swait.ge [sflag:s30], $0x800  }
0x247: {  	[sflag:s30] =	ssyncset.done $0x0  }
0x248: {  	[sflag:s30] =	ssyncadd.s32 $0xFFFFF800  }
0x249: {  	p0 =	seq.s32 s6, $0x3F00;
	_ =	swait.ge [sflag:s30], $0x800  }
.Ltmp5:
0x24a: {  	[sflag:s30] =	ssyncset.done $0x0;
	(pc) =	sbr.rel @p0 .LBB2_6-.Ltmp5, $4  }
0x24b: {  	[sflag:s30] =	ssyncadd.s32 $0xFFFFF800  }
0x24c: {  	_ =	swait.ge [sflag:s30], $0x800  }
0x24d: {  	[sflag:s30] =	ssyncset.done $0x0  }
0x24e: {  	[sflag:s30] =	ssyncadd.s32 $0xFFFFF800  }
0x24f: {  	s5 =	sadd.s32 $0x200, s28;
	s11 =	sadd.s32 $0x100, s6  }
0x250: {  	s5 =	sand.u32 $0xF800, s5;
	s11 =	sand.u32 $0x300, s11  }
0x251: {  	s5 =	sor.u32 s11, s5  }
0x252: {  	v16 =	vld [tilespmem:s5+$0x0];
	_ =	sdelay $0x4  }
0x253: {  	v16 =	vand.u32 $0x7FFFF, v16;
	_ =	sdelay $0x4  }
0x254: {  	[tilespmem:s29], [sflag:$0x1] =	stream.indirect_vreg.gather [hbm4b:s4+s3], $0x80, v16, vm0, $0xb8;
	[tilespmem:$0x1D100] =	vst v63  }
0x255: {  	v16 =	vld [tilespmem:s5+$0x10];
	_ =	sdelay $0x4  }
0x256: {  	v16 =	vand.u32 $0x7FFFF, v16;
	_ =	sdelay $0x3  }
0x257: {  	s11 =	simm.s32 $0x10900  }
0x258: {  	[tilespmem:s11], [sflag:$0x1] =	stream.indirect_vreg.gather [hbm4b:s4+s3], $0x80, v16, vm0, $0xb8;
	[tilespmem:$0x1D100] =	vst v63  }
0x259: {  	v16 =	vld [tilespmem:s5+$0x20];
	_ =	sdelay $0x4  }
0x25a: {  	v16 =	vand.u32 $0x7FFFF, v16;
	_ =	sdelay $0x3  }
0x25b: {  	s11 =	simm.s32 $0x11100  }
0x25c: {  	[tilespmem:s11], [sflag:$0x1] =	stream.indirect_vreg.gather [hbm4b:s4+s3], $0x80, v16, vm0, $0xb8;
	[tilespmem:$0x1D100] =	vst v63  }
0x25d: {  	v16 =	vld [tilespmem:s5+$0x30];
	_ =	sdelay $0x4  }
0x25e: {  	v16 =	vand.u32 $0x7FFFF, v16;
	_ =	sdelay $0x3  }
0x25f: {  	s11 =	simm.s32 $0x11900  }
0x260: {  	[tilespmem:s11], [sflag:$0x1] =	stream.indirect_vreg.gather [hbm4b:s4+s3], $0x80, v16, vm0, $0xb8;
	[tilespmem:$0x1D100] =	vst v63  }
0x261: {  	v16 =	vld [tilespmem:s5+$0x40];
	_ =	sdelay $0x4  }
0x262: {  	v16 =	vand.u32 $0x7FFFF, v16;
	_ =	sdelay $0x3  }
0x263: {  	s11 =	simm.s32 $0x12100  }
0x264: {  	[tilespmem:s11], [sflag:$0x1] =	stream.indirect_vreg.gather [hbm4b:s4+s3], $0x80, v16, vm0, $0xb8;
	[tilespmem:$0x1D100] =	vst v63  }
0x265: {  	v16 =	vld [tilespmem:s5+$0x50];
	_ =	sdelay $0x4  }
0x266: {  	v16 =	vand.u32 $0x7FFFF, v16;
	_ =	sdelay $0x3  }
0x267: {  	s11 =	simm.s32 $0x12900  }
0x268: {  	[tilespmem:s11], [sflag:$0x1] =	stream.indirect_vreg.gather [hbm4b:s4+s3], $0x80, v16, vm0, $0xb8;
	[tilespmem:$0x1D100] =	vst v63  }
0x269: {  	v16 =	vld [tilespmem:s5+$0x60];
	_ =	sdelay $0x4  }
0x26a: {  	v16 =	vand.u32 $0x7FFFF, v16;
	_ =	sdelay $0x3  }
0x26b: {  	s11 =	simm.s32 $0x13100  }
0x26c: {  	[tilespmem:s11], [sflag:$0x1] =	stream.indirect_vreg.gather [hbm4b:s4+s3], $0x80, v16, vm0, $0xb8;
	[tilespmem:$0x1D100] =	vst v63  }
0x26d: {  	v16 =	vld [tilespmem:s5+$0x70];
	_ =	sdelay $0x4  }
0x26e: {  	v16 =	vand.u32 $0x7FFFF, v16;
	_ =	sdelay $0x3  }
0x26f: {  	s11 =	simm.s32 $0x13900  }
0x270: {  	[tilespmem:s11], [sflag:$0x1] =	stream.indirect_vreg.gather [hbm4b:s4+s3], $0x80, v16, vm0, $0xb8;
	[tilespmem:$0x1D100] =	vst v63  }
0x271: {  	v16 =	vld [tilespmem:s5+$0x400];
	_ =	sdelay $0x4  }
0x272: {  	v16 =	vand.u32 $0x7FFFF, v16;
	_ =	sdelay $0x3  }
0x273: {  	s11 =	simm.s32 $0x14100  }
0x274: {  	[tilespmem:s11], [sflag:$0x1] =	stream.indirect_vreg.gather [hbm4b:s4+s3], $0x80, v16, vm0, $0xb8;
	[tilespmem:$0x1D100] =	vst v63  }
0x275: {  	v16 =	vld [tilespmem:s5+$0x410];
	_ =	sdelay $0x4  }
0x276: {  	v16 =	vand.u32 $0x7FFFF, v16;
	_ =	sdelay $0x3  }
0x277: {  	s11 =	simm.s32 $0x14900  }
0x278: {  	[tilespmem:s11], [sflag:$0x1] =	stream.indirect_vreg.gather [hbm4b:s4+s3], $0x80, v16, vm0, $0xb8;
	[tilespmem:$0x1D100] =	vst v63  }
0x279: {  	v16 =	vld [tilespmem:s5+$0x420];
	_ =	sdelay $0x4  }
0x27a: {  	v16 =	vand.u32 $0x7FFFF, v16;
	_ =	sdelay $0x3  }
0x27b: {  	s11 =	simm.s32 $0x15100  }
0x27c: {  	[tilespmem:s11], [sflag:$0x1] =	stream.indirect_vreg.gather [hbm4b:s4+s3], $0x80, v16, vm0, $0xb8;
	[tilespmem:$0x1D100] =	vst v63  }
0x27d: {  	v16 =	vld [tilespmem:s5+$0x430];
	_ =	sdelay $0x4  }
0x27e: {  	v16 =	vand.u32 $0x7FFFF, v16;
	_ =	sdelay $0x3  }
0x27f: {  	s11 =	simm.s32 $0x15900  }
0x280: {  	[tilespmem:s11], [sflag:$0x1] =	stream.indirect_vreg.gather [hbm4b:s4+s3], $0x80, v16, vm0, $0xb8;
	[tilespmem:$0x1D100] =	vst v63  }
0x281: {  	v16 =	vld [tilespmem:s5+$0x430];
	s5 =	sor.u32 $0x440, s5  }
0x282: {  	v17 =	vld.msk [tilespmem:s5+$0x0], $0xff;
	_ =	sdelay $0x4  }
0x283: {  	v16 =	vand.u32 $0x7FFFF, v16;
	v17 =	vand.u32 $0x7FFFF, v17  }
0x284: {  	v16 =	vperm.xlane v16, v3;
	v17 =	vperm.xlane v17, v3;
	_ =	sdelay $0x1  }
0x285: {  	v16 =	vsel vm1, v16, v17  }
.Ltmp6:
0x286: {  	_ = 	snop;
	(pc) =	sbr.rel .LBB2_6-.Ltmp6, $2  }
0x287: {  	_ =	sdelay $0x2  }
0x288: {  	[tilespmem:s12], [sflag:$0x1] =	stream.indirect_vreg.gather [hbm4b:s4+s3], $0x80, v16, vm0, $0xb8;
	[tilespmem:$0x1D100] =	vst v63  }
.LBB2_8:
0x289: {  	_ =	sfence.sel $0x180000  }
0x28a: {  	[bflag:$0x0] =	sbarrier.arrive $0xFFFF  }
0x28b: {  	_ =	strace $0x90000047  }
0x28c: {  	s0 =	stileid.u32;
	[bflag:$0x2] =	sbarrier.arrive $0xFFFF  }
0x28d: {  	p0 =	sne.s32 s0, $0x0;
	s0 =	rddreg [dreg:$0x3]  }
0x28e: {  	s0 =	sadd.s32 @!p0 $0x100000, s0  }
0x28f: {  	[sflag:s0] =	ssyncadd.tile.s32 @!p0 $0x1;
	_ =	shalt  }
.Lfunc_end2:
_tile_overlayer_lowered:
.L_overlay_start_2:
0x290: {  	(tag) =	ssettag $0x2  }
0x291: {  	s0 =	rddreg [dreg:$0x0];
	s2 =	stileid.u32  }
0x292: {  	s1 =	rddreg [dreg:$0x1];
	p0 =	sne.s32 s2, $0x0  }
0x293: {  	s3 =	rddreg [dreg:$0x2];
	[bflag:$0x3] =	sbarrier.arrive $0xFFFF;
	s2 =	simm.s32 @!p0 $0x1C05  }
0x294: {  	[timem:s3], [sflag:s2] =	dma.local @!p0 [hbm:s0], s1  }
0x295: {  	s0 =	simm.s32 @!p0 $0x5  }
0x296: {  	_ =	swait.ge @!p0 [sflag:s0], s1  }
0x297: {  	s1 =	ssub.s32 @!p0 $0x0, s1;
	[sflag:s0] =	ssyncset.done @!p0 $0x0  }
0x298: {  	[sflag:s0] =	ssyncadd.s32 @!p0 s1  }
0x299: {  	[bflag:$0x3] =	sbarrier.arrive $0xFFFF  }
0x29a: {  	_ =	shalt  }

</sc_bundles>
